<compile_context>
chip_gen: v7x
topology: tpu7x:2x2x1
jax: 0.10.2.dev20260603
libtpu: 0.0.44.dev20260713+nightly
codegen_flags: <defaults>
</compile_context>

<pallas_src>
import functools

import jax
import jax.numpy as jnp
from jax import lax
from jax.experimental import pallas as pl
from jax.experimental.pallas import tpu as pltpu
from jax.experimental.pallas import tpu_sc as plsc

EMBED = 64
BATCH = 16384
LABELS = 50
VOCAB = 1000000

NC, NS = 2, 16
NW = NC * NS
BB = 128
NB = BATCH // BB
BPW = NB // NW
LANES = 16
NBUF = 3

TCB = 4096
TCGRID = (VOCAB + TCB - 1) // TCB


def _tc_repack(wt):

    def body(x_ref, o_ref):
        ident = (lax.broadcasted_iota(jnp.int32, (EMBED, EMBED), 0) ==
                 lax.broadcasted_iota(jnp.int32, (EMBED, EMBED), 1)
                 ).astype(jnp.float32)
        o_ref[:, 0:EMBED] = jax.lax.dot_general(
            x_ref[...], ident, (((0,), (0,)), ((), ())),
            preferred_element_type=jnp.float32)

    return pl.pallas_call(
        body,
        grid=(TCGRID,),
        in_specs=[pl.BlockSpec((EMBED, TCB), lambda i: (0, i))],
        out_specs=pl.BlockSpec((TCB, 2 * EMBED), lambda i: (i, 0)),
        out_shape=jax.ShapeDtypeStruct((VOCAB, 2 * EMBED), jnp.float32),
    )(wt)


def _sc_embed_sum(p_tab, idx_t):
    mesh = plsc.VectorSubcoreMesh(core_axis_name="c", subcore_axis_name="s")

    @functools.partial(
        pl.kernel,
        out_type=jax.ShapeDtypeStruct((BATCH // 2, 2 * EMBED), jnp.float32),
        mesh=mesh,
        compiler_params=pltpu.CompilerParams(use_tc_tiling_on_sc=True),
        scratch_types=[
            pltpu.VMEM((LABELS, BB), jnp.int32),
            pltpu.VMEM((BB // 2, 2 * EMBED), jnp.float32),
            pltpu.VMEM((BB, 2 * EMBED), jnp.float32),
            pltpu.VMEM((BB, 2 * EMBED), jnp.float32),
            pltpu.VMEM((BB, 2 * EMBED), jnp.float32),
            pltpu.SemaphoreType.DMA,
            pltpu.SemaphoreType.DMA,
            pltpu.SemaphoreType.DMA,
        ],
    )
    def k(p_hbm, idx_hbm, out_hbm, idx_v, acc,
          buf0, buf1, buf2, sem0, sem1, sem2):
        wid = lax.axis_index("s") * NC + lax.axis_index("c")
        bufs = (buf0, buf1, buf2)
        sems = (sem0, sem1, sem2)
        zero = jnp.zeros((LANES,), jnp.float32)

        def gather_start(l, b):
            pltpu.make_async_copy(
                p_hbm.at[idx_v.at[l]], bufs[b], sems[b]).start()

        def gather_wait(b):
            pltpu.make_async_copy(
                p_hbm.at[idx_v.at[0]], bufs[b], sems[b]).wait()

        def accum(b):
            buf = bufs[b]

            def qbody(i, _):
                for qq in range(2):
                    q = i * 2 + qq
                    for kk in range(2):
                        r = q * 2 + kk
                        for c in range(EMBED // LANES):
                            sl = pl.ds(c * LANES, LANES)
                            dsl = pl.ds(kk * EMBED + c * LANES, LANES)
                            plsc.addupdate(acc.at[q, dsl], buf[r, sl])
                return 0

            lax.fori_loop(0, BB // 4, qbody, 0)

        def block_body(kblk, _):
            jb = wid * BPW + kblk
            b0 = jb * BB
            pltpu.sync_copy(idx_hbm.at[:, pl.ds(b0, BB)], idx_v)

            def zbody(i, _):
                for qq in range(4):
                    q = i * 4 + qq
                    for c in range(2 * EMBED // LANES):
                        acc[q, pl.ds(c * LANES, LANES)] = zero
                return 0

            lax.fori_loop(0, BB // 8, zbody, 0)

            for b in range(NBUF):
                gather_start(b, b)

            def tri_body(i, _):
                for b in range(NBUF):
                    l = NBUF * i + b
                    gather_wait(b)
                    accum(b)
                    gather_start(l + NBUF, b)
                return 0

            lax.fori_loop(0, 15, tri_body, 0)

            for b, l in ((0, 45), (1, 46), (2, 47), (0, 48), (1, 49)):
                gather_wait(b)
                accum(b)
                if l + NBUF <= LABELS - 1:
                    gather_start(l + NBUF, b)

            pltpu.sync_copy(acc, out_hbm.at[pl.ds(jb * (BB // 2), BB // 2)])
            return 0

        lax.fori_loop(0, BPW, block_body, 0)

    return k(p_tab, idx_t)


def kernel(inputs, weight):
    wt = weight.T
    p_tab = _tc_repack(wt)
    idx_t = inputs.astype(jnp.int32).T
    out2 = _sc_embed_sum(p_tab, idx_t)
    return out2.reshape(BATCH, EMBED)

# --- scband reference (transcript-rebuilt; emitter-appended) ---
"""Pipeline reference for scband-multi-label-embedding-26053271617821 (READ-ONLY COPY).

The authoritative reference and input builder live on the scoring server;
editing this copy changes nothing except your own understanding.
"""

import jax, jax.numpy as jnp
import numpy as np

VOCAB = 1000000
EMBED = 64
BATCH = 16384
LABELS = 50

def setup_inputs(seed: int = 0) -> dict:
    key = jax.random.key(seed)
    k_idx, k_w = jax.random.split(key)
    inputs = jax.random.randint(k_idx, (BATCH, LABELS), 0, VOCAB, dtype=jnp.int64 if jax.config.jax_enable_x64 else jnp.int32)
    weight = jax.random.normal(k_w, (VOCAB, EMBED), dtype=jnp.float32) * 0.2745960056781769
    return {"inputs": inputs, "weight": weight}

def reference(inputs, weight):
    # h = weight[inputs]; h = h.sum(axis=-2)
    h = jnp.take(weight, inputs, axis=0)  # [B, L, E]
    h = h.sum(axis=-2)                     # [B, E]
    return h

if __name__ == "__main__":
    import jax
    _d = setup_inputs()
    print(jax.jit(kernel)(*tuple(_d.values())))

</pallas_src>

<mosaic_0001>
#map = affine_map<(d0, d1) -> (0, 0)>
module attributes {stable_mosaic.version = 14 : i64} {
  func.func @k(%arg0: i32, %arg1: i32, %arg2: memref<1000000x128xf32, #tpu.memory_space<hbm>>, %arg3: memref<50x16384xi32, #tpu.memory_space<hbm>>, %arg4: memref<8192x128xf32, #tpu.memory_space<hbm>>, %arg5: memref<50x128xi32, #tpu.memory_space<vmem>>, %arg6: memref<64x128xf32, #tpu.memory_space<vmem>>, %arg7: memref<128x128xf32, #tpu.memory_space<vmem>>, %arg8: memref<128x128xf32, #tpu.memory_space<vmem>>, %arg9: memref<128x128xf32, #tpu.memory_space<vmem>>, %arg10: memref<!tpu.dma_semaphore, #tpu.memory_space<semaphore_mem>>, %arg11: memref<!tpu.dma_semaphore, #tpu.memory_space<semaphore_mem>>, %arg12: memref<!tpu.dma_semaphore, #tpu.memory_space<semaphore_mem>>) attributes {dimension_semantics = [#tpu.dimension_semantics<core_parallel>, #tpu.dimension_semantics<subcore_parallel>], iteration_bounds = array<i64: 2, 16>, scalar_prefetch = 0 : i64, scratch_operands = 8 : i64, tpu.core_type = #tpu.core_type<sc_vector_subcore>, window_params = [{transform_indices = #map}, {transform_indices = #map}, {transform_indices = #map}]} {
    %mul3A = arith.constant 2 : i32
    %mul3A_0 = arith.muli %arg1, %mul3A : i32
    %add3A = arith.addi %mul3A_0, %arg0 : i32
    %broadcast_in_dim3A = arith.constant 0.000000e+00 : f32
    %broadcast_in_dim3A_1 = vector.broadcast %broadcast_in_dim3A : f32 to vector<16xf32>
    %scan3A = arith.constant 0 : i32
    %scan3A_2 = arith.constant 0 : i32
    %scan3A_3 = arith.constant 4 : i32
    %scan3A_4 = arith.addi %scan3A_2, %scan3A_3 : i32
    %scan3A_5 = arith.constant 1 : i32
    %scan3A_6 = scf.for %scan3A_8 = %scan3A_2 to %scan3A_4 step %scan3A_5 iter_args(%scan3A_9 = %scan3A) -> (i32)  : i32 {
      %mul3A_10 = arith.constant 4 : i32
      %mul3A_11 = arith.muli %add3A, %mul3A_10 : i32
      %add3A_12 = arith.addi %mul3A_11, %scan3A_8 : i32
      %mul3A_13 = arith.constant 128 : i32
      %mul3A_14 = arith.muli %add3A_12, %mul3A_13 : i32
      "tpu.region"() ({
        %run_scoped3A = tpu.sem_alloc : memref<!tpu.dma_semaphore, #tpu.memory_space<semaphore_mem>>
        %dma_start3A_135 = arith.constant 0 : i32
        %dma_start3A_136 = tpu.memref_slice %arg3[%dma_start3A_135, %mul3A_14] : memref<50x16384xi32, #tpu.memory_space<hbm>> -> memref<50x128xi32, #tpu.memory_space<hbm>>
        %dma_start3A_137 = arith.constant 0 : i32
        %dma_start3A_138 = tpu.memref_slice %arg3[%dma_start3A_137, %mul3A_14] : memref<50x16384xi32, #tpu.memory_space<hbm>> -> memref<50x128xi32, #tpu.memory_space<hbm>>
        tpu.enqueue_dma source(%dma_start3A_138 : memref<50x128xi32, #tpu.memory_space<hbm>>) target(%arg5 : memref<50x128xi32, #tpu.memory_space<vmem>>) target_semaphore(%run_scoped3A : memref<!tpu.dma_semaphore, #tpu.memory_space<semaphore_mem>>)
        %dma_wait3A_139 = arith.constant 0 : i32
        %dma_wait3A_140 = tpu.memref_slice %arg3[%dma_wait3A_139, %mul3A_14] : memref<50x16384xi32, #tpu.memory_space<hbm>> -> memref<50x128xi32, #tpu.memory_space<hbm>>
        %dma_wait3A_141 = arith.constant 0 : i32
        %dma_wait3A_142 = tpu.memref_slice %arg3[%dma_wait3A_141, %mul3A_14] : memref<50x16384xi32, #tpu.memory_space<hbm>> -> memref<50x128xi32, #tpu.memory_space<hbm>>
        tpu.wait_dma2 semaphore(%run_scoped3A : memref<!tpu.dma_semaphore, #tpu.memory_space<semaphore_mem>>) src(%dma_wait3A_142 : memref<50x128xi32, #tpu.memory_space<hbm>>) dst(%arg5 : memref<50x128xi32, #tpu.memory_space<vmem>>)
        tpu.yield
      }) : () -> ()
      %scan3A_15 = arith.constant 0 : i32
      %scan3A_16 = arith.constant 0 : i32
      %scan3A_17 = arith.constant 16 : i32
      %scan3A_18 = arith.addi %scan3A_16, %scan3A_17 : i32
      %scan3A_19 = arith.constant 1 : i32
      %scan3A_20 = scf.for %scan3A_135 = %scan3A_16 to %scan3A_18 step %scan3A_19 iter_args(%scan3A_136 = %scan3A_15) -> (i32)  : i32 {
        %mul3A_137 = arith.constant 4 : i32
        %mul3A_138 = arith.muli %scan3A_135, %mul3A_137 : i32
        %add3A_139 = arith.constant 0 : i32
        %add3A_140 = arith.addi %mul3A_138, %add3A_139 : i32
        %swap3A = arith.index_cast %add3A_140 : i32 to index
        %swap3A_141 = arith.constant 0 : index
        %swap3A_142 = tpu.vector_load %arg6[%swap3A, %swap3A_141] {strides = array<i32>} : memref<64x128xf32, #tpu.memory_space<vmem>>, vector<1x16xf32>,
        %swap3A_143 = vector.shape_cast %swap3A_142 : vector<1x16xf32> to vector<16xf32>
        %swap3A_144 = vector.shape_cast %broadcast_in_dim3A_1 : vector<16xf32> to vector<1x16xf32>
        tpu.vector_store %arg6[%swap3A, %swap3A_141], %swap3A_144 {strides = array<i32>} : memref<64x128xf32, #tpu.memory_space<vmem>>, vector<1x16xf32>,
        %swap3A_145 = arith.index_cast %add3A_140 : i32 to index
        %swap3A_146 = arith.constant 16 : index
        %swap3A_147 = tpu.vector_load %arg6[%swap3A_145, %swap3A_146] {strides = array<i32>} : memref<64x128xf32, #tpu.memory_space<vmem>>, vector<1x16xf32>,
        %swap3A_148 = vector.shape_cast %swap3A_147 : vector<1x16xf32> to vector<16xf32>
        %swap3A_149 = vector.shape_cast %broadcast_in_dim3A_1 : vector<16xf32> to vector<1x16xf32>
        tpu.vector_store %arg6[%swap3A_145, %swap3A_146], %swap3A_149 {strides = array<i32>} : memref<64x128xf32, #tpu.memory_space<vmem>>, vector<1x16xf32>,
        %swap3A_150 = arith.index_cast %add3A_140 : i32 to index
        %swap3A_151 = arith.constant 32 : index
        %swap3A_152 = tpu.vector_load %arg6[%swap3A_150, %swap3A_151] {strides = array<i32>} : memref<64x128xf32, #tpu.memory_space<vmem>>, vector<1x16xf32>,
        %swap3A_153 = vector.shape_cast %swap3A_152 : vector<1x16xf32> to vector<16xf32>
        %swap3A_154 = vector.shape_cast %broadcast_in_dim3A_1 : vector<16xf32> to vector<1x16xf32>
        tpu.vector_store %arg6[%swap3A_150, %swap3A_151], %swap3A_154 {strides = array<i32>} : memref<64x128xf32, #tpu.memory_space<vmem>>, vector<1x16xf32>,
        %swap3A_155 = arith.index_cast %add3A_140 : i32 to index
        %swap3A_156 = arith.constant 48 : index
        %swap3A_157 = tpu.vector_load %arg6[%swap3A_155, %swap3A_156] {strides = array<i32>} : memref<64x128xf32, #tpu.memory_space<vmem>>, vector<1x16xf32>,
        %swap3A_158 = vector.shape_cast %swap3A_157 : vector<1x16xf32> to vector<16xf32>
        %swap3A_159 = vector.shape_cast %broadcast_in_dim3A_1 : vector<16xf32> to vector<1x16xf32>
        tpu.vector_store %arg6[%swap3A_155, %swap3A_156], %swap3A_159 {strides = array<i32>} : memref<64x128xf32, #tpu.memory_space<vmem>>, vector<1x16xf32>,
        %swap3A_160 = arith.index_cast %add3A_140 : i32 to index
        %swap3A_161 = arith.constant 64 : index
        %swap3A_162 = tpu.vector_load %arg6[%swap3A_160, %swap3A_161] {strides = array<i32>} : memref<64x128xf32, #tpu.memory_space<vmem>>, vector<1x16xf32>,
        %swap3A_163 = vector.shape_cast %swap3A_162 : vector<1x16xf32> to vector<16xf32>
        %swap3A_164 = vector.shape_cast %broadcast_in_dim3A_1 : vector<16xf32> to vector<1x16xf32>
        tpu.vector_store %arg6[%swap3A_160, %swap3A_161], %swap3A_164 {strides = array<i32>} : memref<64x128xf32, #tpu.memory_space<vmem>>, vector<1x16xf32>,
        %swap3A_165 = arith.index_cast %add3A_140 : i32 to index
        %swap3A_166 = arith.constant 80 : index
        %swap3A_167 = tpu.vector_load %arg6[%swap3A_165, %swap3A_166] {strides = array<i32>} : memref<64x128xf32, #tpu.memory_space<vmem>>, vector<1x16xf32>,
        %swap3A_168 = vector.shape_cast %swap3A_167 : vector<1x16xf32> to vector<16xf32>
        %swap3A_169 = vector.shape_cast %broadcast_in_dim3A_1 : vector<16xf32> to vector<1x16xf32>
        tpu.vector_store %arg6[%swap3A_165, %swap3A_166], %swap3A_169 {strides = array<i32>} : memref<64x128xf32, #tpu.memory_space<vmem>>, vector<1x16xf32>,
        %swap3A_170 = arith.index_cast %add3A_140 : i32 to index
        %swap3A_171 = arith.constant 96 : index
        %swap3A_172 = tpu.vector_load %arg6[%swap3A_170, %swap3A_171] {strides = array<i32>} : memref<64x128xf32, #tpu.memory_space<vmem>>, vector<1x16xf32>,
        %swap3A_173 = vector.shape_cast %swap3A_172 : vector<1x16xf32> to vector<16xf32>
        %swap3A_174 = vector.shape_cast %broadcast_in_dim3A_1 : vector<16xf32> to vector<1x16xf32>
        tpu.vector_store %arg6[%swap3A_170, %swap3A_171], %swap3A_174 {strides = array<i32>} : memref<64x128xf32, #tpu.memory_space<vmem>>, vector<1x16xf32>,
        %swap3A_175 = arith.index_cast %add3A_140 : i32 to index
        %swap3A_176 = arith.constant 112 : index
        %swap3A_177 = tpu.vector_load %arg6[%swap3A_175, %swap3A_176] {strides = array<i32>} : memref<64x128xf32, #tpu.memory_space<vmem>>, vector<1x16xf32>,
        %swap3A_178 = vector.shape_cast %swap3A_177 : vector<1x16xf32> to vector<16xf32>
        %swap3A_179 = vector.shape_cast %broadcast_in_dim3A_1 : vector<16xf32> to vector<1x16xf32>
        tpu.vector_store %arg6[%swap3A_175, %swap3A_176], %swap3A_179 {strides = array<i32>} : memref<64x128xf32, #tpu.memory_space<vmem>>, vector<1x16xf32>,
        %mul3A_180 = arith.constant 4 : i32
        %mul3A_181 = arith.muli %scan3A_135, %mul3A_180 : i32
        %add3A_182 = arith.constant 1 : i32
        %add3A_183 = arith.addi %mul3A_181, %add3A_182 : i32
        %swap3A_184 = arith.index_cast %add3A_183 : i32 to index
        %swap3A_185 = arith.constant 0 : index
        %swap3A_186 = tpu.vector_load %arg6[%swap3A_184, %swap3A_185] {strides = array<i32>} : memref<64x128xf32, #tpu.memory_space<vmem>>, vector<1x16xf32>,
        %swap3A_187 = vector.shape_cast %swap3A_186 : vector<1x16xf32> to vector<16xf32>
        %swap3A_188 = vector.shape_cast %broadcast_in_dim3A_1 : vector<16xf32> to vector<1x16xf32>
        tpu.vector_store %arg6[%swap3A_184, %swap3A_185], %swap3A_188 {strides = array<i32>} : memref<64x128xf32, #tpu.memory_space<vmem>>, vector<1x16xf32>,
        %swap3A_189 = arith.index_cast %add3A_183 : i32 to index
        %swap3A_190 = arith.constant 16 : index
        %swap3A_191 = tpu.vector_load %arg6[%swap3A_189, %swap3A_190] {strides = array<i32>} : memref<64x128xf32, #tpu.memory_space<vmem>>, vector<1x16xf32>,
        %swap3A_192 = vector.shape_cast %swap3A_191 : vector<1x16xf32> to vector<16xf32>
        %swap3A_193 = vector.shape_cast %broadcast_in_dim3A_1 : vector<16xf32> to vector<1x16xf32>
        tpu.vector_store %arg6[%swap3A_189, %swap3A_190], %swap3A_193 {strides = array<i32>} : memref<64x128xf32, #tpu.memory_space<vmem>>, vector<1x16xf32>,
        %swap3A_194 = arith.index_cast %add3A_183 : i32 to index
        %swap3A_195 = arith.constant 32 : index
        %swap3A_196 = tpu.vector_load %arg6[%swap3A_194, %swap3A_195] {strides = array<i32>} : memref<64x128xf32, #tpu.memory_space<vmem>>, vector<1x16xf32>,
        %swap3A_197 = vector.shape_cast %swap3A_196 : vector<1x16xf32> to vector<16xf32>
        %swap3A_198 = vector.shape_cast %broadcast_in_dim3A_1 : vector<16xf32> to vector<1x16xf32>
        tpu.vector_store %arg6[%swap3A_194, %swap3A_195], %swap3A_198 {strides = array<i32>} : memref<64x128xf32, #tpu.memory_space<vmem>>, vector<1x16xf32>,
        %swap3A_199 = arith.index_cast %add3A_183 : i32 to index
        %swap3A_200 = arith.constant 48 : index
        %swap3A_201 = tpu.vector_load %arg6[%swap3A_199, %swap3A_200] {strides = array<i32>} : memref<64x128xf32, #tpu.memory_space<vmem>>, vector<1x16xf32>,
        %swap3A_202 = vector.shape_cast %swap3A_201 : vector<1x16xf32> to vector<16xf32>
        %swap3A_203 = vector.shape_cast %broadcast_in_dim3A_1 : vector<16xf32> to vector<1x16xf32>
        tpu.vector_store %arg6[%swap3A_199, %swap3A_200], %swap3A_203 {strides = array<i32>} : memref<64x128xf32, #tpu.memory_space<vmem>>, vector<1x16xf32>,
        %swap3A_204 = arith.index_cast %add3A_183 : i32 to index
        %swap3A_205 = arith.constant 64 : index
        %swap3A_206 = tpu.vector_load %arg6[%swap3A_204, %swap3A_205] {strides = array<i32>} : memref<64x128xf32, #tpu.memory_space<vmem>>, vector<1x16xf32>,
        %swap3A_207 = vector.shape_cast %swap3A_206 : vector<1x16xf32> to vector<16xf32>
        %swap3A_208 = vector.shape_cast %broadcast_in_dim3A_1 : vector<16xf32> to vector<1x16xf32>
        tpu.vector_store %arg6[%swap3A_204, %swap3A_205], %swap3A_208 {strides = array<i32>} : memref<64x128xf32, #tpu.memory_space<vmem>>, vector<1x16xf32>,
        %swap3A_209 = arith.index_cast %add3A_183 : i32 to index
        %swap3A_210 = arith.constant 80 : index
        %swap3A_211 = tpu.vector_load %arg6[%swap3A_209, %swap3A_210] {strides = array<i32>} : memref<64x128xf32, #tpu.memory_space<vmem>>, vector<1x16xf32>,
        %swap3A_212 = vector.shape_cast %swap3A_211 : vector<1x16xf32> to vector<16xf32>
        %swap3A_213 = vector.shape_cast %broadcast_in_dim3A_1 : vector<16xf32> to vector<1x16xf32>
        tpu.vector_store %arg6[%swap3A_209, %swap3A_210], %swap3A_213 {strides = array<i32>} : memref<64x128xf32, #tpu.memory_space<vmem>>, vector<1x16xf32>,
        %swap3A_214 = arith.index_cast %add3A_183 : i32 to index
        %swap3A_215 = arith.constant 96 : index
        %swap3A_216 = tpu.vector_load %arg6[%swap3A_214, %swap3A_215] {strides = array<i32>} : memref<64x128xf32, #tpu.memory_space<vmem>>, vector<1x16xf32>,
        %swap3A_217 = vector.shape_cast %swap3A_216 : vector<1x16xf32> to vector<16xf32>
        %swap3A_218 = vector.shape_cast %broadcast_in_dim3A_1 : vector<16xf32> to vector<1x16xf32>
        tpu.vector_store %arg6[%swap3A_214, %swap3A_215], %swap3A_218 {strides = array<i32>} : memref<64x128xf32, #tpu.memory_space<vmem>>, vector<1x16xf32>,
        %swap3A_219 = arith.index_cast %add3A_183 : i32 to index
        %swap3A_220 = arith.constant 112 : index
        %swap3A_221 = tpu.vector_load %arg6[%swap3A_219, %swap3A_220] {strides = array<i32>} : memref<64x128xf32, #tpu.memory_space<vmem>>, vector<1x16xf32>,
        %swap3A_222 = vector.shape_cast %swap3A_221 : vector<1x16xf32> to vector<16xf32>
        %swap3A_223 = vector.shape_cast %broadcast_in_dim3A_1 : vector<16xf32> to vector<1x16xf32>
        tpu.vector_store %arg6[%swap3A_219, %swap3A_220], %swap3A_223 {strides = array<i32>} : memref<64x128xf32, #tpu.memory_space<vmem>>, vector<1x16xf32>,
        %mul3A_224 = arith.constant 4 : i32
        %mul3A_225 = arith.muli %scan3A_135, %mul3A_224 : i32
        %add3A_226 = arith.constant 2 : i32
        %add3A_227 = arith.addi %mul3A_225, %add3A_226 : i32
        %swap3A_228 = arith.index_cast %add3A_227 : i32 to index
        %swap3A_229 = arith.constant 0 : index
        %swap3A_230 = tpu.vector_load %arg6[%swap3A_228, %swap3A_229] {strides = array<i32>} : memref<64x128xf32, #tpu.memory_space<vmem>>, vector<1x16xf32>,
        %swap3A_231 = vector.shape_cast %swap3A_230 : vector<1x16xf32> to vector<16xf32>
        %swap3A_232 = vector.shape_cast %broadcast_in_dim3A_1 : vector<16xf32> to vector<1x16xf32>
        tpu.vector_store %arg6[%swap3A_228, %swap3A_229], %swap3A_232 {strides = array<i32>} : memref<64x128xf32, #tpu.memory_space<vmem>>, vector<1x16xf32>,
        %swap3A_233 = arith.index_cast %add3A_227 : i32 to index
        %swap3A_234 = arith.constant 16 : index
        %swap3A_235 = tpu.vector_load %arg6[%swap3A_233, %swap3A_234] {strides = array<i32>} : memref<64x128xf32, #tpu.memory_space<vmem>>, vector<1x16xf32>,
        %swap3A_236 = vector.shape_cast %swap3A_235 : vector<1x16xf32> to vector<16xf32>
        %swap3A_237 = vector.shape_cast %broadcast_in_dim3A_1 : vector<16xf32> to vector<1x16xf32>
        tpu.vector_store %arg6[%swap3A_233, %swap3A_234], %swap3A_237 {strides = array<i32>} : memref<64x128xf32, #tpu.memory_space<vmem>>, vector<1x16xf32>,
        %swap3A_238 = arith.index_cast %add3A_227 : i32 to index
        %swap3A_239 = arith.constant 32 : index
        %swap3A_240 = tpu.vector_load %arg6[%swap3A_238, %swap3A_239] {strides = array<i32>} : memref<64x128xf32, #tpu.memory_space<vmem>>, vector<1x16xf32>,
        %swap3A_241 = vector.shape_cast %swap3A_240 : vector<1x16xf32> to vector<16xf32>
        %swap3A_242 = vector.shape_cast %broadcast_in_dim3A_1 : vector<16xf32> to vector<1x16xf32>
        tpu.vector_store %arg6[%swap3A_238, %swap3A_239], %swap3A_242 {strides = array<i32>} : memref<64x128xf32, #tpu.memory_space<vmem>>, vector<1x16xf32>,
        %swap3A_243 = arith.index_cast %add3A_227 : i32 to index
        %swap3A_244 = arith.constant 48 : index
        %swap3A_245 = tpu.vector_load %arg6[%swap3A_243, %swap3A_244] {strides = array<i32>} : memref<64x128xf32, #tpu.memory_space<vmem>>, vector<1x16xf32>,
        %swap3A_246 = vector.shape_cast %swap3A_245 : vector<1x16xf32> to vector<16xf32>
        %swap3A_247 = vector.shape_cast %broadcast_in_dim3A_1 : vector<16xf32> to vector<1x16xf32>
        tpu.vector_store %arg6[%swap3A_243, %swap3A_244], %swap3A_247 {strides = array<i32>} : memref<64x128xf32, #tpu.memory_space<vmem>>, vector<1x16xf32>,
        %swap3A_248 = arith.index_cast %add3A_227 : i32 to index
        %swap3A_249 = arith.constant 64 : index
        %swap3A_250 = tpu.vector_load %arg6[%swap3A_248, %swap3A_249] {strides = array<i32>} : memref<64x128xf32, #tpu.memory_space<vmem>>, vector<1x16xf32>,
        %swap3A_251 = vector.shape_cast %swap3A_250 : vector<1x16xf32> to vector<16xf32>
        %swap3A_252 = vector.shape_cast %broadcast_in_dim3A_1 : vector<16xf32> to vector<1x16xf32>
        tpu.vector_store %arg6[%swap3A_248, %swap3A_249], %swap3A_252 {strides = array<i32>} : memref<64x128xf32, #tpu.memory_space<vmem>>, vector<1x16xf32>,
        %swap3A_253 = arith.index_cast %add3A_227 : i32 to index
        %swap3A_254 = arith.constant 80 : index
        %swap3A_255 = tpu.vector_load %arg6[%swap3A_253, %swap3A_254] {strides = array<i32>} : memref<64x128xf32, #tpu.memory_space<vmem>>, vector<1x16xf32>,
        %swap3A_256 = vector.shape_cast %swap3A_255 : vector<1x16xf32> to vector<16xf32>
        %swap3A_257 = vector.shape_cast %broadcast_in_dim3A_1 : vector<16xf32> to vector<1x16xf32>
        tpu.vector_store %arg6[%swap3A_253, %swap3A_254], %swap3A_257 {strides = array<i32>} : memref<64x128xf32, #tpu.memory_space<vmem>>, vector<1x16xf32>,
        %swap3A_258 = arith.index_cast %add3A_227 : i32 to index
        %swap3A_259 = arith.constant 96 : index
        %swap3A_260 = tpu.vector_load %arg6[%swap3A_258, %swap3A_259] {strides = array<i32>} : memref<64x128xf32, #tpu.memory_space<vmem>>, vector<1x16xf32>,
        %swap3A_261 = vector.shape_cast %swap3A_260 : vector<1x16xf32> to vector<16xf32>
        %swap3A_262 = vector.shape_cast %broadcast_in_dim3A_1 : vector<16xf32> to vector<1x16xf32>
        tpu.vector_store %arg6[%swap3A_258, %swap3A_259], %swap3A_262 {strides = array<i32>} : memref<64x128xf32, #tpu.memory_space<vmem>>, vector<1x16xf32>,
        %swap3A_263 = arith.index_cast %add3A_227 : i32 to index
        %swap3A_264 = arith.constant 112 : index
        %swap3A_265 = tpu.vector_load %arg6[%swap3A_263, %swap3A_264] {strides = array<i32>} : memref<64x128xf32, #tpu.memory_space<vmem>>, vector<1x16xf32>,
        %swap3A_266 = vector.shape_cast %swap3A_265 : vector<1x16xf32> to vector<16xf32>
        %swap3A_267 = vector.shape_cast %broadcast_in_dim3A_1 : vector<16xf32> to vector<1x16xf32>
        tpu.vector_store %arg6[%swap3A_263, %swap3A_264], %swap3A_267 {strides = array<i32>} : memref<64x128xf32, #tpu.memory_space<vmem>>, vector<1x16xf32>,
        %mul3A_268 = arith.constant 4 : i32
        %mul3A_269 = arith.muli %scan3A_135, %mul3A_268 : i32
        %add3A_270 = arith.constant 3 : i32
        %add3A_271 = arith.addi %mul3A_269, %add3A_270 : i32
        %swap3A_272 = arith.index_cast %add3A_271 : i32 to index
        %swap3A_273 = arith.constant 0 : index
        %swap3A_274 = tpu.vector_load %arg6[%swap3A_272, %swap3A_273] {strides = array<i32>} : memref<64x128xf32, #tpu.memory_space<vmem>>, vector<1x16xf32>,
        %swap3A_275 = vector.shape_cast %swap3A_274 : vector<1x16xf32> to vector<16xf32>
        %swap3A_276 = vector.shape_cast %broadcast_in_dim3A_1 : vector<16xf32> to vector<1x16xf32>
        tpu.vector_store %arg6[%swap3A_272, %swap3A_273], %swap3A_276 {strides = array<i32>} : memref<64x128xf32, #tpu.memory_space<vmem>>, vector<1x16xf32>,
        %swap3A_277 = arith.index_cast %add3A_271 : i32 to index
        %swap3A_278 = arith.constant 16 : index
        %swap3A_279 = tpu.vector_load %arg6[%swap3A_277, %swap3A_278] {strides = array<i32>} : memref<64x128xf32, #tpu.memory_space<vmem>>, vector<1x16xf32>,
        %swap3A_280 = vector.shape_cast %swap3A_279 : vector<1x16xf32> to vector<16xf32>
        %swap3A_281 = vector.shape_cast %broadcast_in_dim3A_1 : vector<16xf32> to vector<1x16xf32>
        tpu.vector_store %arg6[%swap3A_277, %swap3A_278], %swap3A_281 {strides = array<i32>} : memref<64x128xf32, #tpu.memory_space<vmem>>, vector<1x16xf32>,
        %swap3A_282 = arith.index_cast %add3A_271 : i32 to index
        %swap3A_283 = arith.constant 32 : index
        %swap3A_284 = tpu.vector_load %arg6[%swap3A_282, %swap3A_283] {strides = array<i32>} : memref<64x128xf32, #tpu.memory_space<vmem>>, vector<1x16xf32>,
        %swap3A_285 = vector.shape_cast %swap3A_284 : vector<1x16xf32> to vector<16xf32>
        %swap3A_286 = vector.shape_cast %broadcast_in_dim3A_1 : vector<16xf32> to vector<1x16xf32>
        tpu.vector_store %arg6[%swap3A_282, %swap3A_283], %swap3A_286 {strides = array<i32>} : memref<64x128xf32, #tpu.memory_space<vmem>>, vector<1x16xf32>,
        %swap3A_287 = arith.index_cast %add3A_271 : i32 to index
        %swap3A_288 = arith.constant 48 : index
        %swap3A_289 = tpu.vector_load %arg6[%swap3A_287, %swap3A_288] {strides = array<i32>} : memref<64x128xf32, #tpu.memory_space<vmem>>, vector<1x16xf32>,
        %swap3A_290 = vector.shape_cast %swap3A_289 : vector<1x16xf32> to vector<16xf32>
        %swap3A_291 = vector.shape_cast %broadcast_in_dim3A_1 : vector<16xf32> to vector<1x16xf32>
        tpu.vector_store %arg6[%swap3A_287, %swap3A_288], %swap3A_291 {strides = array<i32>} : memref<64x128xf32, #tpu.memory_space<vmem>>, vector<1x16xf32>,
        %swap3A_292 = arith.index_cast %add3A_271 : i32 to index
        %swap3A_293 = arith.constant 64 : index
        %swap3A_294 = tpu.vector_load %arg6[%swap3A_292, %swap3A_293] {strides = array<i32>} : memref<64x128xf32, #tpu.memory_space<vmem>>, vector<1x16xf32>,
        %swap3A_295 = vector.shape_cast %swap3A_294 : vector<1x16xf32> to vector<16xf32>
        %swap3A_296 = vector.shape_cast %broadcast_in_dim3A_1 : vector<16xf32> to vector<1x16xf32>
        tpu.vector_store %arg6[%swap3A_292, %swap3A_293], %swap3A_296 {strides = array<i32>} : memref<64x128xf32, #tpu.memory_space<vmem>>, vector<1x16xf32>,
        %swap3A_297 = arith.index_cast %add3A_271 : i32 to index
        %swap3A_298 = arith.constant 80 : index
        %swap3A_299 = tpu.vector_load %arg6[%swap3A_297, %swap3A_298] {strides = array<i32>} : memref<64x128xf32, #tpu.memory_space<vmem>>, vector<1x16xf32>,
        %swap3A_300 = vector.shape_cast %swap3A_299 : vector<1x16xf32> to vector<16xf32>
        %swap3A_301 = vector.shape_cast %broadcast_in_dim3A_1 : vector<16xf32> to vector<1x16xf32>
        tpu.vector_store %arg6[%swap3A_297, %swap3A_298], %swap3A_301 {strides = array<i32>} : memref<64x128xf32, #tpu.memory_space<vmem>>, vector<1x16xf32>,
        %swap3A_302 = arith.index_cast %add3A_271 : i32 to index
        %swap3A_303 = arith.constant 96 : index
        %swap3A_304 = tpu.vector_load %arg6[%swap3A_302, %swap3A_303] {strides = array<i32>} : memref<64x128xf32, #tpu.memory_space<vmem>>, vector<1x16xf32>,
        %swap3A_305 = vector.shape_cast %swap3A_304 : vector<1x16xf32> to vector<16xf32>
        %swap3A_306 = vector.shape_cast %broadcast_in_dim3A_1 : vector<16xf32> to vector<1x16xf32>
        tpu.vector_store %arg6[%swap3A_302, %swap3A_303], %swap3A_306 {strides = array<i32>} : memref<64x128xf32, #tpu.memory_space<vmem>>, vector<1x16xf32>,
        %swap3A_307 = arith.index_cast %add3A_271 : i32 to index
        %swap3A_308 = arith.constant 112 : index
        %swap3A_309 = tpu.vector_load %arg6[%swap3A_307, %swap3A_308] {strides = array<i32>} : memref<64x128xf32, #tpu.memory_space<vmem>>, vector<1x16xf32>,
        %swap3A_310 = vector.shape_cast %swap3A_309 : vector<1x16xf32> to vector<16xf32>
        %swap3A_311 = vector.shape_cast %broadcast_in_dim3A_1 : vector<16xf32> to vector<1x16xf32>
        tpu.vector_store %arg6[%swap3A_307, %swap3A_308], %swap3A_311 {strides = array<i32>} : memref<64x128xf32, #tpu.memory_space<vmem>>, vector<1x16xf32>,
        %scan3A_312 = arith.constant 0 : i32
        scf.yield %scan3A_312 : i32
      }
      %scan3A_21 = arith.constant 16 : i32
      %dma_start3A = arith.constant 0 : i32
      %dma_start3A_22 = arith.constant 0 : i32
      %dma_start3A_23 = tpu.memref_slice %arg5[%dma_start3A, %dma_start3A_22] : memref<50x128xi32, #tpu.memory_space<vmem>> -> memref<1x128xi32, #tpu.memory_space<vmem>>
      %dma_start3A_24 = tpu.memref_squeeze %dma_start3A_23 : memref<1x128xi32, #tpu.memory_space<vmem>> -> memref<128xi32, #tpu.memory_space<vmem>>
      %dma_start3A_25 = arith.constant 0 : i32
      %dma_start3A_26 = arith.constant 0 : i32
      %dma_start3A_27 = tpu.memref_slice %arg2[%dma_start3A_25, %dma_start3A_26] : memref<1000000x128xf32, #tpu.memory_space<hbm>> -> memref<1000000x128xf32, #tpu.memory_space<hbm>>
      tpu.enqueue_indirect_dma source(%dma_start3A_27 : memref<1000000x128xf32, #tpu.memory_space<hbm>>) target(%arg7 : memref<128x128xf32, #tpu.memory_space<vmem>>) offsets(%dma_start3A_24 : memref<128xi32, #tpu.memory_space<vmem>>) semaphore(%arg10 : memref<!tpu.dma_semaphore, #tpu.memory_space<semaphore_mem>>)
      %dma_start3A_28 = arith.constant 1 : i32
      %dma_start3A_29 = arith.constant 0 : i32
      %dma_start3A_30 = tpu.memref_slice %arg5[%dma_start3A_28, %dma_start3A_29] : memref<50x128xi32, #tpu.memory_space<vmem>> -> memref<1x128xi32, #tpu.memory_space<vmem>>
      %dma_start3A_31 = tpu.memref_squeeze %dma_start3A_30 : memref<1x128xi32, #tpu.memory_space<vmem>> -> memref<128xi32, #tpu.memory_space<vmem>>
      %dma_start3A_32 = arith.constant 0 : i32
      %dma_start3A_33 = arith.constant 0 : i32
      %dma_start3A_34 = tpu.memref_slice %arg2[%dma_start3A_32, %dma_start3A_33] : memref<1000000x128xf32, #tpu.memory_space<hbm>> -> memref<1000000x128xf32, #tpu.memory_space<hbm>>
      tpu.enqueue_indirect_dma source(%dma_start3A_34 : memref<1000000x128xf32, #tpu.memory_space<hbm>>) target(%arg8 : memref<128x128xf32, #tpu.memory_space<vmem>>) offsets(%dma_start3A_31 : memref<128xi32, #tpu.memory_space<vmem>>) semaphore(%arg11 : memref<!tpu.dma_semaphore, #tpu.memory_space<semaphore_mem>>)
      %dma_start3A_35 = arith.constant 2 : i32
      %dma_start3A_36 = arith.constant 0 : i32
      %dma_start3A_37 = tpu.memref_slice %arg5[%dma_start3A_35, %dma_start3A_36] : memref<50x128xi32, #tpu.memory_space<vmem>> -> memref<1x128xi32, #tpu.memory_space<vmem>>
      %dma_start3A_38 = tpu.memref_squeeze %dma_start3A_37 : memref<1x128xi32, #tpu.memory_space<vmem>> -> memref<128xi32, #tpu.memory_space<vmem>>
      %dma_start3A_39 = arith.constant 0 : i32
      %dma_start3A_40 = arith.constant 0 : i32
      %dma_start3A_41 = tpu.memref_slice %arg2[%dma_start3A_39, %dma_start3A_40] : memref<1000000x128xf32, #tpu.memory_space<hbm>> -> memref<1000000x128xf32, #tpu.memory_space<hbm>>
      tpu.enqueue_indirect_dma source(%dma_start3A_41 : memref<1000000x128xf32, #tpu.memory_space<hbm>>) target(%arg9 : memref<128x128xf32, #tpu.memory_space<vmem>>) offsets(%dma_start3A_38 : memref<128xi32, #tpu.memory_space<vmem>>) semaphore(%arg12 : memref<!tpu.dma_semaphore, #tpu.memory_space<semaphore_mem>>)
      %scan3A_42 = arith.constant 0 : i32
      %scan3A_43 = arith.constant 0 : i32
      %scan3A_44 = arith.constant 15 : i32
      %scan3A_45 = arith.addi %scan3A_43, %scan3A_44 : i32
      %scan3A_46 = arith.constant 1 : i32
      %scan3A_47 = scf.for %scan3A_135 = %scan3A_43 to %scan3A_45 step %scan3A_46 iter_args(%scan3A_136 = %scan3A_42) -> (i32)  : i32 {
        %mul3A_137 = arith.constant 3 : i32
        %mul3A_138 = arith.muli %mul3A_137, %scan3A_135 : i32
        %add3A_139 = arith.constant 0 : i32
        %add3A_140 = arith.addi %mul3A_138, %add3A_139 : i32
        %dma_wait3A_141 = arith.constant 0 : i32
        %dma_wait3A_142 = arith.constant 0 : i32
        %dma_wait3A_143 = tpu.memref_slice %arg5[%dma_wait3A_141, %dma_wait3A_142] : memref<50x128xi32, #tpu.memory_space<vmem>> -> memref<1x128xi32, #tpu.memory_space<vmem>>
        %dma_wait3A_144 = tpu.memref_squeeze %dma_wait3A_143 : memref<1x128xi32, #tpu.memory_space<vmem>> -> memref<128xi32, #tpu.memory_space<vmem>>
        %dma_wait3A_145 = arith.constant 0 : i32
        %dma_wait3A_146 = arith.constant 0 : i32
        %dma_wait3A_147 = tpu.memref_slice %arg2[%dma_wait3A_145, %dma_wait3A_146] : memref<1000000x128xf32, #tpu.memory_space<hbm>> -> memref<1000000x128xf32, #tpu.memory_space<hbm>>
        tpu.wait_indirect_dma semaphore(%arg10 : memref<!tpu.dma_semaphore, #tpu.memory_space<semaphore_mem>>) src(%dma_wait3A_147 : memref<1000000x128xf32, #tpu.memory_space<hbm>>) dst(%arg7 : memref<128x128xf32, #tpu.memory_space<vmem>>)
        %scan3A_148 = arith.constant 0 : i32
        %scan3A_149 = arith.constant 0 : i32
        %scan3A_150 = arith.constant 32 : i32
        %scan3A_151 = arith.addi %scan3A_149, %scan3A_150 : i32
        %scan3A_152 = arith.constant 1 : i32
        %scan3A_153 = scf.for %scan3A_216 = %scan3A_149 to %scan3A_151 step %scan3A_152 iter_args(%scan3A_217 = %scan3A_148) -> (i32)  : i32 {
          %mul3A_218 = arith.constant 2 : i32
          %mul3A_219 = arith.muli %scan3A_216, %mul3A_218 : i32
          %add3A_220 = arith.constant 0 : i32
          %add3A_221 = arith.addi %mul3A_219, %add3A_220 : i32
          %mul3A_222 = arith.constant 2 : i32
          %mul3A_223 = arith.muli %add3A_221, %mul3A_222 : i32
          %add3A_224 = arith.constant 0 : i32
          %add3A_225 = arith.addi %mul3A_223, %add3A_224 : i32
          %get3A = arith.index_cast %add3A_225 : i32 to index
          %get3A_226 = arith.constant 0 : index
          %get3A_227 = tpu.vector_load %arg7[%get3A, %get3A_226] {strides = array<i32>} : memref<128x128xf32, #tpu.memory_space<vmem>>, vector<1x16xf32>,
          %get3A_228 = vector.shape_cast %get3A_227 : vector<1x16xf32> to vector<16xf32>
          %swap3A = arith.index_cast %add3A_221 : i32 to index
          %swap3A_229 = arith.constant 0 : index
          %swap3A_230 = tpu.vector_load %arg6[%swap3A, %swap3A_229] {strides = array<i32>} : memref<64x128xf32, #tpu.memory_space<vmem>>, vector<1x16xf32>,
          %swap3A_231 = vector.shape_cast %swap3A_230 : vector<1x16xf32> to vector<16xf32>
          %swap3A_232 = vector.shape_cast %get3A_228 : vector<16xf32> to vector<1x16xf32>
          tpu.vector_store %arg6[%swap3A, %swap3A_229], %swap3A_232 {add = true, strides = array<i32>} : memref<64x128xf32, #tpu.memory_space<vmem>>, vector<1x16xf32>,
          %get3A_233 = arith.index_cast %add3A_225 : i32 to index
          %get3A_234 = arith.constant 16 : index
          %get3A_235 = tpu.vector_load %arg7[%get3A_233, %get3A_234] {strides = array<i32>} : memref<128x128xf32, #tpu.memory_space<vmem>>, vector<1x16xf32>,
          %get3A_236 = vector.shape_cast %get3A_235 : vector<1x16xf32> to vector<16xf32>
          %swap3A_237 = arith.index_cast %add3A_221 : i32 to index
          %swap3A_238 = arith.constant 16 : index
          %swap3A_239 = tpu.vector_load %arg6[%swap3A_237, %swap3A_238] {strides = array<i32>} : memref<64x128xf32, #tpu.memory_space<vmem>>, vector<1x16xf32>,
          %swap3A_240 = vector.shape_cast %swap3A_239 : vector<1x16xf32> to vector<16xf32>
          %swap3A_241 = vector.shape_cast %get3A_236 : vector<16xf32> to vector<1x16xf32>
          tpu.vector_store %arg6[%swap3A_237, %swap3A_238], %swap3A_241 {add = true, strides = array<i32>} : memref<64x128xf32, #tpu.memory_space<vmem>>, vector<1x16xf32>,
          %get3A_242 = arith.index_cast %add3A_225 : i32 to index
          %get3A_243 = arith.constant 32 : index
          %get3A_244 = tpu.vector_load %arg7[%get3A_242, %get3A_243] {strides = array<i32>} : memref<128x128xf32, #tpu.memory_space<vmem>>, vector<1x16xf32>,
          %get3A_245 = vector.shape_cast %get3A_244 : vector<1x16xf32> to vector<16xf32>
          %swap3A_246 = arith.index_cast %add3A_221 : i32 to index
          %swap3A_247 = arith.constant 32 : index
          %swap3A_248 = tpu.vector_load %arg6[%swap3A_246, %swap3A_247] {strides = array<i32>} : memref<64x128xf32, #tpu.memory_space<vmem>>, vector<1x16xf32>,
          %swap3A_249 = vector.shape_cast %swap3A_248 : vector<1x16xf32> to vector<16xf32>
          %swap3A_250 = vector.shape_cast %get3A_245 : vector<16xf32> to vector<1x16xf32>
          tpu.vector_store %arg6[%swap3A_246, %swap3A_247], %swap3A_250 {add = true, strides = array<i32>} : memref<64x128xf32, #tpu.memory_space<vmem>>, vector<1x16xf32>,
          %get3A_251 = arith.index_cast %add3A_225 : i32 to index
          %get3A_252 = arith.constant 48 : index
          %get3A_253 = tpu.vector_load %arg7[%get3A_251, %get3A_252] {strides = array<i32>} : memref<128x128xf32, #tpu.memory_space<vmem>>, vector<1x16xf32>,
          %get3A_254 = vector.shape_cast %get3A_253 : vector<1x16xf32> to vector<16xf32>
          %swap3A_255 = arith.index_cast %add3A_221 : i32 to index
          %swap3A_256 = arith.constant 48 : index
          %swap3A_257 = tpu.vector_load %arg6[%swap3A_255, %swap3A_256] {strides = array<i32>} : memref<64x128xf32, #tpu.memory_space<vmem>>, vector<1x16xf32>,
          %swap3A_258 = vector.shape_cast %swap3A_257 : vector<1x16xf32> to vector<16xf32>
          %swap3A_259 = vector.shape_cast %get3A_254 : vector<16xf32> to vector<1x16xf32>
          tpu.vector_store %arg6[%swap3A_255, %swap3A_256], %swap3A_259 {add = true, strides = array<i32>} : memref<64x128xf32, #tpu.memory_space<vmem>>, vector<1x16xf32>,
          %mul3A_260 = arith.constant 2 : i32
          %mul3A_261 = arith.muli %add3A_221, %mul3A_260 : i32
          %add3A_262 = arith.constant 1 : i32
          %add3A_263 = arith.addi %mul3A_261, %add3A_262 : i32
          %get3A_264 = arith.index_cast %add3A_263 : i32 to index
          %get3A_265 = arith.constant 0 : index
          %get3A_266 = tpu.vector_load %arg7[%get3A_264, %get3A_265] {strides = array<i32>} : memref<128x128xf32, #tpu.memory_space<vmem>>, vector<1x16xf32>,
          %get3A_267 = vector.shape_cast %get3A_266 : vector<1x16xf32> to vector<16xf32>
          %swap3A_268 = arith.index_cast %add3A_221 : i32 to index
          %swap3A_269 = arith.constant 64 : index
          %swap3A_270 = tpu.vector_load %arg6[%swap3A_268, %swap3A_269] {strides = array<i32>} : memref<64x128xf32, #tpu.memory_space<vmem>>, vector<1x16xf32>,
          %swap3A_271 = vector.shape_cast %swap3A_270 : vector<1x16xf32> to vector<16xf32>
          %swap3A_272 = vector.shape_cast %get3A_267 : vector<16xf32> to vector<1x16xf32>
          tpu.vector_store %arg6[%swap3A_268, %swap3A_269], %swap3A_272 {add = true, strides = array<i32>} : memref<64x128xf32, #tpu.memory_space<vmem>>, vector<1x16xf32>,
          %get3A_273 = arith.index_cast %add3A_263 : i32 to index
          %get3A_274 = arith.constant 16 : index
          %get3A_275 = tpu.vector_load %arg7[%get3A_273, %get3A_274] {strides = array<i32>} : memref<128x128xf32, #tpu.memory_space<vmem>>, vector<1x16xf32>,
          %get3A_276 = vector.shape_cast %get3A_275 : vector<1x16xf32> to vector<16xf32>
          %swap3A_277 = arith.index_cast %add3A_221 : i32 to index
          %swap3A_278 = arith.constant 80 : index
          %swap3A_279 = tpu.vector_load %arg6[%swap3A_277, %swap3A_278] {strides = array<i32>} : memref<64x128xf32, #tpu.memory_space<vmem>>, vector<1x16xf32>,
          %swap3A_280 = vector.shape_cast %swap3A_279 : vector<1x16xf32> to vector<16xf32>
          %swap3A_281 = vector.shape_cast %get3A_276 : vector<16xf32> to vector<1x16xf32>
          tpu.vector_store %arg6[%swap3A_277, %swap3A_278], %swap3A_281 {add = true, strides = array<i32>} : memref<64x128xf32, #tpu.memory_space<vmem>>, vector<1x16xf32>,
          %get3A_282 = arith.index_cast %add3A_263 : i32 to index
          %get3A_283 = arith.constant 32 : index
          %get3A_284 = tpu.vector_load %arg7[%get3A_282, %get3A_283] {strides = array<i32>} : memref<128x128xf32, #tpu.memory_space<vmem>>, vector<1x16xf32>,
          %get3A_285 = vector.shape_cast %get3A_284 : vector<1x16xf32> to vector<16xf32>
          %swap3A_286 = arith.index_cast %add3A_221 : i32 to index
          %swap3A_287 = arith.constant 96 : index
          %swap3A_288 = tpu.vector_load %arg6[%swap3A_286, %swap3A_287] {strides = array<i32>} : memref<64x128xf32, #tpu.memory_space<vmem>>, vector<1x16xf32>,
          %swap3A_289 = vector.shape_cast %swap3A_288 : vector<1x16xf32> to vector<16xf32>
          %swap3A_290 = vector.shape_cast %get3A_285 : vector<16xf32> to vector<1x16xf32>
          tpu.vector_store %arg6[%swap3A_286, %swap3A_287], %swap3A_290 {add = true, strides = array<i32>} : memref<64x128xf32, #tpu.memory_space<vmem>>, vector<1x16xf32>,
          %get3A_291 = arith.index_cast %add3A_263 : i32 to index
          %get3A_292 = arith.constant 48 : index
          %get3A_293 = tpu.vector_load %arg7[%get3A_291, %get3A_292] {strides = array<i32>} : memref<128x128xf32, #tpu.memory_space<vmem>>, vector<1x16xf32>,
          %get3A_294 = vector.shape_cast %get3A_293 : vector<1x16xf32> to vector<16xf32>
          %swap3A_295 = arith.index_cast %add3A_221 : i32 to index
          %swap3A_296 = arith.constant 112 : index
          %swap3A_297 = tpu.vector_load %arg6[%swap3A_295, %swap3A_296] {strides = array<i32>} : memref<64x128xf32, #tpu.memory_space<vmem>>, vector<1x16xf32>,
          %swap3A_298 = vector.shape_cast %swap3A_297 : vector<1x16xf32> to vector<16xf32>
          %swap3A_299 = vector.shape_cast %get3A_294 : vector<16xf32> to vector<1x16xf32>
          tpu.vector_store %arg6[%swap3A_295, %swap3A_296], %swap3A_299 {add = true, strides = array<i32>} : memref<64x128xf32, #tpu.memory_space<vmem>>, vector<1x16xf32>,
          %mul3A_300 = arith.constant 2 : i32
          %mul3A_301 = arith.muli %scan3A_216, %mul3A_300 : i32
          %add3A_302 = arith.constant 1 : i32
          %add3A_303 = arith.addi %mul3A_301, %add3A_302 : i32
          %mul3A_304 = arith.constant 2 : i32
          %mul3A_305 = arith.muli %add3A_303, %mul3A_304 : i32
          %add3A_306 = arith.constant 0 : i32
          %add3A_307 = arith.addi %mul3A_305, %add3A_306 : i32
          %get3A_308 = arith.index_cast %add3A_307 : i32 to index
          %get3A_309 = arith.constant 0 : index
          %get3A_310 = tpu.vector_load %arg7[%get3A_308, %get3A_309] {strides = array<i32>} : memref<128x128xf32, #tpu.memory_space<vmem>>, vector<1x16xf32>,
          %get3A_311 = vector.shape_cast %get3A_310 : vector<1x16xf32> to vector<16xf32>
          %swap3A_312 = arith.index_cast %add3A_303 : i32 to index
          %swap3A_313 = arith.constant 0 : index
          %swap3A_314 = tpu.vector_load %arg6[%swap3A_312, %swap3A_313] {strides = array<i32>} : memref<64x128xf32, #tpu.memory_space<vmem>>, vector<1x16xf32>,
          %swap3A_315 = vector.shape_cast %swap3A_314 : vector<1x16xf32> to vector<16xf32>
          %swap3A_316 = vector.shape_cast %get3A_311 : vector<16xf32> to vector<1x16xf32>
          tpu.vector_store %arg6[%swap3A_312, %swap3A_313], %swap3A_316 {add = true, strides = array<i32>} : memref<64x128xf32, #tpu.memory_space<vmem>>, vector<1x16xf32>,
          %get3A_317 = arith.index_cast %add3A_307 : i32 to index
          %get3A_318 = arith.constant 16 : index
          %get3A_319 = tpu.vector_load %arg7[%get3A_317, %get3A_318] {strides = array<i32>} : memref<128x128xf32, #tpu.memory_space<vmem>>, vector<1x16xf32>,
          %get3A_320 = vector.shape_cast %get3A_319 : vector<1x16xf32> to vector<16xf32>
          %swap3A_321 = arith.index_cast %add3A_303 : i32 to index
          %swap3A_322 = arith.constant 16 : index
          %swap3A_323 = tpu.vector_load %arg6[%swap3A_321, %swap3A_322] {strides = array<i32>} : memref<64x128xf32, #tpu.memory_space<vmem>>, vector<1x16xf32>,
          %swap3A_324 = vector.shape_cast %swap3A_323 : vector<1x16xf32> to vector<16xf32>
          %swap3A_325 = vector.shape_cast %get3A_320 : vector<16xf32> to vector<1x16xf32>
          tpu.vector_store %arg6[%swap3A_321, %swap3A_322], %swap3A_325 {add = true, strides = array<i32>} : memref<64x128xf32, #tpu.memory_space<vmem>>, vector<1x16xf32>,
          %get3A_326 = arith.index_cast %add3A_307 : i32 to index
          %get3A_327 = arith.constant 32 : index
          %get3A_328 = tpu.vector_load %arg7[%get3A_326, %get3A_327] {strides = array<i32>} : memref<128x128xf32, #tpu.memory_space<vmem>>, vector<1x16xf32>,
          %get3A_329 = vector.shape_cast %get3A_328 : vector<1x16xf32> to vector<16xf32>
          %swap3A_330 = arith.index_cast %add3A_303 : i32 to index
          %swap3A_331 = arith.constant 32 : index
          %swap3A_332 = tpu.vector_load %arg6[%swap3A_330, %swap3A_331] {strides = array<i32>} : memref<64x128xf32, #tpu.memory_space<vmem>>, vector<1x16xf32>,
          %swap3A_333 = vector.shape_cast %swap3A_332 : vector<1x16xf32> to vector<16xf32>
          %swap3A_334 = vector.shape_cast %get3A_329 : vector<16xf32> to vector<1x16xf32>
          tpu.vector_store %arg6[%swap3A_330, %swap3A_331], %swap3A_334 {add = true, strides = array<i32>} : memref<64x128xf32, #tpu.memory_space<vmem>>, vector<1x16xf32>,
          %get3A_335 = arith.index_cast %add3A_307 : i32 to index
          %get3A_336 = arith.constant 48 : index
          %get3A_337 = tpu.vector_load %arg7[%get3A_335, %get3A_336] {strides = array<i32>} : memref<128x128xf32, #tpu.memory_space<vmem>>, vector<1x16xf32>,
          %get3A_338 = vector.shape_cast %get3A_337 : vector<1x16xf32> to vector<16xf32>
          %swap3A_339 = arith.index_cast %add3A_303 : i32 to index
          %swap3A_340 = arith.constant 48 : index
          %swap3A_341 = tpu.vector_load %arg6[%swap3A_339, %swap3A_340] {strides = array<i32>} : memref<64x128xf32, #tpu.memory_space<vmem>>, vector<1x16xf32>,
          %swap3A_342 = vector.shape_cast %swap3A_341 : vector<1x16xf32> to vector<16xf32>
          %swap3A_343 = vector.shape_cast %get3A_338 : vector<16xf32> to vector<1x16xf32>
          tpu.vector_store %arg6[%swap3A_339, %swap3A_340], %swap3A_343 {add = true, strides = array<i32>} : memref<64x128xf32, #tpu.memory_space<vmem>>, vector<1x16xf32>,
          %mul3A_344 = arith.constant 2 : i32
          %mul3A_345 = arith.muli %add3A_303, %mul3A_344 : i32
          %add3A_346 = arith.constant 1 : i32
          %add3A_347 = arith.addi %mul3A_345, %add3A_346 : i32
          %get3A_348 = arith.index_cast %add3A_347 : i32 to index
          %get3A_349 = arith.constant 0 : index
          %get3A_350 = tpu.vector_load %arg7[%get3A_348, %get3A_349] {strides = array<i32>} : memref<128x128xf32, #tpu.memory_space<vmem>>, vector<1x16xf32>,
          %get3A_351 = vector.shape_cast %get3A_350 : vector<1x16xf32> to vector<16xf32>
          %swap3A_352 = arith.index_cast %add3A_303 : i32 to index
          %swap3A_353 = arith.constant 64 : index
          %swap3A_354 = tpu.vector_load %arg6[%swap3A_352, %swap3A_353] {strides = array<i32>} : memref<64x128xf32, #tpu.memory_space<vmem>>, vector<1x16xf32>,
          %swap3A_355 = vector.shape_cast %swap3A_354 : vector<1x16xf32> to vector<16xf32>
          %swap3A_356 = vector.shape_cast %get3A_351 : vector<16xf32> to vector<1x16xf32>
          tpu.vector_store %arg6[%swap3A_352, %swap3A_353], %swap3A_356 {add = true, strides = array<i32>} : memref<64x128xf32, #tpu.memory_space<vmem>>, vector<1x16xf32>,
          %get3A_357 = arith.index_cast %add3A_347 : i32 to index
          %get3A_358 = arith.constant 16 : index
          %get3A_359 = tpu.vector_load %arg7[%get3A_357, %get3A_358] {strides = array<i32>} : memref<128x128xf32, #tpu.memory_space<vmem>>, vector<1x16xf32>,
          %get3A_360 = vector.shape_cast %get3A_359 : vector<1x16xf32> to vector<16xf32>
          %swap3A_361 = arith.index_cast %add3A_303 : i32 to index
          %swap3A_362 = arith.constant 80 : index
          %swap3A_363 = tpu.vector_load %arg6[%swap3A_361, %swap3A_362] {strides = array<i32>} : memref<64x128xf32, #tpu.memory_space<vmem>>, vector<1x16xf32>,
          %swap3A_364 = vector.shape_cast %swap3A_363 : vector<1x16xf32> to vector<16xf32>
          %swap3A_365 = vector.shape_cast %get3A_360 : vector<16xf32> to vector<1x16xf32>
          tpu.vector_store %arg6[%swap3A_361, %swap3A_362], %swap3A_365 {add = true, strides = array<i32>} : memref<64x128xf32, #tpu.memory_space<vmem>>, vector<1x16xf32>,
          %get3A_366 = arith.index_cast %add3A_347 : i32 to index
          %get3A_367 = arith.constant 32 : index
          %get3A_368 = tpu.vector_load %arg7[%get3A_366, %get3A_367] {strides = array<i32>} : memref<128x128xf32, #tpu.memory_space<vmem>>, vector<1x16xf32>,
          %get3A_369 = vector.shape_cast %get3A_368 : vector<1x16xf32> to vector<16xf32>
          %swap3A_370 = arith.index_cast %add3A_303 : i32 to index
          %swap3A_371 = arith.constant 96 : index
          %swap3A_372 = tpu.vector_load %arg6[%swap3A_370, %swap3A_371] {strides = array<i32>} : memref<64x128xf32, #tpu.memory_space<vmem>>, vector<1x16xf32>,
          %swap3A_373 = vector.shape_cast %swap3A_372 : vector<1x16xf32> to vector<16xf32>
          %swap3A_374 = vector.shape_cast %get3A_369 : vector<16xf32> to vector<1x16xf32>
          tpu.vector_store %arg6[%swap3A_370, %swap3A_371], %swap3A_374 {add = true, strides = array<i32>} : memref<64x128xf32, #tpu.memory_space<vmem>>, vector<1x16xf32>,
          %get3A_375 = arith.index_cast %add3A_347 : i32 to index
          %get3A_376 = arith.constant 48 : index
          %get3A_377 = tpu.vector_load %arg7[%get3A_375, %get3A_376] {strides = array<i32>} : memref<128x128xf32, #tpu.memory_space<vmem>>, vector<1x16xf32>,
          %get3A_378 = vector.shape_cast %get3A_377 : vector<1x16xf32> to vector<16xf32>
          %swap3A_379 = arith.index_cast %add3A_303 : i32 to index
          %swap3A_380 = arith.constant 112 : index
          %swap3A_381 = tpu.vector_load %arg6[%swap3A_379, %swap3A_380] {strides = array<i32>} : memref<64x128xf32, #tpu.memory_space<vmem>>, vector<1x16xf32>,
          %swap3A_382 = vector.shape_cast %swap3A_381 : vector<1x16xf32> to vector<16xf32>
          %swap3A_383 = vector.shape_cast %get3A_378 : vector<16xf32> to vector<1x16xf32>
          tpu.vector_store %arg6[%swap3A_379, %swap3A_380], %swap3A_383 {add = true, strides = array<i32>} : memref<64x128xf32, #tpu.memory_space<vmem>>, vector<1x16xf32>,
          %scan3A_384 = arith.constant 0 : i32
          scf.yield %scan3A_384 : i32
        }
        %scan3A_154 = arith.constant 32 : i32
        %add3A_155 = arith.constant 3 : i32
        %add3A_156 = arith.addi %add3A_140, %add3A_155 : i32
        %dma_start3A_157 = arith.constant 0 : i32
        %dma_start3A_158 = tpu.memref_slice %arg5[%add3A_156, %dma_start3A_157] : memref<50x128xi32, #tpu.memory_space<vmem>> -> memref<1x128xi32, #tpu.memory_space<vmem>>
        %dma_start3A_159 = tpu.memref_squeeze %dma_start3A_158 : memref<1x128xi32, #tpu.memory_space<vmem>> -> memref<128xi32, #tpu.memory_space<vmem>>
        %dma_start3A_160 = arith.constant 0 : i32
        %dma_start3A_161 = arith.constant 0 : i32
        %dma_start3A_162 = tpu.memref_slice %arg2[%dma_start3A_160, %dma_start3A_161] : memref<1000000x128xf32, #tpu.memory_space<hbm>> -> memref<1000000x128xf32, #tpu.memory_space<hbm>>
        tpu.enqueue_indirect_dma source(%dma_start3A_162 : memref<1000000x128xf32, #tpu.memory_space<hbm>>) target(%arg7 : memref<128x128xf32, #tpu.memory_space<vmem>>) offsets(%dma_start3A_159 : memref<128xi32, #tpu.memory_space<vmem>>) semaphore(%arg10 : memref<!tpu.dma_semaphore, #tpu.memory_space<semaphore_mem>>)
        %mul3A_163 = arith.constant 3 : i32
        %mul3A_164 = arith.muli %mul3A_163, %scan3A_135 : i32
        %add3A_165 = arith.constant 1 : i32
        %add3A_166 = arith.addi %mul3A_164, %add3A_165 : i32
        %dma_wait3A_167 = arith.constant 0 : i32
        %dma_wait3A_168 = arith.constant 0 : i32
        %dma_wait3A_169 = tpu.memref_slice %arg5[%dma_wait3A_167, %dma_wait3A_168] : memref<50x128xi32, #tpu.memory_space<vmem>> -> memref<1x128xi32, #tpu.memory_space<vmem>>
        %dma_wait3A_170 = tpu.memref_squeeze %dma_wait3A_169 : memref<1x128xi32, #tpu.memory_space<vmem>> -> memref<128xi32, #tpu.memory_space<vmem>>
        %dma_wait3A_171 = arith.constant 0 : i32
        %dma_wait3A_172 = arith.constant 0 : i32
        %dma_wait3A_173 = tpu.memref_slice %arg2[%dma_wait3A_171, %dma_wait3A_172] : memref<1000000x128xf32, #tpu.memory_space<hbm>> -> memref<1000000x128xf32, #tpu.memory_space<hbm>>
        tpu.wait_indirect_dma semaphore(%arg11 : memref<!tpu.dma_semaphore, #tpu.memory_space<semaphore_mem>>) src(%dma_wait3A_173 : memref<1000000x128xf32, #tpu.memory_space<hbm>>) dst(%arg8 : memref<128x128xf32, #tpu.memory_space<vmem>>)
        %scan3A_174 = arith.constant 0 : i32
        %scan3A_175 = arith.constant 0 : i32
        %scan3A_176 = arith.constant 32 : i32
        %scan3A_177 = arith.addi %scan3A_175, %scan3A_176 : i32
        %scan3A_178 = arith.constant 1 : i32
        %scan3A_179 = scf.for %scan3A_216 = %scan3A_175 to %scan3A_177 step %scan3A_178 iter_args(%scan3A_217 = %scan3A_174) -> (i32)  : i32 {
          %mul3A_218 = arith.constant 2 : i32
          %mul3A_219 = arith.muli %scan3A_216, %mul3A_218 : i32
          %add3A_220 = arith.constant 0 : i32
          %add3A_221 = arith.addi %mul3A_219, %add3A_220 : i32
          %mul3A_222 = arith.constant 2 : i32
          %mul3A_223 = arith.muli %add3A_221, %mul3A_222 : i32
          %add3A_224 = arith.constant 0 : i32
          %add3A_225 = arith.addi %mul3A_223, %add3A_224 : i32
          %get3A = arith.index_cast %add3A_225 : i32 to index
          %get3A_226 = arith.constant 0 : index
          %get3A_227 = tpu.vector_load %arg8[%get3A, %get3A_226] {strides = array<i32>} : memref<128x128xf32, #tpu.memory_space<vmem>>, vector<1x16xf32>,
          %get3A_228 = vector.shape_cast %get3A_227 : vector<1x16xf32> to vector<16xf32>
          %swap3A = arith.index_cast %add3A_221 : i32 to index
          %swap3A_229 = arith.constant 0 : index
          %swap3A_230 = tpu.vector_load %arg6[%swap3A, %swap3A_229] {strides = array<i32>} : memref<64x128xf32, #tpu.memory_space<vmem>>, vector<1x16xf32>,
          %swap3A_231 = vector.shape_cast %swap3A_230 : vector<1x16xf32> to vector<16xf32>
          %swap3A_232 = vector.shape_cast %get3A_228 : vector<16xf32> to vector<1x16xf32>
          tpu.vector_store %arg6[%swap3A, %swap3A_229], %swap3A_232 {add = true, strides = array<i32>} : memref<64x128xf32, #tpu.memory_space<vmem>>, vector<1x16xf32>,
          %get3A_233 = arith.index_cast %add3A_225 : i32 to index
          %get3A_234 = arith.constant 16 : index
          %get3A_235 = tpu.vector_load %arg8[%get3A_233, %get3A_234] {strides = array<i32>} : memref<128x128xf32, #tpu.memory_space<vmem>>, vector<1x16xf32>,
          %get3A_236 = vector.shape_cast %get3A_235 : vector<1x16xf32> to vector<16xf32>
          %swap3A_237 = arith.index_cast %add3A_221 : i32 to index
          %swap3A_238 = arith.constant 16 : index
          %swap3A_239 = tpu.vector_load %arg6[%swap3A_237, %swap3A_238] {strides = array<i32>} : memref<64x128xf32, #tpu.memory_space<vmem>>, vector<1x16xf32>,
          %swap3A_240 = vector.shape_cast %swap3A_239 : vector<1x16xf32> to vector<16xf32>
          %swap3A_241 = vector.shape_cast %get3A_236 : vector<16xf32> to vector<1x16xf32>
          tpu.vector_store %arg6[%swap3A_237, %swap3A_238], %swap3A_241 {add = true, strides = array<i32>} : memref<64x128xf32, #tpu.memory_space<vmem>>, vector<1x16xf32>,
          %get3A_242 = arith.index_cast %add3A_225 : i32 to index
          %get3A_243 = arith.constant 32 : index
          %get3A_244 = tpu.vector_load %arg8[%get3A_242, %get3A_243] {strides = array<i32>} : memref<128x128xf32, #tpu.memory_space<vmem>>, vector<1x16xf32>,
          %get3A_245 = vector.shape_cast %get3A_244 : vector<1x16xf32> to vector<16xf32>
          %swap3A_246 = arith.index_cast %add3A_221 : i32 to index
          %swap3A_247 = arith.constant 32 : index
          %swap3A_248 = tpu.vector_load %arg6[%swap3A_246, %swap3A_247] {strides = array<i32>} : memref<64x128xf32, #tpu.memory_space<vmem>>, vector<1x16xf32>,
          %swap3A_249 = vector.shape_cast %swap3A_248 : vector<1x16xf32> to vector<16xf32>
          %swap3A_250 = vector.shape_cast %get3A_245 : vector<16xf32> to vector<1x16xf32>
          tpu.vector_store %arg6[%swap3A_246, %swap3A_247], %swap3A_250 {add = true, strides = array<i32>} : memref<64x128xf32, #tpu.memory_space<vmem>>, vector<1x16xf32>,
          %get3A_251 = arith.index_cast %add3A_225 : i32 to index
          %get3A_252 = arith.constant 48 : index
          %get3A_253 = tpu.vector_load %arg8[%get3A_251, %get3A_252] {strides = array<i32>} : memref<128x128xf32, #tpu.memory_space<vmem>>, vector<1x16xf32>,
          %get3A_254 = vector.shape_cast %get3A_253 : vector<1x16xf32> to vector<16xf32>
          %swap3A_255 = arith.index_cast %add3A_221 : i32 to index
          %swap3A_256 = arith.constant 48 : index
          %swap3A_257 = tpu.vector_load %arg6[%swap3A_255, %swap3A_256] {strides = array<i32>} : memref<64x128xf32, #tpu.memory_space<vmem>>, vector<1x16xf32>,
          %swap3A_258 = vector.shape_cast %swap3A_257 : vector<1x16xf32> to vector<16xf32>
          %swap3A_259 = vector.shape_cast %get3A_254 : vector<16xf32> to vector<1x16xf32>
          tpu.vector_store %arg6[%swap3A_255, %swap3A_256], %swap3A_259 {add = true, strides = array<i32>} : memref<64x128xf32, #tpu.memory_space<vmem>>, vector<1x16xf32>,
          %mul3A_260 = arith.constant 2 : i32
          %mul3A_261 = arith.muli %add3A_221, %mul3A_260 : i32
          %add3A_262 = arith.constant 1 : i32
          %add3A_263 = arith.addi %mul3A_261, %add3A_262 : i32
          %get3A_264 = arith.index_cast %add3A_263 : i32 to index
          %get3A_265 = arith.constant 0 : index
          %get3A_266 = tpu.vector_load %arg8[%get3A_264, %get3A_265] {strides = array<i32>} : memref<128x128xf32, #tpu.memory_space<vmem>>, vector<1x16xf32>,
          %get3A_267 = vector.shape_cast %get3A_266 : vector<1x16xf32> to vector<16xf32>
          %swap3A_268 = arith.index_cast %add3A_221 : i32 to index
          %swap3A_269 = arith.constant 64 : index
          %swap3A_270 = tpu.vector_load %arg6[%swap3A_268, %swap3A_269] {strides = array<i32>} : memref<64x128xf32, #tpu.memory_space<vmem>>, vector<1x16xf32>,
          %swap3A_271 = vector.shape_cast %swap3A_270 : vector<1x16xf32> to vector<16xf32>
          %swap3A_272 = vector.shape_cast %get3A_267 : vector<16xf32> to vector<1x16xf32>
          tpu.vector_store %arg6[%swap3A_268, %swap3A_269], %swap3A_272 {add = true, strides = array<i32>} : memref<64x128xf32, #tpu.memory_space<vmem>>, vector<1x16xf32>,
          %get3A_273 = arith.index_cast %add3A_263 : i32 to index
          %get3A_274 = arith.constant 16 : index
          %get3A_275 = tpu.vector_load %arg8[%get3A_273, %get3A_274] {strides = array<i32>} : memref<128x128xf32, #tpu.memory_space<vmem>>, vector<1x16xf32>,
          %get3A_276 = vector.shape_cast %get3A_275 : vector<1x16xf32> to vector<16xf32>
          %swap3A_277 = arith.index_cast %add3A_221 : i32 to index
          %swap3A_278 = arith.constant 80 : index
          %swap3A_279 = tpu.vector_load %arg6[%swap3A_277, %swap3A_278] {strides = array<i32>} : memref<64x128xf32, #tpu.memory_space<vmem>>, vector<1x16xf32>,
          %swap3A_280 = vector.shape_cast %swap3A_279 : vector<1x16xf32> to vector<16xf32>
          %swap3A_281 = vector.shape_cast %get3A_276 : vector<16xf32> to vector<1x16xf32>
          tpu.vector_store %arg6[%swap3A_277, %swap3A_278], %swap3A_281 {add = true, strides = array<i32>} : memref<64x128xf32, #tpu.memory_space<vmem>>, vector<1x16xf32>,
          %get3A_282 = arith.index_cast %add3A_263 : i32 to index
          %get3A_283 = arith.constant 32 : index
          %get3A_284 = tpu.vector_load %arg8[%get3A_282, %get3A_283] {strides = array<i32>} : memref<128x128xf32, #tpu.memory_space<vmem>>, vector<1x16xf32>,
          %get3A_285 = vector.shape_cast %get3A_284 : vector<1x16xf32> to vector<16xf32>
          %swap3A_286 = arith.index_cast %add3A_221 : i32 to index
          %swap3A_287 = arith.constant 96 : index
          %swap3A_288 = tpu.vector_load %arg6[%swap3A_286, %swap3A_287] {strides = array<i32>} : memref<64x128xf32, #tpu.memory_space<vmem>>, vector<1x16xf32>,
          %swap3A_289 = vector.shape_cast %swap3A_288 : vector<1x16xf32> to vector<16xf32>
          %swap3A_290 = vector.shape_cast %get3A_285 : vector<16xf32> to vector<1x16xf32>
          tpu.vector_store %arg6[%swap3A_286, %swap3A_287], %swap3A_290 {add = true, strides = array<i32>} : memref<64x128xf32, #tpu.memory_space<vmem>>, vector<1x16xf32>,
          %get3A_291 = arith.index_cast %add3A_263 : i32 to index
          %get3A_292 = arith.constant 48 : index
          %get3A_293 = tpu.vector_load %arg8[%get3A_291, %get3A_292] {strides = array<i32>} : memref<128x128xf32, #tpu.memory_space<vmem>>, vector<1x16xf32>,
          %get3A_294 = vector.shape_cast %get3A_293 : vector<1x16xf32> to vector<16xf32>
          %swap3A_295 = arith.index_cast %add3A_221 : i32 to index
          %swap3A_296 = arith.constant 112 : index
          %swap3A_297 = tpu.vector_load %arg6[%swap3A_295, %swap3A_296] {strides = array<i32>} : memref<64x128xf32, #tpu.memory_space<vmem>>, vector<1x16xf32>,
          %swap3A_298 = vector.shape_cast %swap3A_297 : vector<1x16xf32> to vector<16xf32>
          %swap3A_299 = vector.shape_cast %get3A_294 : vector<16xf32> to vector<1x16xf32>
          tpu.vector_store %arg6[%swap3A_295, %swap3A_296], %swap3A_299 {add = true, strides = array<i32>} : memref<64x128xf32, #tpu.memory_space<vmem>>, vector<1x16xf32>,
          %mul3A_300 = arith.constant 2 : i32
          %mul3A_301 = arith.muli %scan3A_216, %mul3A_300 : i32
          %add3A_302 = arith.constant 1 : i32
          %add3A_303 = arith.addi %mul3A_301, %add3A_302 : i32
          %mul3A_304 = arith.constant 2 : i32
          %mul3A_305 = arith.muli %add3A_303, %mul3A_304 : i32
          %add3A_306 = arith.constant 0 : i32
          %add3A_307 = arith.addi %mul3A_305, %add3A_306 : i32
          %get3A_308 = arith.index_cast %add3A_307 : i32 to index
          %get3A_309 = arith.constant 0 : index
          %get3A_310 = tpu.vector_load %arg8[%get3A_308, %get3A_309] {strides = array<i32>} : memref<128x128xf32, #tpu.memory_space<vmem>>, vector<1x16xf32>,
          %get3A_311 = vector.shape_cast %get3A_310 : vector<1x16xf32> to vector<16xf32>
          %swap3A_312 = arith.index_cast %add3A_303 : i32 to index
          %swap3A_313 = arith.constant 0 : index
          %swap3A_314 = tpu.vector_load %arg6[%swap3A_312, %swap3A_313] {strides = array<i32>} : memref<64x128xf32, #tpu.memory_space<vmem>>, vector<1x16xf32>,
          %swap3A_315 = vector.shape_cast %swap3A_314 : vector<1x16xf32> to vector<16xf32>
          %swap3A_316 = vector.shape_cast %get3A_311 : vector<16xf32> to vector<1x16xf32>
          tpu.vector_store %arg6[%swap3A_312, %swap3A_313], %swap3A_316 {add = true, strides = array<i32>} : memref<64x128xf32, #tpu.memory_space<vmem>>, vector<1x16xf32>,
          %get3A_317 = arith.index_cast %add3A_307 : i32 to index
          %get3A_318 = arith.constant 16 : index
          %get3A_319 = tpu.vector_load %arg8[%get3A_317, %get3A_318] {strides = array<i32>} : memref<128x128xf32, #tpu.memory_space<vmem>>, vector<1x16xf32>,
          %get3A_320 = vector.shape_cast %get3A_319 : vector<1x16xf32> to vector<16xf32>
          %swap3A_321 = arith.index_cast %add3A_303 : i32 to index
          %swap3A_322 = arith.constant 16 : index
          %swap3A_323 = tpu.vector_load %arg6[%swap3A_321, %swap3A_322] {strides = array<i32>} : memref<64x128xf32, #tpu.memory_space<vmem>>, vector<1x16xf32>,
          %swap3A_324 = vector.shape_cast %swap3A_323 : vector<1x16xf32> to vector<16xf32>
          %swap3A_325 = vector.shape_cast %get3A_320 : vector<16xf32> to vector<1x16xf32>
          tpu.vector_store %arg6[%swap3A_321, %swap3A_322], %swap3A_325 {add = true, strides = array<i32>} : memref<64x128xf32, #tpu.memory_space<vmem>>, vector<1x16xf32>,
          %get3A_326 = arith.index_cast %add3A_307 : i32 to index
          %get3A_327 = arith.constant 32 : index
          %get3A_328 = tpu.vector_load %arg8[%get3A_326, %get3A_327] {strides = array<i32>} : memref<128x128xf32, #tpu.memory_space<vmem>>, vector<1x16xf32>,
          %get3A_329 = vector.shape_cast %get3A_328 : vector<1x16xf32> to vector<16xf32>
          %swap3A_330 = arith.index_cast %add3A_303 : i32 to index
          %swap3A_331 = arith.constant 32 : index
          %swap3A_332 = tpu.vector_load %arg6[%swap3A_330, %swap3A_331] {strides = array<i32>} : memref<64x128xf32, #tpu.memory_space<vmem>>, vector<1x16xf32>,
          %swap3A_333 = vector.shape_cast %swap3A_332 : vector<1x16xf32> to vector<16xf32>
          %swap3A_334 = vector.shape_cast %get3A_329 : vector<16xf32> to vector<1x16xf32>
          tpu.vector_store %arg6[%swap3A_330, %swap3A_331], %swap3A_334 {add = true, strides = array<i32>} : memref<64x128xf32, #tpu.memory_space<vmem>>, vector<1x16xf32>,
          %get3A_335 = arith.index_cast %add3A_307 : i32 to index
          %get3A_336 = arith.constant 48 : index
          %get3A_337 = tpu.vector_load %arg8[%get3A_335, %get3A_336] {strides = array<i32>} : memref<128x128xf32, #tpu.memory_space<vmem>>, vector<1x16xf32>,
          %get3A_338 = vector.shape_cast %get3A_337 : vector<1x16xf32> to vector<16xf32>
          %swap3A_339 = arith.index_cast %add3A_303 : i32 to index
          %swap3A_340 = arith.constant 48 : index
          %swap3A_341 = tpu.vector_load %arg6[%swap3A_339, %swap3A_340] {strides = array<i32>} : memref<64x128xf32, #tpu.memory_space<vmem>>, vector<1x16xf32>,
          %swap3A_342 = vector.shape_cast %swap3A_341 : vector<1x16xf32> to vector<16xf32>
          %swap3A_343 = vector.shape_cast %get3A_338 : vector<16xf32> to vector<1x16xf32>
          tpu.vector_store %arg6[%swap3A_339, %swap3A_340], %swap3A_343 {add = true, strides = array<i32>} : memref<64x128xf32, #tpu.memory_space<vmem>>, vector<1x16xf32>,
          %mul3A_344 = arith.constant 2 : i32
          %mul3A_345 = arith.muli %add3A_303, %mul3A_344 : i32
          %add3A_346 = arith.constant 1 : i32
          %add3A_347 = arith.addi %mul3A_345, %add3A_346 : i32
          %get3A_348 = arith.index_cast %add3A_347 : i32 to index
          %get3A_349 = arith.constant 0 : index
          %get3A_350 = tpu.vector_load %arg8[%get3A_348, %get3A_349] {strides = array<i32>} : memref<128x128xf32, #tpu.memory_space<vmem>>, vector<1x16xf32>,
          %get3A_351 = vector.shape_cast %get3A_350 : vector<1x16xf32> to vector<16xf32>
          %swap3A_352 = arith.index_cast %add3A_303 : i32 to index
          %swap3A_353 = arith.constant 64 : index
          %swap3A_354 = tpu.vector_load %arg6[%swap3A_352, %swap3A_353] {strides = array<i32>} : memref<64x128xf32, #tpu.memory_space<vmem>>, vector<1x16xf32>,
          %swap3A_355 = vector.shape_cast %swap3A_354 : vector<1x16xf32> to vector<16xf32>
          %swap3A_356 = vector.shape_cast %get3A_351 : vector<16xf32> to vector<1x16xf32>
          tpu.vector_store %arg6[%swap3A_352, %swap3A_353], %swap3A_356 {add = true, strides = array<i32>} : memref<64x128xf32, #tpu.memory_space<vmem>>, vector<1x16xf32>,
          %get3A_357 = arith.index_cast %add3A_347 : i32 to index
          %get3A_358 = arith.constant 16 : index
          %get3A_359 = tpu.vector_load %arg8[%get3A_357, %get3A_358] {strides = array<i32>} : memref<128x128xf32, #tpu.memory_space<vmem>>, vector<1x16xf32>,
          %get3A_360 = vector.shape_cast %get3A_359 : vector<1x16xf32> to vector<16xf32>
          %swap3A_361 = arith.index_cast %add3A_303 : i32 to index
          %swap3A_362 = arith.constant 80 : index
          %swap3A_363 = tpu.vector_load %arg6[%swap3A_361, %swap3A_362] {strides = array<i32>} : memref<64x128xf32, #tpu.memory_space<vmem>>, vector<1x16xf32>,
          %swap3A_364 = vector.shape_cast %swap3A_363 : vector<1x16xf32> to vector<16xf32>
          %swap3A_365 = vector.shape_cast %get3A_360 : vector<16xf32> to vector<1x16xf32>
          tpu.vector_store %arg6[%swap3A_361, %swap3A_362], %swap3A_365 {add = true, strides = array<i32>} : memref<64x128xf32, #tpu.memory_space<vmem>>, vector<1x16xf32>,
          %get3A_366 = arith.index_cast %add3A_347 : i32 to index
          %get3A_367 = arith.constant 32 : index
          %get3A_368 = tpu.vector_load %arg8[%get3A_366, %get3A_367] {strides = array<i32>} : memref<128x128xf32, #tpu.memory_space<vmem>>, vector<1x16xf32>,
          %get3A_369 = vector.shape_cast %get3A_368 : vector<1x16xf32> to vector<16xf32>
          %swap3A_370 = arith.index_cast %add3A_303 : i32 to index
          %swap3A_371 = arith.constant 96 : index
          %swap3A_372 = tpu.vector_load %arg6[%swap3A_370, %swap3A_371] {strides = array<i32>} : memref<64x128xf32, #tpu.memory_space<vmem>>, vector<1x16xf32>,
          %swap3A_373 = vector.shape_cast %swap3A_372 : vector<1x16xf32> to vector<16xf32>
          %swap3A_374 = vector.shape_cast %get3A_369 : vector<16xf32> to vector<1x16xf32>
          tpu.vector_store %arg6[%swap3A_370, %swap3A_371], %swap3A_374 {add = true, strides = array<i32>} : memref<64x128xf32, #tpu.memory_space<vmem>>, vector<1x16xf32>,
          %get3A_375 = arith.index_cast %add3A_347 : i32 to index
          %get3A_376 = arith.constant 48 : index
          %get3A_377 = tpu.vector_load %arg8[%get3A_375, %get3A_376] {strides = array<i32>} : memref<128x128xf32, #tpu.memory_space<vmem>>, vector<1x16xf32>,
          %get3A_378 = vector.shape_cast %get3A_377 : vector<1x16xf32> to vector<16xf32>
          %swap3A_379 = arith.index_cast %add3A_303 : i32 to index
          %swap3A_380 = arith.constant 112 : index
          %swap3A_381 = tpu.vector_load %arg6[%swap3A_379, %swap3A_380] {strides = array<i32>} : memref<64x128xf32, #tpu.memory_space<vmem>>, vector<1x16xf32>,
          %swap3A_382 = vector.shape_cast %swap3A_381 : vector<1x16xf32> to vector<16xf32>
          %swap3A_383 = vector.shape_cast %get3A_378 : vector<16xf32> to vector<1x16xf32>
          tpu.vector_store %arg6[%swap3A_379, %swap3A_380], %swap3A_383 {add = true, strides = array<i32>} : memref<64x128xf32, #tpu.memory_space<vmem>>, vector<1x16xf32>,
          %scan3A_384 = arith.constant 0 : i32
          scf.yield %scan3A_384 : i32
        }
        %scan3A_180 = arith.constant 32 : i32
        %add3A_181 = arith.constant 3 : i32
        %add3A_182 = arith.addi %add3A_166, %add3A_181 : i32
        %dma_start3A_183 = arith.constant 0 : i32
        %dma_start3A_184 = tpu.memref_slice %arg5[%add3A_182, %dma_start3A_183] : memref<50x128xi32, #tpu.memory_space<vmem>> -> memref<1x128xi32, #tpu.memory_space<vmem>>
        %dma_start3A_185 = tpu.memref_squeeze %dma_start3A_184 : memref<1x128xi32, #tpu.memory_space<vmem>> -> memref<128xi32, #tpu.memory_space<vmem>>
        %dma_start3A_186 = arith.constant 0 : i32
        %dma_start3A_187 = arith.constant 0 : i32
        %dma_start3A_188 = tpu.memref_slice %arg2[%dma_start3A_186, %dma_start3A_187] : memref<1000000x128xf32, #tpu.memory_space<hbm>> -> memref<1000000x128xf32, #tpu.memory_space<hbm>>
        tpu.enqueue_indirect_dma source(%dma_start3A_188 : memref<1000000x128xf32, #tpu.memory_space<hbm>>) target(%arg8 : memref<128x128xf32, #tpu.memory_space<vmem>>) offsets(%dma_start3A_185 : memref<128xi32, #tpu.memory_space<vmem>>) semaphore(%arg11 : memref<!tpu.dma_semaphore, #tpu.memory_space<semaphore_mem>>)
        %mul3A_189 = arith.constant 3 : i32
        %mul3A_190 = arith.muli %mul3A_189, %scan3A_135 : i32
        %add3A_191 = arith.constant 2 : i32
        %add3A_192 = arith.addi %mul3A_190, %add3A_191 : i32
        %dma_wait3A_193 = arith.constant 0 : i32
        %dma_wait3A_194 = arith.constant 0 : i32
        %dma_wait3A_195 = tpu.memref_slice %arg5[%dma_wait3A_193, %dma_wait3A_194] : memref<50x128xi32, #tpu.memory_space<vmem>> -> memref<1x128xi32, #tpu.memory_space<vmem>>
        %dma_wait3A_196 = tpu.memref_squeeze %dma_wait3A_195 : memref<1x128xi32, #tpu.memory_space<vmem>> -> memref<128xi32, #tpu.memory_space<vmem>>
        %dma_wait3A_197 = arith.constant 0 : i32
        %dma_wait3A_198 = arith.constant 0 : i32
        %dma_wait3A_199 = tpu.memref_slice %arg2[%dma_wait3A_197, %dma_wait3A_198] : memref<1000000x128xf32, #tpu.memory_space<hbm>> -> memref<1000000x128xf32, #tpu.memory_space<hbm>>
        tpu.wait_indirect_dma semaphore(%arg12 : memref<!tpu.dma_semaphore, #tpu.memory_space<semaphore_mem>>) src(%dma_wait3A_199 : memref<1000000x128xf32, #tpu.memory_space<hbm>>) dst(%arg9 : memref<128x128xf32, #tpu.memory_space<vmem>>)
        %scan3A_200 = arith.constant 0 : i32
        %scan3A_201 = arith.constant 0 : i32
        %scan3A_202 = arith.constant 32 : i32
        %scan3A_203 = arith.addi %scan3A_201, %scan3A_202 : i32
        %scan3A_204 = arith.constant 1 : i32
        %scan3A_205 = scf.for %scan3A_216 = %scan3A_201 to %scan3A_203 step %scan3A_204 iter_args(%scan3A_217 = %scan3A_200) -> (i32)  : i32 {
          %mul3A_218 = arith.constant 2 : i32
          %mul3A_219 = arith.muli %scan3A_216, %mul3A_218 : i32
          %add3A_220 = arith.constant 0 : i32
          %add3A_221 = arith.addi %mul3A_219, %add3A_220 : i32
          %mul3A_222 = arith.constant 2 : i32
          %mul3A_223 = arith.muli %add3A_221, %mul3A_222 : i32
          %add3A_224 = arith.constant 0 : i32
          %add3A_225 = arith.addi %mul3A_223, %add3A_224 : i32
          %get3A = arith.index_cast %add3A_225 : i32 to index
          %get3A_226 = arith.constant 0 : index
          %get3A_227 = tpu.vector_load %arg9[%get3A, %get3A_226] {strides = array<i32>} : memref<128x128xf32, #tpu.memory_space<vmem>>, vector<1x16xf32>,
          %get3A_228 = vector.shape_cast %get3A_227 : vector<1x16xf32> to vector<16xf32>
          %swap3A = arith.index_cast %add3A_221 : i32 to index
          %swap3A_229 = arith.constant 0 : index
          %swap3A_230 = tpu.vector_load %arg6[%swap3A, %swap3A_229] {strides = array<i32>} : memref<64x128xf32, #tpu.memory_space<vmem>>, vector<1x16xf32>,
          %swap3A_231 = vector.shape_cast %swap3A_230 : vector<1x16xf32> to vector<16xf32>
          %swap3A_232 = vector.shape_cast %get3A_228 : vector<16xf32> to vector<1x16xf32>
          tpu.vector_store %arg6[%swap3A, %swap3A_229], %swap3A_232 {add = true, strides = array<i32>} : memref<64x128xf32, #tpu.memory_space<vmem>>, vector<1x16xf32>,
          %get3A_233 = arith.index_cast %add3A_225 : i32 to index
          %get3A_234 = arith.constant 16 : index
          %get3A_235 = tpu.vector_load %arg9[%get3A_233, %get3A_234] {strides = array<i32>} : memref<128x128xf32, #tpu.memory_space<vmem>>, vector<1x16xf32>,
          %get3A_236 = vector.shape_cast %get3A_235 : vector<1x16xf32> to vector<16xf32>
          %swap3A_237 = arith.index_cast %add3A_221 : i32 to index
          %swap3A_238 = arith.constant 16 : index
          %swap3A_239 = tpu.vector_load %arg6[%swap3A_237, %swap3A_238] {strides = array<i32>} : memref<64x128xf32, #tpu.memory_space<vmem>>, vector<1x16xf32>,
          %swap3A_240 = vector.shape_cast %swap3A_239 : vector<1x16xf32> to vector<16xf32>
          %swap3A_241 = vector.shape_cast %get3A_236 : vector<16xf32> to vector<1x16xf32>
          tpu.vector_store %arg6[%swap3A_237, %swap3A_238], %swap3A_241 {add = true, strides = array<i32>} : memref<64x128xf32, #tpu.memory_space<vmem>>, vector<1x16xf32>,
          %get3A_242 = arith.index_cast %add3A_225 : i32 to index
          %get3A_243 = arith.constant 32 : index
          %get3A_244 = tpu.vector_load %arg9[%get3A_242, %get3A_243] {strides = array<i32>} : memref<128x128xf32, #tpu.memory_space<vmem>>, vector<1x16xf32>,
          %get3A_245 = vector.shape_cast %get3A_244 : vector<1x16xf32> to vector<16xf32>
          %swap3A_246 = arith.index_cast %add3A_221 : i32 to index
          %swap3A_247 = arith.constant 32 : index
          %swap3A_248 = tpu.vector_load %arg6[%swap3A_246, %swap3A_247] {strides = array<i32>} : memref<64x128xf32, #tpu.memory_space<vmem>>, vector<1x16xf32>,
          %swap3A_249 = vector.shape_cast %swap3A_248 : vector<1x16xf32> to vector<16xf32>
          %swap3A_250 = vector.shape_cast %get3A_245 : vector<16xf32> to vector<1x16xf32>
          tpu.vector_store %arg6[%swap3A_246, %swap3A_247], %swap3A_250 {add = true, strides = array<i32>} : memref<64x128xf32, #tpu.memory_space<vmem>>, vector<1x16xf32>,
          %get3A_251 = arith.index_cast %add3A_225 : i32 to index
          %get3A_252 = arith.constant 48 : index
          %get3A_253 = tpu.vector_load %arg9[%get3A_251, %get3A_252] {strides = array<i32>} : memref<128x128xf32, #tpu.memory_space<vmem>>, vector<1x16xf32>,
          %get3A_254 = vector.shape_cast %get3A_253 : vector<1x16xf32> to vector<16xf32>
          %swap3A_255 = arith.index_cast %add3A_221 : i32 to index
          %swap3A_256 = arith.constant 48 : index
          %swap3A_257 = tpu.vector_load %arg6[%swap3A_255, %swap3A_256] {strides = array<i32>} : memref<64x128xf32, #tpu.memory_space<vmem>>, vector<1x16xf32>,
          %swap3A_258 = vector.shape_cast %swap3A_257 : vector<1x16xf32> to vector<16xf32>
          %swap3A_259 = vector.shape_cast %get3A_254 : vector<16xf32> to vector<1x16xf32>
          tpu.vector_store %arg6[%swap3A_255, %swap3A_256], %swap3A_259 {add = true, strides = array<i32>} : memref<64x128xf32, #tpu.memory_space<vmem>>, vector<1x16xf32>,
          %mul3A_260 = arith.constant 2 : i32
          %mul3A_261 = arith.muli %add3A_221, %mul3A_260 : i32
          %add3A_262 = arith.constant 1 : i32
          %add3A_263 = arith.addi %mul3A_261, %add3A_262 : i32
          %get3A_264 = arith.index_cast %add3A_263 : i32 to index
          %get3A_265 = arith.constant 0 : index
          %get3A_266 = tpu.vector_load %arg9[%get3A_264, %get3A_265] {strides = array<i32>} : memref<128x128xf32, #tpu.memory_space<vmem>>, vector<1x16xf32>,
          %get3A_267 = vector.shape_cast %get3A_266 : vector<1x16xf32> to vector<16xf32>
          %swap3A_268 = arith.index_cast %add3A_221 : i32 to index
          %swap3A_269 = arith.constant 64 : index
          %swap3A_270 = tpu.vector_load %arg6[%swap3A_268, %swap3A_269] {strides = array<i32>} : memref<64x128xf32, #tpu.memory_space<vmem>>, vector<1x16xf32>,
          %swap3A_271 = vector.shape_cast %swap3A_270 : vector<1x16xf32> to vector<16xf32>
          %swap3A_272 = vector.shape_cast %get3A_267 : vector<16xf32> to vector<1x16xf32>
          tpu.vector_store %arg6[%swap3A_268, %swap3A_269], %swap3A_272 {add = true, strides = array<i32>} : memref<64x128xf32, #tpu.memory_space<vmem>>, vector<1x16xf32>,
          %get3A_273 = arith.index_cast %add3A_263 : i32 to index
          %get3A_274 = arith.constant 16 : index
          %get3A_275 = tpu.vector_load %arg9[%get3A_273, %get3A_274] {strides = array<i32>} : memref<128x128xf32, #tpu.memory_space<vmem>>, vector<1x16xf32>,
          %get3A_276 = vector.shape_cast %get3A_275 : vector<1x16xf32> to vector<16xf32>
          %swap3A_277 = arith.index_cast %add3A_221 : i32 to index
          %swap3A_278 = arith.constant 80 : index
          %swap3A_279 = tpu.vector_load %arg6[%swap3A_277, %swap3A_278] {strides = array<i32>} : memref<64x128xf32, #tpu.memory_space<vmem>>, vector<1x16xf32>,
          %swap3A_280 = vector.shape_cast %swap3A_279 : vector<1x16xf32> to vector<16xf32>
          %swap3A_281 = vector.shape_cast %get3A_276 : vector<16xf32> to vector<1x16xf32>
          tpu.vector_store %arg6[%swap3A_277, %swap3A_278], %swap3A_281 {add = true, strides = array<i32>} : memref<64x128xf32, #tpu.memory_space<vmem>>, vector<1x16xf32>,
          %get3A_282 = arith.index_cast %add3A_263 : i32 to index
          %get3A_283 = arith.constant 32 : index
          %get3A_284 = tpu.vector_load %arg9[%get3A_282, %get3A_283] {strides = array<i32>} : memref<128x128xf32, #tpu.memory_space<vmem>>, vector<1x16xf32>,
          %get3A_285 = vector.shape_cast %get3A_284 : vector<1x16xf32> to vector<16xf32>
          %swap3A_286 = arith.index_cast %add3A_221 : i32 to index
          %swap3A_287 = arith.constant 96 : index
          %swap3A_288 = tpu.vector_load %arg6[%swap3A_286, %swap3A_287] {strides = array<i32>} : memref<64x128xf32, #tpu.memory_space<vmem>>, vector<1x16xf32>,
          %swap3A_289 = vector.shape_cast %swap3A_288 : vector<1x16xf32> to vector<16xf32>
          %swap3A_290 = vector.shape_cast %get3A_285 : vector<16xf32> to vector<1x16xf32>
          tpu.vector_store %arg6[%swap3A_286, %swap3A_287], %swap3A_290 {add = true, strides = array<i32>} : memref<64x128xf32, #tpu.memory_space<vmem>>, vector<1x16xf32>,
          %get3A_291 = arith.index_cast %add3A_263 : i32 to index
          %get3A_292 = arith.constant 48 : index
          %get3A_293 = tpu.vector_load %arg9[%get3A_291, %get3A_292] {strides = array<i32>} : memref<128x128xf32, #tpu.memory_space<vmem>>, vector<1x16xf32>,
          %get3A_294 = vector.shape_cast %get3A_293 : vector<1x16xf32> to vector<16xf32>
          %swap3A_295 = arith.index_cast %add3A_221 : i32 to index
          %swap3A_296 = arith.constant 112 : index
          %swap3A_297 = tpu.vector_load %arg6[%swap3A_295, %swap3A_296] {strides = array<i32>} : memref<64x128xf32, #tpu.memory_space<vmem>>, vector<1x16xf32>,
          %swap3A_298 = vector.shape_cast %swap3A_297 : vector<1x16xf32> to vector<16xf32>
          %swap3A_299 = vector.shape_cast %get3A_294 : vector<16xf32> to vector<1x16xf32>
          tpu.vector_store %arg6[%swap3A_295, %swap3A_296], %swap3A_299 {add = true, strides = array<i32>} : memref<64x128xf32, #tpu.memory_space<vmem>>, vector<1x16xf32>,
          %mul3A_300 = arith.constant 2 : i32
          %mul3A_301 = arith.muli %scan3A_216, %mul3A_300 : i32
          %add3A_302 = arith.constant 1 : i32
          %add3A_303 = arith.addi %mul3A_301, %add3A_302 : i32
          %mul3A_304 = arith.constant 2 : i32
          %mul3A_305 = arith.muli %add3A_303, %mul3A_304 : i32
          %add3A_306 = arith.constant 0 : i32
          %add3A_307 = arith.addi %mul3A_305, %add3A_306 : i32
          %get3A_308 = arith.index_cast %add3A_307 : i32 to index
          %get3A_309 = arith.constant 0 : index
          %get3A_310 = tpu.vector_load %arg9[%get3A_308, %get3A_309] {strides = array<i32>} : memref<128x128xf32, #tpu.memory_space<vmem>>, vector<1x16xf32>,
          %get3A_311 = vector.shape_cast %get3A_310 : vector<1x16xf32> to vector<16xf32>
          %swap3A_312 = arith.index_cast %add3A_303 : i32 to index
          %swap3A_313 = arith.constant 0 : index
          %swap3A_314 = tpu.vector_load %arg6[%swap3A_312, %swap3A_313] {strides = array<i32>} : memref<64x128xf32, #tpu.memory_space<vmem>>, vector<1x16xf32>,
          %swap3A_315 = vector.shape_cast %swap3A_314 : vector<1x16xf32> to vector<16xf32>
          %swap3A_316 = vector.shape_cast %get3A_311 : vector<16xf32> to vector<1x16xf32>
          tpu.vector_store %arg6[%swap3A_312, %swap3A_313], %swap3A_316 {add = true, strides = array<i32>} : memref<64x128xf32, #tpu.memory_space<vmem>>, vector<1x16xf32>,
          %get3A_317 = arith.index_cast %add3A_307 : i32 to index
          %get3A_318 = arith.constant 16 : index
          %get3A_319 = tpu.vector_load %arg9[%get3A_317, %get3A_318] {strides = array<i32>} : memref<128x128xf32, #tpu.memory_space<vmem>>, vector<1x16xf32>,
          %get3A_320 = vector.shape_cast %get3A_319 : vector<1x16xf32> to vector<16xf32>
          %swap3A_321 = arith.index_cast %add3A_303 : i32 to index
          %swap3A_322 = arith.constant 16 : index
          %swap3A_323 = tpu.vector_load %arg6[%swap3A_321, %swap3A_322] {strides = array<i32>} : memref<64x128xf32, #tpu.memory_space<vmem>>, vector<1x16xf32>,
          %swap3A_324 = vector.shape_cast %swap3A_323 : vector<1x16xf32> to vector<16xf32>
          %swap3A_325 = vector.shape_cast %get3A_320 : vector<16xf32> to vector<1x16xf32>
          tpu.vector_store %arg6[%swap3A_321, %swap3A_322], %swap3A_325 {add = true, strides = array<i32>} : memref<64x128xf32, #tpu.memory_space<vmem>>, vector<1x16xf32>,
          %get3A_326 = arith.index_cast %add3A_307 : i32 to index
          %get3A_327 = arith.constant 32 : index
          %get3A_328 = tpu.vector_load %arg9[%get3A_326, %get3A_327] {strides = array<i32>} : memref<128x128xf32, #tpu.memory_space<vmem>>, vector<1x16xf32>,
          %get3A_329 = vector.shape_cast %get3A_328 : vector<1x16xf32> to vector<16xf32>
          %swap3A_330 = arith.index_cast %add3A_303 : i32 to index
          %swap3A_331 = arith.constant 32 : index
          %swap3A_332 = tpu.vector_load %arg6[%swap3A_330, %swap3A_331] {strides = array<i32>} : memref<64x128xf32, #tpu.memory_space<vmem>>, vector<1x16xf32>,
          %swap3A_333 = vector.shape_cast %swap3A_332 : vector<1x16xf32> to vector<16xf32>
          %swap3A_334 = vector.shape_cast %get3A_329 : vector<16xf32> to vector<1x16xf32>
          tpu.vector_store %arg6[%swap3A_330, %swap3A_331], %swap3A_334 {add = true, strides = array<i32>} : memref<64x128xf32, #tpu.memory_space<vmem>>, vector<1x16xf32>,
          %get3A_335 = arith.index_cast %add3A_307 : i32 to index
          %get3A_336 = arith.constant 48 : index
          %get3A_337 = tpu.vector_load %arg9[%get3A_335, %get3A_336] {strides = array<i32>} : memref<128x128xf32, #tpu.memory_space<vmem>>, vector<1x16xf32>,
          %get3A_338 = vector.shape_cast %get3A_337 : vector<1x16xf32> to vector<16xf32>
          %swap3A_339 = arith.index_cast %add3A_303 : i32 to index
          %swap3A_340 = arith.constant 48 : index
          %swap3A_341 = tpu.vector_load %arg6[%swap3A_339, %swap3A_340] {strides = array<i32>} : memref<64x128xf32, #tpu.memory_space<vmem>>, vector<1x16xf32>,
          %swap3A_342 = vector.shape_cast %swap3A_341 : vector<1x16xf32> to vector<16xf32>
          %swap3A_343 = vector.shape_cast %get3A_338 : vector<16xf32> to vector<1x16xf32>
          tpu.vector_store %arg6[%swap3A_339, %swap3A_340], %swap3A_343 {add = true, strides = array<i32>} : memref<64x128xf32, #tpu.memory_space<vmem>>, vector<1x16xf32>,
          %mul3A_344 = arith.constant 2 : i32
          %mul3A_345 = arith.muli %add3A_303, %mul3A_344 : i32
          %add3A_346 = arith.constant 1 : i32
          %add3A_347 = arith.addi %mul3A_345, %add3A_346 : i32
          %get3A_348 = arith.index_cast %add3A_347 : i32 to index
          %get3A_349 = arith.constant 0 : index
          %get3A_350 = tpu.vector_load %arg9[%get3A_348, %get3A_349] {strides = array<i32>} : memref<128x128xf32, #tpu.memory_space<vmem>>, vector<1x16xf32>,
          %get3A_351 = vector.shape_cast %get3A_350 : vector<1x16xf32> to vector<16xf32>
          %swap3A_352 = arith.index_cast %add3A_303 : i32 to index
          %swap3A_353 = arith.constant 64 : index
          %swap3A_354 = tpu.vector_load %arg6[%swap3A_352, %swap3A_353] {strides = array<i32>} : memref<64x128xf32, #tpu.memory_space<vmem>>, vector<1x16xf32>,
          %swap3A_355 = vector.shape_cast %swap3A_354 : vector<1x16xf32> to vector<16xf32>
          %swap3A_356 = vector.shape_cast %get3A_351 : vector<16xf32> to vector<1x16xf32>
          tpu.vector_store %arg6[%swap3A_352, %swap3A_353], %swap3A_356 {add = true, strides = array<i32>} : memref<64x128xf32, #tpu.memory_space<vmem>>, vector<1x16xf32>,
          %get3A_357 = arith.index_cast %add3A_347 : i32 to index
          %get3A_358 = arith.constant 16 : index
          %get3A_359 = tpu.vector_load %arg9[%get3A_357, %get3A_358] {strides = array<i32>} : memref<128x128xf32, #tpu.memory_space<vmem>>, vector<1x16xf32>,
          %get3A_360 = vector.shape_cast %get3A_359 : vector<1x16xf32> to vector<16xf32>
          %swap3A_361 = arith.index_cast %add3A_303 : i32 to index
          %swap3A_362 = arith.constant 80 : index
          %swap3A_363 = tpu.vector_load %arg6[%swap3A_361, %swap3A_362] {strides = array<i32>} : memref<64x128xf32, #tpu.memory_space<vmem>>, vector<1x16xf32>,
          %swap3A_364 = vector.shape_cast %swap3A_363 : vector<1x16xf32> to vector<16xf32>
          %swap3A_365 = vector.shape_cast %get3A_360 : vector<16xf32> to vector<1x16xf32>
          tpu.vector_store %arg6[%swap3A_361, %swap3A_362], %swap3A_365 {add = true, strides = array<i32>} : memref<64x128xf32, #tpu.memory_space<vmem>>, vector<1x16xf32>,
          %get3A_366 = arith.index_cast %add3A_347 : i32 to index
          %get3A_367 = arith.constant 32 : index
          %get3A_368 = tpu.vector_load %arg9[%get3A_366, %get3A_367] {strides = array<i32>} : memref<128x128xf32, #tpu.memory_space<vmem>>, vector<1x16xf32>,
          %get3A_369 = vector.shape_cast %get3A_368 : vector<1x16xf32> to vector<16xf32>
          %swap3A_370 = arith.index_cast %add3A_303 : i32 to index
          %swap3A_371 = arith.constant 96 : index
          %swap3A_372 = tpu.vector_load %arg6[%swap3A_370, %swap3A_371] {strides = array<i32>} : memref<64x128xf32, #tpu.memory_space<vmem>>, vector<1x16xf32>,
          %swap3A_373 = vector.shape_cast %swap3A_372 : vector<1x16xf32> to vector<16xf32>
          %swap3A_374 = vector.shape_cast %get3A_369 : vector<16xf32> to vector<1x16xf32>
          tpu.vector_store %arg6[%swap3A_370, %swap3A_371], %swap3A_374 {add = true, strides = array<i32>} : memref<64x128xf32, #tpu.memory_space<vmem>>, vector<1x16xf32>,
          %get3A_375 = arith.index_cast %add3A_347 : i32 to index
          %get3A_376 = arith.constant 48 : index
          %get3A_377 = tpu.vector_load %arg9[%get3A_375, %get3A_376] {strides = array<i32>} : memref<128x128xf32, #tpu.memory_space<vmem>>, vector<1x16xf32>,
          %get3A_378 = vector.shape_cast %get3A_377 : vector<1x16xf32> to vector<16xf32>
          %swap3A_379 = arith.index_cast %add3A_303 : i32 to index
          %swap3A_380 = arith.constant 112 : index
          %swap3A_381 = tpu.vector_load %arg6[%swap3A_379, %swap3A_380] {strides = array<i32>} : memref<64x128xf32, #tpu.memory_space<vmem>>, vector<1x16xf32>,
          %swap3A_382 = vector.shape_cast %swap3A_381 : vector<1x16xf32> to vector<16xf32>
          %swap3A_383 = vector.shape_cast %get3A_378 : vector<16xf32> to vector<1x16xf32>
          tpu.vector_store %arg6[%swap3A_379, %swap3A_380], %swap3A_383 {add = true, strides = array<i32>} : memref<64x128xf32, #tpu.memory_space<vmem>>, vector<1x16xf32>,
          %scan3A_384 = arith.constant 0 : i32
          scf.yield %scan3A_384 : i32
        }
        %scan3A_206 = arith.constant 32 : i32
        %add3A_207 = arith.constant 3 : i32
        %add3A_208 = arith.addi %add3A_192, %add3A_207 : i32
        %dma_start3A_209 = arith.constant 0 : i32
        %dma_start3A_210 = tpu.memref_slice %arg5[%add3A_208, %dma_start3A_209] : memref<50x128xi32, #tpu.memory_space<vmem>> -> memref<1x128xi32, #tpu.memory_space<vmem>>
        %dma_start3A_211 = tpu.memref_squeeze %dma_start3A_210 : memref<1x128xi32, #tpu.memory_space<vmem>> -> memref<128xi32, #tpu.memory_space<vmem>>
        %dma_start3A_212 = arith.constant 0 : i32
        %dma_start3A_213 = arith.constant 0 : i32
        %dma_start3A_214 = tpu.memref_slice %arg2[%dma_start3A_212, %dma_start3A_213] : memref<1000000x128xf32, #tpu.memory_space<hbm>> -> memref<1000000x128xf32, #tpu.memory_space<hbm>>
        tpu.enqueue_indirect_dma source(%dma_start3A_214 : memref<1000000x128xf32, #tpu.memory_space<hbm>>) target(%arg9 : memref<128x128xf32, #tpu.memory_space<vmem>>) offsets(%dma_start3A_211 : memref<128xi32, #tpu.memory_space<vmem>>) semaphore(%arg12 : memref<!tpu.dma_semaphore, #tpu.memory_space<semaphore_mem>>)
        %scan3A_215 = arith.constant 0 : i32
        scf.yield %scan3A_215 : i32
      }
      %scan3A_48 = arith.constant 15 : i32
      %dma_wait3A = arith.constant 0 : i32
      %dma_wait3A_49 = arith.constant 0 : i32
      %dma_wait3A_50 = tpu.memref_slice %arg5[%dma_wait3A, %dma_wait3A_49] : memref<50x128xi32, #tpu.memory_space<vmem>> -> memref<1x128xi32, #tpu.memory_space<vmem>>
      %dma_wait3A_51 = tpu.memref_squeeze %dma_wait3A_50 : memref<1x128xi32, #tpu.memory_space<vmem>> -> memref<128xi32, #tpu.memory_space<vmem>>
      %dma_wait3A_52 = arith.constant 0 : i32
      %dma_wait3A_53 = arith.constant 0 : i32
      %dma_wait3A_54 = tpu.memref_slice %arg2[%dma_wait3A_52, %dma_wait3A_53] : memref<1000000x128xf32, #tpu.memory_space<hbm>> -> memref<1000000x128xf32, #tpu.memory_space<hbm>>
      tpu.wait_indirect_dma semaphore(%arg10 : memref<!tpu.dma_semaphore, #tpu.memory_space<semaphore_mem>>) src(%dma_wait3A_54 : memref<1000000x128xf32, #tpu.memory_space<hbm>>) dst(%arg7 : memref<128x128xf32, #tpu.memory_space<vmem>>)
      %scan3A_55 = arith.constant 0 : i32
      %scan3A_56 = arith.constant 0 : i32
      %scan3A_57 = arith.constant 32 : i32
      %scan3A_58 = arith.addi %scan3A_56, %scan3A_57 : i32
      %scan3A_59 = arith.constant 1 : i32
      %scan3A_60 = scf.for %scan3A_135 = %scan3A_56 to %scan3A_58 step %scan3A_59 iter_args(%scan3A_136 = %scan3A_55) -> (i32)  : i32 {
        %mul3A_137 = arith.constant 2 : i32
        %mul3A_138 = arith.muli %scan3A_135, %mul3A_137 : i32
        %add3A_139 = arith.constant 0 : i32
        %add3A_140 = arith.addi %mul3A_138, %add3A_139 : i32
        %mul3A_141 = arith.constant 2 : i32
        %mul3A_142 = arith.muli %add3A_140, %mul3A_141 : i32
        %add3A_143 = arith.constant 0 : i32
        %add3A_144 = arith.addi %mul3A_142, %add3A_143 : i32
        %get3A = arith.index_cast %add3A_144 : i32 to index
        %get3A_145 = arith.constant 0 : index
        %get3A_146 = tpu.vector_load %arg7[%get3A, %get3A_145] {strides = array<i32>} : memref<128x128xf32, #tpu.memory_space<vmem>>, vector<1x16xf32>,
        %get3A_147 = vector.shape_cast %get3A_146 : vector<1x16xf32> to vector<16xf32>
        %swap3A = arith.index_cast %add3A_140 : i32 to index
        %swap3A_148 = arith.constant 0 : index
        %swap3A_149 = tpu.vector_load %arg6[%swap3A, %swap3A_148] {strides = array<i32>} : memref<64x128xf32, #tpu.memory_space<vmem>>, vector<1x16xf32>,
        %swap3A_150 = vector.shape_cast %swap3A_149 : vector<1x16xf32> to vector<16xf32>
        %swap3A_151 = vector.shape_cast %get3A_147 : vector<16xf32> to vector<1x16xf32>
        tpu.vector_store %arg6[%swap3A, %swap3A_148], %swap3A_151 {add = true, strides = array<i32>} : memref<64x128xf32, #tpu.memory_space<vmem>>, vector<1x16xf32>,
        %get3A_152 = arith.index_cast %add3A_144 : i32 to index
        %get3A_153 = arith.constant 16 : index
        %get3A_154 = tpu.vector_load %arg7[%get3A_152, %get3A_153] {strides = array<i32>} : memref<128x128xf32, #tpu.memory_space<vmem>>, vector<1x16xf32>,
        %get3A_155 = vector.shape_cast %get3A_154 : vector<1x16xf32> to vector<16xf32>
        %swap3A_156 = arith.index_cast %add3A_140 : i32 to index
        %swap3A_157 = arith.constant 16 : index
        %swap3A_158 = tpu.vector_load %arg6[%swap3A_156, %swap3A_157] {strides = array<i32>} : memref<64x128xf32, #tpu.memory_space<vmem>>, vector<1x16xf32>,
        %swap3A_159 = vector.shape_cast %swap3A_158 : vector<1x16xf32> to vector<16xf32>
        %swap3A_160 = vector.shape_cast %get3A_155 : vector<16xf32> to vector<1x16xf32>
        tpu.vector_store %arg6[%swap3A_156, %swap3A_157], %swap3A_160 {add = true, strides = array<i32>} : memref<64x128xf32, #tpu.memory_space<vmem>>, vector<1x16xf32>,
        %get3A_161 = arith.index_cast %add3A_144 : i32 to index
        %get3A_162 = arith.constant 32 : index
        %get3A_163 = tpu.vector_load %arg7[%get3A_161, %get3A_162] {strides = array<i32>} : memref<128x128xf32, #tpu.memory_space<vmem>>, vector<1x16xf32>,
        %get3A_164 = vector.shape_cast %get3A_163 : vector<1x16xf32> to vector<16xf32>
        %swap3A_165 = arith.index_cast %add3A_140 : i32 to index
        %swap3A_166 = arith.constant 32 : index
        %swap3A_167 = tpu.vector_load %arg6[%swap3A_165, %swap3A_166] {strides = array<i32>} : memref<64x128xf32, #tpu.memory_space<vmem>>, vector<1x16xf32>,
        %swap3A_168 = vector.shape_cast %swap3A_167 : vector<1x16xf32> to vector<16xf32>
        %swap3A_169 = vector.shape_cast %get3A_164 : vector<16xf32> to vector<1x16xf32>
        tpu.vector_store %arg6[%swap3A_165, %swap3A_166], %swap3A_169 {add = true, strides = array<i32>} : memref<64x128xf32, #tpu.memory_space<vmem>>, vector<1x16xf32>,
        %get3A_170 = arith.index_cast %add3A_144 : i32 to index
        %get3A_171 = arith.constant 48 : index
        %get3A_172 = tpu.vector_load %arg7[%get3A_170, %get3A_171] {strides = array<i32>} : memref<128x128xf32, #tpu.memory_space<vmem>>, vector<1x16xf32>,
        %get3A_173 = vector.shape_cast %get3A_172 : vector<1x16xf32> to vector<16xf32>
        %swap3A_174 = arith.index_cast %add3A_140 : i32 to index
        %swap3A_175 = arith.constant 48 : index
        %swap3A_176 = tpu.vector_load %arg6[%swap3A_174, %swap3A_175] {strides = array<i32>} : memref<64x128xf32, #tpu.memory_space<vmem>>, vector<1x16xf32>,
        %swap3A_177 = vector.shape_cast %swap3A_176 : vector<1x16xf32> to vector<16xf32>
        %swap3A_178 = vector.shape_cast %get3A_173 : vector<16xf32> to vector<1x16xf32>
        tpu.vector_store %arg6[%swap3A_174, %swap3A_175], %swap3A_178 {add = true, strides = array<i32>} : memref<64x128xf32, #tpu.memory_space<vmem>>, vector<1x16xf32>,
        %mul3A_179 = arith.constant 2 : i32
        %mul3A_180 = arith.muli %add3A_140, %mul3A_179 : i32
        %add3A_181 = arith.constant 1 : i32
        %add3A_182 = arith.addi %mul3A_180, %add3A_181 : i32
        %get3A_183 = arith.index_cast %add3A_182 : i32 to index
        %get3A_184 = arith.constant 0 : index
        %get3A_185 = tpu.vector_load %arg7[%get3A_183, %get3A_184] {strides = array<i32>} : memref<128x128xf32, #tpu.memory_space<vmem>>, vector<1x16xf32>,
        %get3A_186 = vector.shape_cast %get3A_185 : vector<1x16xf32> to vector<16xf32>
        %swap3A_187 = arith.index_cast %add3A_140 : i32 to index
        %swap3A_188 = arith.constant 64 : index
        %swap3A_189 = tpu.vector_load %arg6[%swap3A_187, %swap3A_188] {strides = array<i32>} : memref<64x128xf32, #tpu.memory_space<vmem>>, vector<1x16xf32>,
        %swap3A_190 = vector.shape_cast %swap3A_189 : vector<1x16xf32> to vector<16xf32>
        %swap3A_191 = vector.shape_cast %get3A_186 : vector<16xf32> to vector<1x16xf32>
        tpu.vector_store %arg6[%swap3A_187, %swap3A_188], %swap3A_191 {add = true, strides = array<i32>} : memref<64x128xf32, #tpu.memory_space<vmem>>, vector<1x16xf32>,
        %get3A_192 = arith.index_cast %add3A_182 : i32 to index
        %get3A_193 = arith.constant 16 : index
        %get3A_194 = tpu.vector_load %arg7[%get3A_192, %get3A_193] {strides = array<i32>} : memref<128x128xf32, #tpu.memory_space<vmem>>, vector<1x16xf32>,
        %get3A_195 = vector.shape_cast %get3A_194 : vector<1x16xf32> to vector<16xf32>
        %swap3A_196 = arith.index_cast %add3A_140 : i32 to index
        %swap3A_197 = arith.constant 80 : index
        %swap3A_198 = tpu.vector_load %arg6[%swap3A_196, %swap3A_197] {strides = array<i32>} : memref<64x128xf32, #tpu.memory_space<vmem>>, vector<1x16xf32>,
        %swap3A_199 = vector.shape_cast %swap3A_198 : vector<1x16xf32> to vector<16xf32>
        %swap3A_200 = vector.shape_cast %get3A_195 : vector<16xf32> to vector<1x16xf32>
        tpu.vector_store %arg6[%swap3A_196, %swap3A_197], %swap3A_200 {add = true, strides = array<i32>} : memref<64x128xf32, #tpu.memory_space<vmem>>, vector<1x16xf32>,
        %get3A_201 = arith.index_cast %add3A_182 : i32 to index
        %get3A_202 = arith.constant 32 : index
        %get3A_203 = tpu.vector_load %arg7[%get3A_201, %get3A_202] {strides = array<i32>} : memref<128x128xf32, #tpu.memory_space<vmem>>, vector<1x16xf32>,
        %get3A_204 = vector.shape_cast %get3A_203 : vector<1x16xf32> to vector<16xf32>
        %swap3A_205 = arith.index_cast %add3A_140 : i32 to index
        %swap3A_206 = arith.constant 96 : index
        %swap3A_207 = tpu.vector_load %arg6[%swap3A_205, %swap3A_206] {strides = array<i32>} : memref<64x128xf32, #tpu.memory_space<vmem>>, vector<1x16xf32>,
        %swap3A_208 = vector.shape_cast %swap3A_207 : vector<1x16xf32> to vector<16xf32>
        %swap3A_209 = vector.shape_cast %get3A_204 : vector<16xf32> to vector<1x16xf32>
        tpu.vector_store %arg6[%swap3A_205, %swap3A_206], %swap3A_209 {add = true, strides = array<i32>} : memref<64x128xf32, #tpu.memory_space<vmem>>, vector<1x16xf32>,
        %get3A_210 = arith.index_cast %add3A_182 : i32 to index
        %get3A_211 = arith.constant 48 : index
        %get3A_212 = tpu.vector_load %arg7[%get3A_210, %get3A_211] {strides = array<i32>} : memref<128x128xf32, #tpu.memory_space<vmem>>, vector<1x16xf32>,
        %get3A_213 = vector.shape_cast %get3A_212 : vector<1x16xf32> to vector<16xf32>
        %swap3A_214 = arith.index_cast %add3A_140 : i32 to index
        %swap3A_215 = arith.constant 112 : index
        %swap3A_216 = tpu.vector_load %arg6[%swap3A_214, %swap3A_215] {strides = array<i32>} : memref<64x128xf32, #tpu.memory_space<vmem>>, vector<1x16xf32>,
        %swap3A_217 = vector.shape_cast %swap3A_216 : vector<1x16xf32> to vector<16xf32>
        %swap3A_218 = vector.shape_cast %get3A_213 : vector<16xf32> to vector<1x16xf32>
        tpu.vector_store %arg6[%swap3A_214, %swap3A_215], %swap3A_218 {add = true, strides = array<i32>} : memref<64x128xf32, #tpu.memory_space<vmem>>, vector<1x16xf32>,
        %mul3A_219 = arith.constant 2 : i32
        %mul3A_220 = arith.muli %scan3A_135, %mul3A_219 : i32
        %add3A_221 = arith.constant 1 : i32
        %add3A_222 = arith.addi %mul3A_220, %add3A_221 : i32
        %mul3A_223 = arith.constant 2 : i32
        %mul3A_224 = arith.muli %add3A_222, %mul3A_223 : i32
        %add3A_225 = arith.constant 0 : i32
        %add3A_226 = arith.addi %mul3A_224, %add3A_225 : i32
        %get3A_227 = arith.index_cast %add3A_226 : i32 to index
        %get3A_228 = arith.constant 0 : index
        %get3A_229 = tpu.vector_load %arg7[%get3A_227, %get3A_228] {strides = array<i32>} : memref<128x128xf32, #tpu.memory_space<vmem>>, vector<1x16xf32>,
        %get3A_230 = vector.shape_cast %get3A_229 : vector<1x16xf32> to vector<16xf32>
        %swap3A_231 = arith.index_cast %add3A_222 : i32 to index
        %swap3A_232 = arith.constant 0 : index
        %swap3A_233 = tpu.vector_load %arg6[%swap3A_231, %swap3A_232] {strides = array<i32>} : memref<64x128xf32, #tpu.memory_space<vmem>>, vector<1x16xf32>,
        %swap3A_234 = vector.shape_cast %swap3A_233 : vector<1x16xf32> to vector<16xf32>
        %swap3A_235 = vector.shape_cast %get3A_230 : vector<16xf32> to vector<1x16xf32>
        tpu.vector_store %arg6[%swap3A_231, %swap3A_232], %swap3A_235 {add = true, strides = array<i32>} : memref<64x128xf32, #tpu.memory_space<vmem>>, vector<1x16xf32>,
        %get3A_236 = arith.index_cast %add3A_226 : i32 to index
        %get3A_237 = arith.constant 16 : index
        %get3A_238 = tpu.vector_load %arg7[%get3A_236, %get3A_237] {strides = array<i32>} : memref<128x128xf32, #tpu.memory_space<vmem>>, vector<1x16xf32>,
        %get3A_239 = vector.shape_cast %get3A_238 : vector<1x16xf32> to vector<16xf32>
        %swap3A_240 = arith.index_cast %add3A_222 : i32 to index
        %swap3A_241 = arith.constant 16 : index
        %swap3A_242 = tpu.vector_load %arg6[%swap3A_240, %swap3A_241] {strides = array<i32>} : memref<64x128xf32, #tpu.memory_space<vmem>>, vector<1x16xf32>,
        %swap3A_243 = vector.shape_cast %swap3A_242 : vector<1x16xf32> to vector<16xf32>
        %swap3A_244 = vector.shape_cast %get3A_239 : vector<16xf32> to vector<1x16xf32>
        tpu.vector_store %arg6[%swap3A_240, %swap3A_241], %swap3A_244 {add = true, strides = array<i32>} : memref<64x128xf32, #tpu.memory_space<vmem>>, vector<1x16xf32>,
        %get3A_245 = arith.index_cast %add3A_226 : i32 to index
        %get3A_246 = arith.constant 32 : index
        %get3A_247 = tpu.vector_load %arg7[%get3A_245, %get3A_246] {strides = array<i32>} : memref<128x128xf32, #tpu.memory_space<vmem>>, vector<1x16xf32>,
        %get3A_248 = vector.shape_cast %get3A_247 : vector<1x16xf32> to vector<16xf32>
        %swap3A_249 = arith.index_cast %add3A_222 : i32 to index
        %swap3A_250 = arith.constant 32 : index
        %swap3A_251 = tpu.vector_load %arg6[%swap3A_249, %swap3A_250] {strides = array<i32>} : memref<64x128xf32, #tpu.memory_space<vmem>>, vector<1x16xf32>,
        %swap3A_252 = vector.shape_cast %swap3A_251 : vector<1x16xf32> to vector<16xf32>
        %swap3A_253 = vector.shape_cast %get3A_248 : vector<16xf32> to vector<1x16xf32>
        tpu.vector_store %arg6[%swap3A_249, %swap3A_250], %swap3A_253 {add = true, strides = array<i32>} : memref<64x128xf32, #tpu.memory_space<vmem>>, vector<1x16xf32>,
        %get3A_254 = arith.index_cast %add3A_226 : i32 to index
        %get3A_255 = arith.constant 48 : index
        %get3A_256 = tpu.vector_load %arg7[%get3A_254, %get3A_255] {strides = array<i32>} : memref<128x128xf32, #tpu.memory_space<vmem>>, vector<1x16xf32>,
        %get3A_257 = vector.shape_cast %get3A_256 : vector<1x16xf32> to vector<16xf32>
        %swap3A_258 = arith.index_cast %add3A_222 : i32 to index
        %swap3A_259 = arith.constant 48 : index
        %swap3A_260 = tpu.vector_load %arg6[%swap3A_258, %swap3A_259] {strides = array<i32>} : memref<64x128xf32, #tpu.memory_space<vmem>>, vector<1x16xf32>,
        %swap3A_261 = vector.shape_cast %swap3A_260 : vector<1x16xf32> to vector<16xf32>
        %swap3A_262 = vector.shape_cast %get3A_257 : vector<16xf32> to vector<1x16xf32>
        tpu.vector_store %arg6[%swap3A_258, %swap3A_259], %swap3A_262 {add = true, strides = array<i32>} : memref<64x128xf32, #tpu.memory_space<vmem>>, vector<1x16xf32>,
        %mul3A_263 = arith.constant 2 : i32
        %mul3A_264 = arith.muli %add3A_222, %mul3A_263 : i32
        %add3A_265 = arith.constant 1 : i32
        %add3A_266 = arith.addi %mul3A_264, %add3A_265 : i32
        %get3A_267 = arith.index_cast %add3A_266 : i32 to index
        %get3A_268 = arith.constant 0 : index
        %get3A_269 = tpu.vector_load %arg7[%get3A_267, %get3A_268] {strides = array<i32>} : memref<128x128xf32, #tpu.memory_space<vmem>>, vector<1x16xf32>,
        %get3A_270 = vector.shape_cast %get3A_269 : vector<1x16xf32> to vector<16xf32>
        %swap3A_271 = arith.index_cast %add3A_222 : i32 to index
        %swap3A_272 = arith.constant 64 : index
        %swap3A_273 = tpu.vector_load %arg6[%swap3A_271, %swap3A_272] {strides = array<i32>} : memref<64x128xf32, #tpu.memory_space<vmem>>, vector<1x16xf32>,
        %swap3A_274 = vector.shape_cast %swap3A_273 : vector<1x16xf32> to vector<16xf32>
        %swap3A_275 = vector.shape_cast %get3A_270 : vector<16xf32> to vector<1x16xf32>
        tpu.vector_store %arg6[%swap3A_271, %swap3A_272], %swap3A_275 {add = true, strides = array<i32>} : memref<64x128xf32, #tpu.memory_space<vmem>>, vector<1x16xf32>,
        %get3A_276 = arith.index_cast %add3A_266 : i32 to index
        %get3A_277 = arith.constant 16 : index
        %get3A_278 = tpu.vector_load %arg7[%get3A_276, %get3A_277] {strides = array<i32>} : memref<128x128xf32, #tpu.memory_space<vmem>>, vector<1x16xf32>,
        %get3A_279 = vector.shape_cast %get3A_278 : vector<1x16xf32> to vector<16xf32>
        %swap3A_280 = arith.index_cast %add3A_222 : i32 to index
        %swap3A_281 = arith.constant 80 : index
        %swap3A_282 = tpu.vector_load %arg6[%swap3A_280, %swap3A_281] {strides = array<i32>} : memref<64x128xf32, #tpu.memory_space<vmem>>, vector<1x16xf32>,
        %swap3A_283 = vector.shape_cast %swap3A_282 : vector<1x16xf32> to vector<16xf32>
        %swap3A_284 = vector.shape_cast %get3A_279 : vector<16xf32> to vector<1x16xf32>
        tpu.vector_store %arg6[%swap3A_280, %swap3A_281], %swap3A_284 {add = true, strides = array<i32>} : memref<64x128xf32, #tpu.memory_space<vmem>>, vector<1x16xf32>,
        %get3A_285 = arith.index_cast %add3A_266 : i32 to index
        %get3A_286 = arith.constant 32 : index
        %get3A_287 = tpu.vector_load %arg7[%get3A_285, %get3A_286] {strides = array<i32>} : memref<128x128xf32, #tpu.memory_space<vmem>>, vector<1x16xf32>,
        %get3A_288 = vector.shape_cast %get3A_287 : vector<1x16xf32> to vector<16xf32>
        %swap3A_289 = arith.index_cast %add3A_222 : i32 to index
        %swap3A_290 = arith.constant 96 : index
        %swap3A_291 = tpu.vector_load %arg6[%swap3A_289, %swap3A_290] {strides = array<i32>} : memref<64x128xf32, #tpu.memory_space<vmem>>, vector<1x16xf32>,
        %swap3A_292 = vector.shape_cast %swap3A_291 : vector<1x16xf32> to vector<16xf32>
        %swap3A_293 = vector.shape_cast %get3A_288 : vector<16xf32> to vector<1x16xf32>
        tpu.vector_store %arg6[%swap3A_289, %swap3A_290], %swap3A_293 {add = true, strides = array<i32>} : memref<64x128xf32, #tpu.memory_space<vmem>>, vector<1x16xf32>,
        %get3A_294 = arith.index_cast %add3A_266 : i32 to index
        %get3A_295 = arith.constant 48 : index
        %get3A_296 = tpu.vector_load %arg7[%get3A_294, %get3A_295] {strides = array<i32>} : memref<128x128xf32, #tpu.memory_space<vmem>>, vector<1x16xf32>,
        %get3A_297 = vector.shape_cast %get3A_296 : vector<1x16xf32> to vector<16xf32>
        %swap3A_298 = arith.index_cast %add3A_222 : i32 to index
        %swap3A_299 = arith.constant 112 : index
        %swap3A_300 = tpu.vector_load %arg6[%swap3A_298, %swap3A_299] {strides = array<i32>} : memref<64x128xf32, #tpu.memory_space<vmem>>, vector<1x16xf32>,
        %swap3A_301 = vector.shape_cast %swap3A_300 : vector<1x16xf32> to vector<16xf32>
        %swap3A_302 = vector.shape_cast %get3A_297 : vector<16xf32> to vector<1x16xf32>
        tpu.vector_store %arg6[%swap3A_298, %swap3A_299], %swap3A_302 {add = true, strides = array<i32>} : memref<64x128xf32, #tpu.memory_space<vmem>>, vector<1x16xf32>,
        %scan3A_303 = arith.constant 0 : i32
        scf.yield %scan3A_303 : i32
      }
      %scan3A_61 = arith.constant 32 : i32
      %dma_start3A_62 = arith.constant 48 : i32
      %dma_start3A_63 = arith.constant 0 : i32
      %dma_start3A_64 = tpu.memref_slice %arg5[%dma_start3A_62, %dma_start3A_63] : memref<50x128xi32, #tpu.memory_space<vmem>> -> memref<1x128xi32, #tpu.memory_space<vmem>>
      %dma_start3A_65 = tpu.memref_squeeze %dma_start3A_64 : memref<1x128xi32, #tpu.memory_space<vmem>> -> memref<128xi32, #tpu.memory_space<vmem>>
      %dma_start3A_66 = arith.constant 0 : i32
      %dma_start3A_67 = arith.constant 0 : i32
      %dma_start3A_68 = tpu.memref_slice %arg2[%dma_start3A_66, %dma_start3A_67] : memref<1000000x128xf32, #tpu.memory_space<hbm>> -> memref<1000000x128xf32, #tpu.memory_space<hbm>>
      tpu.enqueue_indirect_dma source(%dma_start3A_68 : memref<1000000x128xf32, #tpu.memory_space<hbm>>) target(%arg7 : memref<128x128xf32, #tpu.memory_space<vmem>>) offsets(%dma_start3A_65 : memref<128xi32, #tpu.memory_space<vmem>>) semaphore(%arg10 : memref<!tpu.dma_semaphore, #tpu.memory_space<semaphore_mem>>)
      %dma_wait3A_69 = arith.constant 0 : i32
      %dma_wait3A_70 = arith.constant 0 : i32
      %dma_wait3A_71 = tpu.memref_slice %arg5[%dma_wait3A_69, %dma_wait3A_70] : memref<50x128xi32, #tpu.memory_space<vmem>> -> memref<1x128xi32, #tpu.memory_space<vmem>>
      %dma_wait3A_72 = tpu.memref_squeeze %dma_wait3A_71 : memref<1x128xi32, #tpu.memory_space<vmem>> -> memref<128xi32, #tpu.memory_space<vmem>>
      %dma_wait3A_73 = arith.constant 0 : i32
      %dma_wait3A_74 = arith.constant 0 : i32
      %dma_wait3A_75 = tpu.memref_slice %arg2[%dma_wait3A_73, %dma_wait3A_74] : memref<1000000x128xf32, #tpu.memory_space<hbm>> -> memref<1000000x128xf32, #tpu.memory_space<hbm>>
      tpu.wait_indirect_dma semaphore(%arg11 : memref<!tpu.dma_semaphore, #tpu.memory_space<semaphore_mem>>) src(%dma_wait3A_75 : memref<1000000x128xf32, #tpu.memory_space<hbm>>) dst(%arg8 : memref<128x128xf32, #tpu.memory_space<vmem>>)
      %scan3A_76 = arith.constant 0 : i32
      %scan3A_77 = arith.constant 0 : i32
      %scan3A_78 = arith.constant 32 : i32
      %scan3A_79 = arith.addi %scan3A_77, %scan3A_78 : i32
      %scan3A_80 = arith.constant 1 : i32
      %scan3A_81 = scf.for %scan3A_135 = %scan3A_77 to %scan3A_79 step %scan3A_80 iter_args(%scan3A_136 = %scan3A_76) -> (i32)  : i32 {
        %mul3A_137 = arith.constant 2 : i32
        %mul3A_138 = arith.muli %scan3A_135, %mul3A_137 : i32
        %add3A_139 = arith.constant 0 : i32
        %add3A_140 = arith.addi %mul3A_138, %add3A_139 : i32
        %mul3A_141 = arith.constant 2 : i32
        %mul3A_142 = arith.muli %add3A_140, %mul3A_141 : i32
        %add3A_143 = arith.constant 0 : i32
        %add3A_144 = arith.addi %mul3A_142, %add3A_143 : i32
        %get3A = arith.index_cast %add3A_144 : i32 to index
        %get3A_145 = arith.constant 0 : index
        %get3A_146 = tpu.vector_load %arg8[%get3A, %get3A_145] {strides = array<i32>} : memref<128x128xf32, #tpu.memory_space<vmem>>, vector<1x16xf32>,
        %get3A_147 = vector.shape_cast %get3A_146 : vector<1x16xf32> to vector<16xf32>
        %swap3A = arith.index_cast %add3A_140 : i32 to index
        %swap3A_148 = arith.constant 0 : index
        %swap3A_149 = tpu.vector_load %arg6[%swap3A, %swap3A_148] {strides = array<i32>} : memref<64x128xf32, #tpu.memory_space<vmem>>, vector<1x16xf32>,
        %swap3A_150 = vector.shape_cast %swap3A_149 : vector<1x16xf32> to vector<16xf32>
        %swap3A_151 = vector.shape_cast %get3A_147 : vector<16xf32> to vector<1x16xf32>
        tpu.vector_store %arg6[%swap3A, %swap3A_148], %swap3A_151 {add = true, strides = array<i32>} : memref<64x128xf32, #tpu.memory_space<vmem>>, vector<1x16xf32>,
        %get3A_152 = arith.index_cast %add3A_144 : i32 to index
        %get3A_153 = arith.constant 16 : index
        %get3A_154 = tpu.vector_load %arg8[%get3A_152, %get3A_153] {strides = array<i32>} : memref<128x128xf32, #tpu.memory_space<vmem>>, vector<1x16xf32>,
        %get3A_155 = vector.shape_cast %get3A_154 : vector<1x16xf32> to vector<16xf32>
        %swap3A_156 = arith.index_cast %add3A_140 : i32 to index
        %swap3A_157 = arith.constant 16 : index
        %swap3A_158 = tpu.vector_load %arg6[%swap3A_156, %swap3A_157] {strides = array<i32>} : memref<64x128xf32, #tpu.memory_space<vmem>>, vector<1x16xf32>,
        %swap3A_159 = vector.shape_cast %swap3A_158 : vector<1x16xf32> to vector<16xf32>
        %swap3A_160 = vector.shape_cast %get3A_155 : vector<16xf32> to vector<1x16xf32>
        tpu.vector_store %arg6[%swap3A_156, %swap3A_157], %swap3A_160 {add = true, strides = array<i32>} : memref<64x128xf32, #tpu.memory_space<vmem>>, vector<1x16xf32>,
        %get3A_161 = arith.index_cast %add3A_144 : i32 to index
        %get3A_162 = arith.constant 32 : index
        %get3A_163 = tpu.vector_load %arg8[%get3A_161, %get3A_162] {strides = array<i32>} : memref<128x128xf32, #tpu.memory_space<vmem>>, vector<1x16xf32>,
        %get3A_164 = vector.shape_cast %get3A_163 : vector<1x16xf32> to vector<16xf32>
        %swap3A_165 = arith.index_cast %add3A_140 : i32 to index
        %swap3A_166 = arith.constant 32 : index
        %swap3A_167 = tpu.vector_load %arg6[%swap3A_165, %swap3A_166] {strides = array<i32>} : memref<64x128xf32, #tpu.memory_space<vmem>>, vector<1x16xf32>,
        %swap3A_168 = vector.shape_cast %swap3A_167 : vector<1x16xf32> to vector<16xf32>
        %swap3A_169 = vector.shape_cast %get3A_164 : vector<16xf32> to vector<1x16xf32>
        tpu.vector_store %arg6[%swap3A_165, %swap3A_166], %swap3A_169 {add = true, strides = array<i32>} : memref<64x128xf32, #tpu.memory_space<vmem>>, vector<1x16xf32>,
        %get3A_170 = arith.index_cast %add3A_144 : i32 to index
        %get3A_171 = arith.constant 48 : index
        %get3A_172 = tpu.vector_load %arg8[%get3A_170, %get3A_171] {strides = array<i32>} : memref<128x128xf32, #tpu.memory_space<vmem>>, vector<1x16xf32>,
        %get3A_173 = vector.shape_cast %get3A_172 : vector<1x16xf32> to vector<16xf32>
        %swap3A_174 = arith.index_cast %add3A_140 : i32 to index
        %swap3A_175 = arith.constant 48 : index
        %swap3A_176 = tpu.vector_load %arg6[%swap3A_174, %swap3A_175] {strides = array<i32>} : memref<64x128xf32, #tpu.memory_space<vmem>>, vector<1x16xf32>,
        %swap3A_177 = vector.shape_cast %swap3A_176 : vector<1x16xf32> to vector<16xf32>
        %swap3A_178 = vector.shape_cast %get3A_173 : vector<16xf32> to vector<1x16xf32>
        tpu.vector_store %arg6[%swap3A_174, %swap3A_175], %swap3A_178 {add = true, strides = array<i32>} : memref<64x128xf32, #tpu.memory_space<vmem>>, vector<1x16xf32>,
        %mul3A_179 = arith.constant 2 : i32
        %mul3A_180 = arith.muli %add3A_140, %mul3A_179 : i32
        %add3A_181 = arith.constant 1 : i32
        %add3A_182 = arith.addi %mul3A_180, %add3A_181 : i32
        %get3A_183 = arith.index_cast %add3A_182 : i32 to index
        %get3A_184 = arith.constant 0 : index
        %get3A_185 = tpu.vector_load %arg8[%get3A_183, %get3A_184] {strides = array<i32>} : memref<128x128xf32, #tpu.memory_space<vmem>>, vector<1x16xf32>,
        %get3A_186 = vector.shape_cast %get3A_185 : vector<1x16xf32> to vector<16xf32>
        %swap3A_187 = arith.index_cast %add3A_140 : i32 to index
        %swap3A_188 = arith.constant 64 : index
        %swap3A_189 = tpu.vector_load %arg6[%swap3A_187, %swap3A_188] {strides = array<i32>} : memref<64x128xf32, #tpu.memory_space<vmem>>, vector<1x16xf32>,
        %swap3A_190 = vector.shape_cast %swap3A_189 : vector<1x16xf32> to vector<16xf32>
        %swap3A_191 = vector.shape_cast %get3A_186 : vector<16xf32> to vector<1x16xf32>
        tpu.vector_store %arg6[%swap3A_187, %swap3A_188], %swap3A_191 {add = true, strides = array<i32>} : memref<64x128xf32, #tpu.memory_space<vmem>>, vector<1x16xf32>,
        %get3A_192 = arith.index_cast %add3A_182 : i32 to index
        %get3A_193 = arith.constant 16 : index
        %get3A_194 = tpu.vector_load %arg8[%get3A_192, %get3A_193] {strides = array<i32>} : memref<128x128xf32, #tpu.memory_space<vmem>>, vector<1x16xf32>,
        %get3A_195 = vector.shape_cast %get3A_194 : vector<1x16xf32> to vector<16xf32>
        %swap3A_196 = arith.index_cast %add3A_140 : i32 to index
        %swap3A_197 = arith.constant 80 : index
        %swap3A_198 = tpu.vector_load %arg6[%swap3A_196, %swap3A_197] {strides = array<i32>} : memref<64x128xf32, #tpu.memory_space<vmem>>, vector<1x16xf32>,
        %swap3A_199 = vector.shape_cast %swap3A_198 : vector<1x16xf32> to vector<16xf32>
        %swap3A_200 = vector.shape_cast %get3A_195 : vector<16xf32> to vector<1x16xf32>
        tpu.vector_store %arg6[%swap3A_196, %swap3A_197], %swap3A_200 {add = true, strides = array<i32>} : memref<64x128xf32, #tpu.memory_space<vmem>>, vector<1x16xf32>,
        %get3A_201 = arith.index_cast %add3A_182 : i32 to index
        %get3A_202 = arith.constant 32 : index
        %get3A_203 = tpu.vector_load %arg8[%get3A_201, %get3A_202] {strides = array<i32>} : memref<128x128xf32, #tpu.memory_space<vmem>>, vector<1x16xf32>,
        %get3A_204 = vector.shape_cast %get3A_203 : vector<1x16xf32> to vector<16xf32>
        %swap3A_205 = arith.index_cast %add3A_140 : i32 to index
        %swap3A_206 = arith.constant 96 : index
        %swap3A_207 = tpu.vector_load %arg6[%swap3A_205, %swap3A_206] {strides = array<i32>} : memref<64x128xf32, #tpu.memory_space<vmem>>, vector<1x16xf32>,
        %swap3A_208 = vector.shape_cast %swap3A_207 : vector<1x16xf32> to vector<16xf32>
        %swap3A_209 = vector.shape_cast %get3A_204 : vector<16xf32> to vector<1x16xf32>
        tpu.vector_store %arg6[%swap3A_205, %swap3A_206], %swap3A_209 {add = true, strides = array<i32>} : memref<64x128xf32, #tpu.memory_space<vmem>>, vector<1x16xf32>,
        %get3A_210 = arith.index_cast %add3A_182 : i32 to index
        %get3A_211 = arith.constant 48 : index
        %get3A_212 = tpu.vector_load %arg8[%get3A_210, %get3A_211] {strides = array<i32>} : memref<128x128xf32, #tpu.memory_space<vmem>>, vector<1x16xf32>,
        %get3A_213 = vector.shape_cast %get3A_212 : vector<1x16xf32> to vector<16xf32>
        %swap3A_214 = arith.index_cast %add3A_140 : i32 to index
        %swap3A_215 = arith.constant 112 : index
        %swap3A_216 = tpu.vector_load %arg6[%swap3A_214, %swap3A_215] {strides = array<i32>} : memref<64x128xf32, #tpu.memory_space<vmem>>, vector<1x16xf32>,
        %swap3A_217 = vector.shape_cast %swap3A_216 : vector<1x16xf32> to vector<16xf32>
        %swap3A_218 = vector.shape_cast %get3A_213 : vector<16xf32> to vector<1x16xf32>
        tpu.vector_store %arg6[%swap3A_214, %swap3A_215], %swap3A_218 {add = true, strides = array<i32>} : memref<64x128xf32, #tpu.memory_space<vmem>>, vector<1x16xf32>,
        %mul3A_219 = arith.constant 2 : i32
        %mul3A_220 = arith.muli %scan3A_135, %mul3A_219 : i32
        %add3A_221 = arith.constant 1 : i32
        %add3A_222 = arith.addi %mul3A_220, %add3A_221 : i32
        %mul3A_223 = arith.constant 2 : i32
        %mul3A_224 = arith.muli %add3A_222, %mul3A_223 : i32
        %add3A_225 = arith.constant 0 : i32
        %add3A_226 = arith.addi %mul3A_224, %add3A_225 : i32
        %get3A_227 = arith.index_cast %add3A_226 : i32 to index
        %get3A_228 = arith.constant 0 : index
        %get3A_229 = tpu.vector_load %arg8[%get3A_227, %get3A_228] {strides = array<i32>} : memref<128x128xf32, #tpu.memory_space<vmem>>, vector<1x16xf32>,
        %get3A_230 = vector.shape_cast %get3A_229 : vector<1x16xf32> to vector<16xf32>
        %swap3A_231 = arith.index_cast %add3A_222 : i32 to index
        %swap3A_232 = arith.constant 0 : index
        %swap3A_233 = tpu.vector_load %arg6[%swap3A_231, %swap3A_232] {strides = array<i32>} : memref<64x128xf32, #tpu.memory_space<vmem>>, vector<1x16xf32>,
        %swap3A_234 = vector.shape_cast %swap3A_233 : vector<1x16xf32> to vector<16xf32>
        %swap3A_235 = vector.shape_cast %get3A_230 : vector<16xf32> to vector<1x16xf32>
        tpu.vector_store %arg6[%swap3A_231, %swap3A_232], %swap3A_235 {add = true, strides = array<i32>} : memref<64x128xf32, #tpu.memory_space<vmem>>, vector<1x16xf32>,
        %get3A_236 = arith.index_cast %add3A_226 : i32 to index
        %get3A_237 = arith.constant 16 : index
        %get3A_238 = tpu.vector_load %arg8[%get3A_236, %get3A_237] {strides = array<i32>} : memref<128x128xf32, #tpu.memory_space<vmem>>, vector<1x16xf32>,
        %get3A_239 = vector.shape_cast %get3A_238 : vector<1x16xf32> to vector<16xf32>
        %swap3A_240 = arith.index_cast %add3A_222 : i32 to index
        %swap3A_241 = arith.constant 16 : index
        %swap3A_242 = tpu.vector_load %arg6[%swap3A_240, %swap3A_241] {strides = array<i32>} : memref<64x128xf32, #tpu.memory_space<vmem>>, vector<1x16xf32>,
        %swap3A_243 = vector.shape_cast %swap3A_242 : vector<1x16xf32> to vector<16xf32>
        %swap3A_244 = vector.shape_cast %get3A_239 : vector<16xf32> to vector<1x16xf32>
        tpu.vector_store %arg6[%swap3A_240, %swap3A_241], %swap3A_244 {add = true, strides = array<i32>} : memref<64x128xf32, #tpu.memory_space<vmem>>, vector<1x16xf32>,
        %get3A_245 = arith.index_cast %add3A_226 : i32 to index
        %get3A_246 = arith.constant 32 : index
        %get3A_247 = tpu.vector_load %arg8[%get3A_245, %get3A_246] {strides = array<i32>} : memref<128x128xf32, #tpu.memory_space<vmem>>, vector<1x16xf32>,
        %get3A_248 = vector.shape_cast %get3A_247 : vector<1x16xf32> to vector<16xf32>
        %swap3A_249 = arith.index_cast %add3A_222 : i32 to index
        %swap3A_250 = arith.constant 32 : index
        %swap3A_251 = tpu.vector_load %arg6[%swap3A_249, %swap3A_250] {strides = array<i32>} : memref<64x128xf32, #tpu.memory_space<vmem>>, vector<1x16xf32>,
        %swap3A_252 = vector.shape_cast %swap3A_251 : vector<1x16xf32> to vector<16xf32>
        %swap3A_253 = vector.shape_cast %get3A_248 : vector<16xf32> to vector<1x16xf32>
        tpu.vector_store %arg6[%swap3A_249, %swap3A_250], %swap3A_253 {add = true, strides = array<i32>} : memref<64x128xf32, #tpu.memory_space<vmem>>, vector<1x16xf32>,
        %get3A_254 = arith.index_cast %add3A_226 : i32 to index
        %get3A_255 = arith.constant 48 : index
        %get3A_256 = tpu.vector_load %arg8[%get3A_254, %get3A_255] {strides = array<i32>} : memref<128x128xf32, #tpu.memory_space<vmem>>, vector<1x16xf32>,
        %get3A_257 = vector.shape_cast %get3A_256 : vector<1x16xf32> to vector<16xf32>
        %swap3A_258 = arith.index_cast %add3A_222 : i32 to index
        %swap3A_259 = arith.constant 48 : index
        %swap3A_260 = tpu.vector_load %arg6[%swap3A_258, %swap3A_259] {strides = array<i32>} : memref<64x128xf32, #tpu.memory_space<vmem>>, vector<1x16xf32>,
        %swap3A_261 = vector.shape_cast %swap3A_260 : vector<1x16xf32> to vector<16xf32>
        %swap3A_262 = vector.shape_cast %get3A_257 : vector<16xf32> to vector<1x16xf32>
        tpu.vector_store %arg6[%swap3A_258, %swap3A_259], %swap3A_262 {add = true, strides = array<i32>} : memref<64x128xf32, #tpu.memory_space<vmem>>, vector<1x16xf32>,
        %mul3A_263 = arith.constant 2 : i32
        %mul3A_264 = arith.muli %add3A_222, %mul3A_263 : i32
        %add3A_265 = arith.constant 1 : i32
        %add3A_266 = arith.addi %mul3A_264, %add3A_265 : i32
        %get3A_267 = arith.index_cast %add3A_266 : i32 to index
        %get3A_268 = arith.constant 0 : index
        %get3A_269 = tpu.vector_load %arg8[%get3A_267, %get3A_268] {strides = array<i32>} : memref<128x128xf32, #tpu.memory_space<vmem>>, vector<1x16xf32>,
        %get3A_270 = vector.shape_cast %get3A_269 : vector<1x16xf32> to vector<16xf32>
        %swap3A_271 = arith.index_cast %add3A_222 : i32 to index
        %swap3A_272 = arith.constant 64 : index
        %swap3A_273 = tpu.vector_load %arg6[%swap3A_271, %swap3A_272] {strides = array<i32>} : memref<64x128xf32, #tpu.memory_space<vmem>>, vector<1x16xf32>,
        %swap3A_274 = vector.shape_cast %swap3A_273 : vector<1x16xf32> to vector<16xf32>
        %swap3A_275 = vector.shape_cast %get3A_270 : vector<16xf32> to vector<1x16xf32>
        tpu.vector_store %arg6[%swap3A_271, %swap3A_272], %swap3A_275 {add = true, strides = array<i32>} : memref<64x128xf32, #tpu.memory_space<vmem>>, vector<1x16xf32>,
        %get3A_276 = arith.index_cast %add3A_266 : i32 to index
        %get3A_277 = arith.constant 16 : index
        %get3A_278 = tpu.vector_load %arg8[%get3A_276, %get3A_277] {strides = array<i32>} : memref<128x128xf32, #tpu.memory_space<vmem>>, vector<1x16xf32>,
        %get3A_279 = vector.shape_cast %get3A_278 : vector<1x16xf32> to vector<16xf32>
        %swap3A_280 = arith.index_cast %add3A_222 : i32 to index
        %swap3A_281 = arith.constant 80 : index
        %swap3A_282 = tpu.vector_load %arg6[%swap3A_280, %swap3A_281] {strides = array<i32>} : memref<64x128xf32, #tpu.memory_space<vmem>>, vector<1x16xf32>,
        %swap3A_283 = vector.shape_cast %swap3A_282 : vector<1x16xf32> to vector<16xf32>
        %swap3A_284 = vector.shape_cast %get3A_279 : vector<16xf32> to vector<1x16xf32>
        tpu.vector_store %arg6[%swap3A_280, %swap3A_281], %swap3A_284 {add = true, strides = array<i32>} : memref<64x128xf32, #tpu.memory_space<vmem>>, vector<1x16xf32>,
        %get3A_285 = arith.index_cast %add3A_266 : i32 to index
        %get3A_286 = arith.constant 32 : index
        %get3A_287 = tpu.vector_load %arg8[%get3A_285, %get3A_286] {strides = array<i32>} : memref<128x128xf32, #tpu.memory_space<vmem>>, vector<1x16xf32>,
        %get3A_288 = vector.shape_cast %get3A_287 : vector<1x16xf32> to vector<16xf32>
        %swap3A_289 = arith.index_cast %add3A_222 : i32 to index
        %swap3A_290 = arith.constant 96 : index
        %swap3A_291 = tpu.vector_load %arg6[%swap3A_289, %swap3A_290] {strides = array<i32>} : memref<64x128xf32, #tpu.memory_space<vmem>>, vector<1x16xf32>,
        %swap3A_292 = vector.shape_cast %swap3A_291 : vector<1x16xf32> to vector<16xf32>
        %swap3A_293 = vector.shape_cast %get3A_288 : vector<16xf32> to vector<1x16xf32>
        tpu.vector_store %arg6[%swap3A_289, %swap3A_290], %swap3A_293 {add = true, strides = array<i32>} : memref<64x128xf32, #tpu.memory_space<vmem>>, vector<1x16xf32>,
        %get3A_294 = arith.index_cast %add3A_266 : i32 to index
        %get3A_295 = arith.constant 48 : index
        %get3A_296 = tpu.vector_load %arg8[%get3A_294, %get3A_295] {strides = array<i32>} : memref<128x128xf32, #tpu.memory_space<vmem>>, vector<1x16xf32>,
        %get3A_297 = vector.shape_cast %get3A_296 : vector<1x16xf32> to vector<16xf32>
        %swap3A_298 = arith.index_cast %add3A_222 : i32 to index
        %swap3A_299 = arith.constant 112 : index
        %swap3A_300 = tpu.vector_load %arg6[%swap3A_298, %swap3A_299] {strides = array<i32>} : memref<64x128xf32, #tpu.memory_space<vmem>>, vector<1x16xf32>,
        %swap3A_301 = vector.shape_cast %swap3A_300 : vector<1x16xf32> to vector<16xf32>
        %swap3A_302 = vector.shape_cast %get3A_297 : vector<16xf32> to vector<1x16xf32>
        tpu.vector_store %arg6[%swap3A_298, %swap3A_299], %swap3A_302 {add = true, strides = array<i32>} : memref<64x128xf32, #tpu.memory_space<vmem>>, vector<1x16xf32>,
        %scan3A_303 = arith.constant 0 : i32
        scf.yield %scan3A_303 : i32
      }
      %scan3A_82 = arith.constant 32 : i32
      %dma_start3A_83 = arith.constant 49 : i32
      %dma_start3A_84 = arith.constant 0 : i32
      %dma_start3A_85 = tpu.memref_slice %arg5[%dma_start3A_83, %dma_start3A_84] : memref<50x128xi32, #tpu.memory_space<vmem>> -> memref<1x128xi32, #tpu.memory_space<vmem>>
      %dma_start3A_86 = tpu.memref_squeeze %dma_start3A_85 : memref<1x128xi32, #tpu.memory_space<vmem>> -> memref<128xi32, #tpu.memory_space<vmem>>
      %dma_start3A_87 = arith.constant 0 : i32
      %dma_start3A_88 = arith.constant 0 : i32
      %dma_start3A_89 = tpu.memref_slice %arg2[%dma_start3A_87, %dma_start3A_88] : memref<1000000x128xf32, #tpu.memory_space<hbm>> -> memref<1000000x128xf32, #tpu.memory_space<hbm>>
      tpu.enqueue_indirect_dma source(%dma_start3A_89 : memref<1000000x128xf32, #tpu.memory_space<hbm>>) target(%arg8 : memref<128x128xf32, #tpu.memory_space<vmem>>) offsets(%dma_start3A_86 : memref<128xi32, #tpu.memory_space<vmem>>) semaphore(%arg11 : memref<!tpu.dma_semaphore, #tpu.memory_space<semaphore_mem>>)
      %dma_wait3A_90 = arith.constant 0 : i32
      %dma_wait3A_91 = arith.constant 0 : i32
      %dma_wait3A_92 = tpu.memref_slice %arg5[%dma_wait3A_90, %dma_wait3A_91] : memref<50x128xi32, #tpu.memory_space<vmem>> -> memref<1x128xi32, #tpu.memory_space<vmem>>
      %dma_wait3A_93 = tpu.memref_squeeze %dma_wait3A_92 : memref<1x128xi32, #tpu.memory_space<vmem>> -> memref<128xi32, #tpu.memory_space<vmem>>
      %dma_wait3A_94 = arith.constant 0 : i32
      %dma_wait3A_95 = arith.constant 0 : i32
      %dma_wait3A_96 = tpu.memref_slice %arg2[%dma_wait3A_94, %dma_wait3A_95] : memref<1000000x128xf32, #tpu.memory_space<hbm>> -> memref<1000000x128xf32, #tpu.memory_space<hbm>>
      tpu.wait_indirect_dma semaphore(%arg12 : memref<!tpu.dma_semaphore, #tpu.memory_space<semaphore_mem>>) src(%dma_wait3A_96 : memref<1000000x128xf32, #tpu.memory_space<hbm>>) dst(%arg9 : memref<128x128xf32, #tpu.memory_space<vmem>>)
      %scan3A_97 = arith.constant 0 : i32
      %scan3A_98 = arith.constant 0 : i32
      %scan3A_99 = arith.constant 32 : i32
      %scan3A_100 = arith.addi %scan3A_98, %scan3A_99 : i32
      %scan3A_101 = arith.constant 1 : i32
      %scan3A_102 = scf.for %scan3A_135 = %scan3A_98 to %scan3A_100 step %scan3A_101 iter_args(%scan3A_136 = %scan3A_97) -> (i32)  : i32 {
        %mul3A_137 = arith.constant 2 : i32
        %mul3A_138 = arith.muli %scan3A_135, %mul3A_137 : i32
        %add3A_139 = arith.constant 0 : i32
        %add3A_140 = arith.addi %mul3A_138, %add3A_139 : i32
        %mul3A_141 = arith.constant 2 : i32
        %mul3A_142 = arith.muli %add3A_140, %mul3A_141 : i32
        %add3A_143 = arith.constant 0 : i32
        %add3A_144 = arith.addi %mul3A_142, %add3A_143 : i32
        %get3A = arith.index_cast %add3A_144 : i32 to index
        %get3A_145 = arith.constant 0 : index
        %get3A_146 = tpu.vector_load %arg9[%get3A, %get3A_145] {strides = array<i32>} : memref<128x128xf32, #tpu.memory_space<vmem>>, vector<1x16xf32>,
        %get3A_147 = vector.shape_cast %get3A_146 : vector<1x16xf32> to vector<16xf32>
        %swap3A = arith.index_cast %add3A_140 : i32 to index
        %swap3A_148 = arith.constant 0 : index
        %swap3A_149 = tpu.vector_load %arg6[%swap3A, %swap3A_148] {strides = array<i32>} : memref<64x128xf32, #tpu.memory_space<vmem>>, vector<1x16xf32>,
        %swap3A_150 = vector.shape_cast %swap3A_149 : vector<1x16xf32> to vector<16xf32>
        %swap3A_151 = vector.shape_cast %get3A_147 : vector<16xf32> to vector<1x16xf32>
        tpu.vector_store %arg6[%swap3A, %swap3A_148], %swap3A_151 {add = true, strides = array<i32>} : memref<64x128xf32, #tpu.memory_space<vmem>>, vector<1x16xf32>,
        %get3A_152 = arith.index_cast %add3A_144 : i32 to index
        %get3A_153 = arith.constant 16 : index
        %get3A_154 = tpu.vector_load %arg9[%get3A_152, %get3A_153] {strides = array<i32>} : memref<128x128xf32, #tpu.memory_space<vmem>>, vector<1x16xf32>,
        %get3A_155 = vector.shape_cast %get3A_154 : vector<1x16xf32> to vector<16xf32>
        %swap3A_156 = arith.index_cast %add3A_140 : i32 to index
        %swap3A_157 = arith.constant 16 : index
        %swap3A_158 = tpu.vector_load %arg6[%swap3A_156, %swap3A_157] {strides = array<i32>} : memref<64x128xf32, #tpu.memory_space<vmem>>, vector<1x16xf32>,
        %swap3A_159 = vector.shape_cast %swap3A_158 : vector<1x16xf32> to vector<16xf32>
        %swap3A_160 = vector.shape_cast %get3A_155 : vector<16xf32> to vector<1x16xf32>
        tpu.vector_store %arg6[%swap3A_156, %swap3A_157], %swap3A_160 {add = true, strides = array<i32>} : memref<64x128xf32, #tpu.memory_space<vmem>>, vector<1x16xf32>,
        %get3A_161 = arith.index_cast %add3A_144 : i32 to index
        %get3A_162 = arith.constant 32 : index
        %get3A_163 = tpu.vector_load %arg9[%get3A_161, %get3A_162] {strides = array<i32>} : memref<128x128xf32, #tpu.memory_space<vmem>>, vector<1x16xf32>,
        %get3A_164 = vector.shape_cast %get3A_163 : vector<1x16xf32> to vector<16xf32>
        %swap3A_165 = arith.index_cast %add3A_140 : i32 to index
        %swap3A_166 = arith.constant 32 : index
        %swap3A_167 = tpu.vector_load %arg6[%swap3A_165, %swap3A_166] {strides = array<i32>} : memref<64x128xf32, #tpu.memory_space<vmem>>, vector<1x16xf32>,
        %swap3A_168 = vector.shape_cast %swap3A_167 : vector<1x16xf32> to vector<16xf32>
        %swap3A_169 = vector.shape_cast %get3A_164 : vector<16xf32> to vector<1x16xf32>
        tpu.vector_store %arg6[%swap3A_165, %swap3A_166], %swap3A_169 {add = true, strides = array<i32>} : memref<64x128xf32, #tpu.memory_space<vmem>>, vector<1x16xf32>,
        %get3A_170 = arith.index_cast %add3A_144 : i32 to index
        %get3A_171 = arith.constant 48 : index
        %get3A_172 = tpu.vector_load %arg9[%get3A_170, %get3A_171] {strides = array<i32>} : memref<128x128xf32, #tpu.memory_space<vmem>>, vector<1x16xf32>,
        %get3A_173 = vector.shape_cast %get3A_172 : vector<1x16xf32> to vector<16xf32>
        %swap3A_174 = arith.index_cast %add3A_140 : i32 to index
        %swap3A_175 = arith.constant 48 : index
        %swap3A_176 = tpu.vector_load %arg6[%swap3A_174, %swap3A_175] {strides = array<i32>} : memref<64x128xf32, #tpu.memory_space<vmem>>, vector<1x16xf32>,
        %swap3A_177 = vector.shape_cast %swap3A_176 : vector<1x16xf32> to vector<16xf32>
        %swap3A_178 = vector.shape_cast %get3A_173 : vector<16xf32> to vector<1x16xf32>
        tpu.vector_store %arg6[%swap3A_174, %swap3A_175], %swap3A_178 {add = true, strides = array<i32>} : memref<64x128xf32, #tpu.memory_space<vmem>>, vector<1x16xf32>,
        %mul3A_179 = arith.constant 2 : i32
        %mul3A_180 = arith.muli %add3A_140, %mul3A_179 : i32
        %add3A_181 = arith.constant 1 : i32
        %add3A_182 = arith.addi %mul3A_180, %add3A_181 : i32
        %get3A_183 = arith.index_cast %add3A_182 : i32 to index
        %get3A_184 = arith.constant 0 : index
        %get3A_185 = tpu.vector_load %arg9[%get3A_183, %get3A_184] {strides = array<i32>} : memref<128x128xf32, #tpu.memory_space<vmem>>, vector<1x16xf32>,
        %get3A_186 = vector.shape_cast %get3A_185 : vector<1x16xf32> to vector<16xf32>
        %swap3A_187 = arith.index_cast %add3A_140 : i32 to index
        %swap3A_188 = arith.constant 64 : index
        %swap3A_189 = tpu.vector_load %arg6[%swap3A_187, %swap3A_188] {strides = array<i32>} : memref<64x128xf32, #tpu.memory_space<vmem>>, vector<1x16xf32>,
        %swap3A_190 = vector.shape_cast %swap3A_189 : vector<1x16xf32> to vector<16xf32>
        %swap3A_191 = vector.shape_cast %get3A_186 : vector<16xf32> to vector<1x16xf32>
        tpu.vector_store %arg6[%swap3A_187, %swap3A_188], %swap3A_191 {add = true, strides = array<i32>} : memref<64x128xf32, #tpu.memory_space<vmem>>, vector<1x16xf32>,
        %get3A_192 = arith.index_cast %add3A_182 : i32 to index
        %get3A_193 = arith.constant 16 : index
        %get3A_194 = tpu.vector_load %arg9[%get3A_192, %get3A_193] {strides = array<i32>} : memref<128x128xf32, #tpu.memory_space<vmem>>, vector<1x16xf32>,
        %get3A_195 = vector.shape_cast %get3A_194 : vector<1x16xf32> to vector<16xf32>
        %swap3A_196 = arith.index_cast %add3A_140 : i32 to index
        %swap3A_197 = arith.constant 80 : index
        %swap3A_198 = tpu.vector_load %arg6[%swap3A_196, %swap3A_197] {strides = array<i32>} : memref<64x128xf32, #tpu.memory_space<vmem>>, vector<1x16xf32>,
        %swap3A_199 = vector.shape_cast %swap3A_198 : vector<1x16xf32> to vector<16xf32>
        %swap3A_200 = vector.shape_cast %get3A_195 : vector<16xf32> to vector<1x16xf32>
        tpu.vector_store %arg6[%swap3A_196, %swap3A_197], %swap3A_200 {add = true, strides = array<i32>} : memref<64x128xf32, #tpu.memory_space<vmem>>, vector<1x16xf32>,
        %get3A_201 = arith.index_cast %add3A_182 : i32 to index
        %get3A_202 = arith.constant 32 : index
        %get3A_203 = tpu.vector_load %arg9[%get3A_201, %get3A_202] {strides = array<i32>} : memref<128x128xf32, #tpu.memory_space<vmem>>, vector<1x16xf32>,
        %get3A_204 = vector.shape_cast %get3A_203 : vector<1x16xf32> to vector<16xf32>
        %swap3A_205 = arith.index_cast %add3A_140 : i32 to index
        %swap3A_206 = arith.constant 96 : index
        %swap3A_207 = tpu.vector_load %arg6[%swap3A_205, %swap3A_206] {strides = array<i32>} : memref<64x128xf32, #tpu.memory_space<vmem>>, vector<1x16xf32>,
        %swap3A_208 = vector.shape_cast %swap3A_207 : vector<1x16xf32> to vector<16xf32>
        %swap3A_209 = vector.shape_cast %get3A_204 : vector<16xf32> to vector<1x16xf32>
        tpu.vector_store %arg6[%swap3A_205, %swap3A_206], %swap3A_209 {add = true, strides = array<i32>} : memref<64x128xf32, #tpu.memory_space<vmem>>, vector<1x16xf32>,
        %get3A_210 = arith.index_cast %add3A_182 : i32 to index
        %get3A_211 = arith.constant 48 : index
        %get3A_212 = tpu.vector_load %arg9[%get3A_210, %get3A_211] {strides = array<i32>} : memref<128x128xf32, #tpu.memory_space<vmem>>, vector<1x16xf32>,
        %get3A_213 = vector.shape_cast %get3A_212 : vector<1x16xf32> to vector<16xf32>
        %swap3A_214 = arith.index_cast %add3A_140 : i32 to index
        %swap3A_215 = arith.constant 112 : index
        %swap3A_216 = tpu.vector_load %arg6[%swap3A_214, %swap3A_215] {strides = array<i32>} : memref<64x128xf32, #tpu.memory_space<vmem>>, vector<1x16xf32>,
        %swap3A_217 = vector.shape_cast %swap3A_216 : vector<1x16xf32> to vector<16xf32>
        %swap3A_218 = vector.shape_cast %get3A_213 : vector<16xf32> to vector<1x16xf32>
        tpu.vector_store %arg6[%swap3A_214, %swap3A_215], %swap3A_218 {add = true, strides = array<i32>} : memref<64x128xf32, #tpu.memory_space<vmem>>, vector<1x16xf32>,
        %mul3A_219 = arith.constant 2 : i32
        %mul3A_220 = arith.muli %scan3A_135, %mul3A_219 : i32
        %add3A_221 = arith.constant 1 : i32
        %add3A_222 = arith.addi %mul3A_220, %add3A_221 : i32
        %mul3A_223 = arith.constant 2 : i32
        %mul3A_224 = arith.muli %add3A_222, %mul3A_223 : i32
        %add3A_225 = arith.constant 0 : i32
        %add3A_226 = arith.addi %mul3A_224, %add3A_225 : i32
        %get3A_227 = arith.index_cast %add3A_226 : i32 to index
        %get3A_228 = arith.constant 0 : index
        %get3A_229 = tpu.vector_load %arg9[%get3A_227, %get3A_228] {strides = array<i32>} : memref<128x128xf32, #tpu.memory_space<vmem>>, vector<1x16xf32>,
        %get3A_230 = vector.shape_cast %get3A_229 : vector<1x16xf32> to vector<16xf32>
        %swap3A_231 = arith.index_cast %add3A_222 : i32 to index
        %swap3A_232 = arith.constant 0 : index
        %swap3A_233 = tpu.vector_load %arg6[%swap3A_231, %swap3A_232] {strides = array<i32>} : memref<64x128xf32, #tpu.memory_space<vmem>>, vector<1x16xf32>,
        %swap3A_234 = vector.shape_cast %swap3A_233 : vector<1x16xf32> to vector<16xf32>
        %swap3A_235 = vector.shape_cast %get3A_230 : vector<16xf32> to vector<1x16xf32>
        tpu.vector_store %arg6[%swap3A_231, %swap3A_232], %swap3A_235 {add = true, strides = array<i32>} : memref<64x128xf32, #tpu.memory_space<vmem>>, vector<1x16xf32>,
        %get3A_236 = arith.index_cast %add3A_226 : i32 to index
        %get3A_237 = arith.constant 16 : index
        %get3A_238 = tpu.vector_load %arg9[%get3A_236, %get3A_237] {strides = array<i32>} : memref<128x128xf32, #tpu.memory_space<vmem>>, vector<1x16xf32>,
        %get3A_239 = vector.shape_cast %get3A_238 : vector<1x16xf32> to vector<16xf32>
        %swap3A_240 = arith.index_cast %add3A_222 : i32 to index
        %swap3A_241 = arith.constant 16 : index
        %swap3A_242 = tpu.vector_load %arg6[%swap3A_240, %swap3A_241] {strides = array<i32>} : memref<64x128xf32, #tpu.memory_space<vmem>>, vector<1x16xf32>,
        %swap3A_243 = vector.shape_cast %swap3A_242 : vector<1x16xf32> to vector<16xf32>
        %swap3A_244 = vector.shape_cast %get3A_239 : vector<16xf32> to vector<1x16xf32>
        tpu.vector_store %arg6[%swap3A_240, %swap3A_241], %swap3A_244 {add = true, strides = array<i32>} : memref<64x128xf32, #tpu.memory_space<vmem>>, vector<1x16xf32>,
        %get3A_245 = arith.index_cast %add3A_226 : i32 to index
        %get3A_246 = arith.constant 32 : index
        %get3A_247 = tpu.vector_load %arg9[%get3A_245, %get3A_246] {strides = array<i32>} : memref<128x128xf32, #tpu.memory_space<vmem>>, vector<1x16xf32>,
        %get3A_248 = vector.shape_cast %get3A_247 : vector<1x16xf32> to vector<16xf32>
        %swap3A_249 = arith.index_cast %add3A_222 : i32 to index
        %swap3A_250 = arith.constant 32 : index
        %swap3A_251 = tpu.vector_load %arg6[%swap3A_249, %swap3A_250] {strides = array<i32>} : memref<64x128xf32, #tpu.memory_space<vmem>>, vector<1x16xf32>,
        %swap3A_252 = vector.shape_cast %swap3A_251 : vector<1x16xf32> to vector<16xf32>
        %swap3A_253 = vector.shape_cast %get3A_248 : vector<16xf32> to vector<1x16xf32>
        tpu.vector_store %arg6[%swap3A_249, %swap3A_250], %swap3A_253 {add = true, strides = array<i32>} : memref<64x128xf32, #tpu.memory_space<vmem>>, vector<1x16xf32>,
        %get3A_254 = arith.index_cast %add3A_226 : i32 to index
        %get3A_255 = arith.constant 48 : index
        %get3A_256 = tpu.vector_load %arg9[%get3A_254, %get3A_255] {strides = array<i32>} : memref<128x128xf32, #tpu.memory_space<vmem>>, vector<1x16xf32>,
        %get3A_257 = vector.shape_cast %get3A_256 : vector<1x16xf32> to vector<16xf32>
        %swap3A_258 = arith.index_cast %add3A_222 : i32 to index
        %swap3A_259 = arith.constant 48 : index
        %swap3A_260 = tpu.vector_load %arg6[%swap3A_258, %swap3A_259] {strides = array<i32>} : memref<64x128xf32, #tpu.memory_space<vmem>>, vector<1x16xf32>,
        %swap3A_261 = vector.shape_cast %swap3A_260 : vector<1x16xf32> to vector<16xf32>
        %swap3A_262 = vector.shape_cast %get3A_257 : vector<16xf32> to vector<1x16xf32>
        tpu.vector_store %arg6[%swap3A_258, %swap3A_259], %swap3A_262 {add = true, strides = array<i32>} : memref<64x128xf32, #tpu.memory_space<vmem>>, vector<1x16xf32>,
        %mul3A_263 = arith.constant 2 : i32
        %mul3A_264 = arith.muli %add3A_222, %mul3A_263 : i32
        %add3A_265 = arith.constant 1 : i32
        %add3A_266 = arith.addi %mul3A_264, %add3A_265 : i32
        %get3A_267 = arith.index_cast %add3A_266 : i32 to index
        %get3A_268 = arith.constant 0 : index
        %get3A_269 = tpu.vector_load %arg9[%get3A_267, %get3A_268] {strides = array<i32>} : memref<128x128xf32, #tpu.memory_space<vmem>>, vector<1x16xf32>,
        %get3A_270 = vector.shape_cast %get3A_269 : vector<1x16xf32> to vector<16xf32>
        %swap3A_271 = arith.index_cast %add3A_222 : i32 to index
        %swap3A_272 = arith.constant 64 : index
        %swap3A_273 = tpu.vector_load %arg6[%swap3A_271, %swap3A_272] {strides = array<i32>} : memref<64x128xf32, #tpu.memory_space<vmem>>, vector<1x16xf32>,
        %swap3A_274 = vector.shape_cast %swap3A_273 : vector<1x16xf32> to vector<16xf32>
        %swap3A_275 = vector.shape_cast %get3A_270 : vector<16xf32> to vector<1x16xf32>
        tpu.vector_store %arg6[%swap3A_271, %swap3A_272], %swap3A_275 {add = true, strides = array<i32>} : memref<64x128xf32, #tpu.memory_space<vmem>>, vector<1x16xf32>,
        %get3A_276 = arith.index_cast %add3A_266 : i32 to index
        %get3A_277 = arith.constant 16 : index
        %get3A_278 = tpu.vector_load %arg9[%get3A_276, %get3A_277] {strides = array<i32>} : memref<128x128xf32, #tpu.memory_space<vmem>>, vector<1x16xf32>,
        %get3A_279 = vector.shape_cast %get3A_278 : vector<1x16xf32> to vector<16xf32>
        %swap3A_280 = arith.index_cast %add3A_222 : i32 to index
        %swap3A_281 = arith.constant 80 : index
        %swap3A_282 = tpu.vector_load %arg6[%swap3A_280, %swap3A_281] {strides = array<i32>} : memref<64x128xf32, #tpu.memory_space<vmem>>, vector<1x16xf32>,
        %swap3A_283 = vector.shape_cast %swap3A_282 : vector<1x16xf32> to vector<16xf32>
        %swap3A_284 = vector.shape_cast %get3A_279 : vector<16xf32> to vector<1x16xf32>
        tpu.vector_store %arg6[%swap3A_280, %swap3A_281], %swap3A_284 {add = true, strides = array<i32>} : memref<64x128xf32, #tpu.memory_space<vmem>>, vector<1x16xf32>,
        %get3A_285 = arith.index_cast %add3A_266 : i32 to index
        %get3A_286 = arith.constant 32 : index
        %get3A_287 = tpu.vector_load %arg9[%get3A_285, %get3A_286] {strides = array<i32>} : memref<128x128xf32, #tpu.memory_space<vmem>>, vector<1x16xf32>,
        %get3A_288 = vector.shape_cast %get3A_287 : vector<1x16xf32> to vector<16xf32>
        %swap3A_289 = arith.index_cast %add3A_222 : i32 to index
        %swap3A_290 = arith.constant 96 : index
        %swap3A_291 = tpu.vector_load %arg6[%swap3A_289, %swap3A_290] {strides = array<i32>} : memref<64x128xf32, #tpu.memory_space<vmem>>, vector<1x16xf32>,
        %swap3A_292 = vector.shape_cast %swap3A_291 : vector<1x16xf32> to vector<16xf32>
        %swap3A_293 = vector.shape_cast %get3A_288 : vector<16xf32> to vector<1x16xf32>
        tpu.vector_store %arg6[%swap3A_289, %swap3A_290], %swap3A_293 {add = true, strides = array<i32>} : memref<64x128xf32, #tpu.memory_space<vmem>>, vector<1x16xf32>,
        %get3A_294 = arith.index_cast %add3A_266 : i32 to index
        %get3A_295 = arith.constant 48 : index
        %get3A_296 = tpu.vector_load %arg9[%get3A_294, %get3A_295] {strides = array<i32>} : memref<128x128xf32, #tpu.memory_space<vmem>>, vector<1x16xf32>,
        %get3A_297 = vector.shape_cast %get3A_296 : vector<1x16xf32> to vector<16xf32>
        %swap3A_298 = arith.index_cast %add3A_222 : i32 to index
        %swap3A_299 = arith.constant 112 : index
        %swap3A_300 = tpu.vector_load %arg6[%swap3A_298, %swap3A_299] {strides = array<i32>} : memref<64x128xf32, #tpu.memory_space<vmem>>, vector<1x16xf32>,
        %swap3A_301 = vector.shape_cast %swap3A_300 : vector<1x16xf32> to vector<16xf32>
        %swap3A_302 = vector.shape_cast %get3A_297 : vector<16xf32> to vector<1x16xf32>
        tpu.vector_store %arg6[%swap3A_298, %swap3A_299], %swap3A_302 {add = true, strides = array<i32>} : memref<64x128xf32, #tpu.memory_space<vmem>>, vector<1x16xf32>,
        %scan3A_303 = arith.constant 0 : i32
        scf.yield %scan3A_303 : i32
      }
      %scan3A_103 = arith.constant 32 : i32
      %dma_wait3A_104 = arith.constant 0 : i32
      %dma_wait3A_105 = arith.constant 0 : i32
      %dma_wait3A_106 = tpu.memref_slice %arg5[%dma_wait3A_104, %dma_wait3A_105] : memref<50x128xi32, #tpu.memory_space<vmem>> -> memref<1x128xi32, #tpu.memory_space<vmem>>
      %dma_wait3A_107 = tpu.memref_squeeze %dma_wait3A_106 : memref<1x128xi32, #tpu.memory_space<vmem>> -> memref<128xi32, #tpu.memory_space<vmem>>
      %dma_wait3A_108 = arith.constant 0 : i32
      %dma_wait3A_109 = arith.constant 0 : i32
      %dma_wait3A_110 = tpu.memref_slice %arg2[%dma_wait3A_108, %dma_wait3A_109] : memref<1000000x128xf32, #tpu.memory_space<hbm>> -> memref<1000000x128xf32, #tpu.memory_space<hbm>>
      tpu.wait_indirect_dma semaphore(%arg10 : memref<!tpu.dma_semaphore, #tpu.memory_space<semaphore_mem>>) src(%dma_wait3A_110 : memref<1000000x128xf32, #tpu.memory_space<hbm>>) dst(%arg7 : memref<128x128xf32, #tpu.memory_space<vmem>>)
      %scan3A_111 = arith.constant 0 : i32
      %scan3A_112 = arith.constant 0 : i32
      %scan3A_113 = arith.constant 32 : i32
      %scan3A_114 = arith.addi %scan3A_112, %scan3A_113 : i32
      %scan3A_115 = arith.constant 1 : i32
      %scan3A_116 = scf.for %scan3A_135 = %scan3A_112 to %scan3A_114 step %scan3A_115 iter_args(%scan3A_136 = %scan3A_111) -> (i32)  : i32 {
        %mul3A_137 = arith.constant 2 : i32
        %mul3A_138 = arith.muli %scan3A_135, %mul3A_137 : i32
        %add3A_139 = arith.constant 0 : i32
        %add3A_140 = arith.addi %mul3A_138, %add3A_139 : i32
        %mul3A_141 = arith.constant 2 : i32
        %mul3A_142 = arith.muli %add3A_140, %mul3A_141 : i32
        %add3A_143 = arith.constant 0 : i32
        %add3A_144 = arith.addi %mul3A_142, %add3A_143 : i32
        %get3A = arith.index_cast %add3A_144 : i32 to index
        %get3A_145 = arith.constant 0 : index
        %get3A_146 = tpu.vector_load %arg7[%get3A, %get3A_145] {strides = array<i32>} : memref<128x128xf32, #tpu.memory_space<vmem>>, vector<1x16xf32>,
        %get3A_147 = vector.shape_cast %get3A_146 : vector<1x16xf32> to vector<16xf32>
        %swap3A = arith.index_cast %add3A_140 : i32 to index
        %swap3A_148 = arith.constant 0 : index
        %swap3A_149 = tpu.vector_load %arg6[%swap3A, %swap3A_148] {strides = array<i32>} : memref<64x128xf32, #tpu.memory_space<vmem>>, vector<1x16xf32>,
        %swap3A_150 = vector.shape_cast %swap3A_149 : vector<1x16xf32> to vector<16xf32>
        %swap3A_151 = vector.shape_cast %get3A_147 : vector<16xf32> to vector<1x16xf32>
        tpu.vector_store %arg6[%swap3A, %swap3A_148], %swap3A_151 {add = true, strides = array<i32>} : memref<64x128xf32, #tpu.memory_space<vmem>>, vector<1x16xf32>,
        %get3A_152 = arith.index_cast %add3A_144 : i32 to index
        %get3A_153 = arith.constant 16 : index
        %get3A_154 = tpu.vector_load %arg7[%get3A_152, %get3A_153] {strides = array<i32>} : memref<128x128xf32, #tpu.memory_space<vmem>>, vector<1x16xf32>,
        %get3A_155 = vector.shape_cast %get3A_154 : vector<1x16xf32> to vector<16xf32>
        %swap3A_156 = arith.index_cast %add3A_140 : i32 to index
        %swap3A_157 = arith.constant 16 : index
        %swap3A_158 = tpu.vector_load %arg6[%swap3A_156, %swap3A_157] {strides = array<i32>} : memref<64x128xf32, #tpu.memory_space<vmem>>, vector<1x16xf32>,
        %swap3A_159 = vector.shape_cast %swap3A_158 : vector<1x16xf32> to vector<16xf32>
        %swap3A_160 = vector.shape_cast %get3A_155 : vector<16xf32> to vector<1x16xf32>
        tpu.vector_store %arg6[%swap3A_156, %swap3A_157], %swap3A_160 {add = true, strides = array<i32>} : memref<64x128xf32, #tpu.memory_space<vmem>>, vector<1x16xf32>,
        %get3A_161 = arith.index_cast %add3A_144 : i32 to index
        %get3A_162 = arith.constant 32 : index
        %get3A_163 = tpu.vector_load %arg7[%get3A_161, %get3A_162] {strides = array<i32>} : memref<128x128xf32, #tpu.memory_space<vmem>>, vector<1x16xf32>,
        %get3A_164 = vector.shape_cast %get3A_163 : vector<1x16xf32> to vector<16xf32>
        %swap3A_165 = arith.index_cast %add3A_140 : i32 to index
        %swap3A_166 = arith.constant 32 : index
        %swap3A_167 = tpu.vector_load %arg6[%swap3A_165, %swap3A_166] {strides = array<i32>} : memref<64x128xf32, #tpu.memory_space<vmem>>, vector<1x16xf32>,
        %swap3A_168 = vector.shape_cast %swap3A_167 : vector<1x16xf32> to vector<16xf32>
        %swap3A_169 = vector.shape_cast %get3A_164 : vector<16xf32> to vector<1x16xf32>
        tpu.vector_store %arg6[%swap3A_165, %swap3A_166], %swap3A_169 {add = true, strides = array<i32>} : memref<64x128xf32, #tpu.memory_space<vmem>>, vector<1x16xf32>,
        %get3A_170 = arith.index_cast %add3A_144 : i32 to index
        %get3A_171 = arith.constant 48 : index
        %get3A_172 = tpu.vector_load %arg7[%get3A_170, %get3A_171] {strides = array<i32>} : memref<128x128xf32, #tpu.memory_space<vmem>>, vector<1x16xf32>,
        %get3A_173 = vector.shape_cast %get3A_172 : vector<1x16xf32> to vector<16xf32>
        %swap3A_174 = arith.index_cast %add3A_140 : i32 to index
        %swap3A_175 = arith.constant 48 : index
        %swap3A_176 = tpu.vector_load %arg6[%swap3A_174, %swap3A_175] {strides = array<i32>} : memref<64x128xf32, #tpu.memory_space<vmem>>, vector<1x16xf32>,
        %swap3A_177 = vector.shape_cast %swap3A_176 : vector<1x16xf32> to vector<16xf32>
        %swap3A_178 = vector.shape_cast %get3A_173 : vector<16xf32> to vector<1x16xf32>
        tpu.vector_store %arg6[%swap3A_174, %swap3A_175], %swap3A_178 {add = true, strides = array<i32>} : memref<64x128xf32, #tpu.memory_space<vmem>>, vector<1x16xf32>,
        %mul3A_179 = arith.constant 2 : i32
        %mul3A_180 = arith.muli %add3A_140, %mul3A_179 : i32
        %add3A_181 = arith.constant 1 : i32
        %add3A_182 = arith.addi %mul3A_180, %add3A_181 : i32
        %get3A_183 = arith.index_cast %add3A_182 : i32 to index
        %get3A_184 = arith.constant 0 : index
        %get3A_185 = tpu.vector_load %arg7[%get3A_183, %get3A_184] {strides = array<i32>} : memref<128x128xf32, #tpu.memory_space<vmem>>, vector<1x16xf32>,
        %get3A_186 = vector.shape_cast %get3A_185 : vector<1x16xf32> to vector<16xf32>
        %swap3A_187 = arith.index_cast %add3A_140 : i32 to index
        %swap3A_188 = arith.constant 64 : index
        %swap3A_189 = tpu.vector_load %arg6[%swap3A_187, %swap3A_188] {strides = array<i32>} : memref<64x128xf32, #tpu.memory_space<vmem>>, vector<1x16xf32>,
        %swap3A_190 = vector.shape_cast %swap3A_189 : vector<1x16xf32> to vector<16xf32>
        %swap3A_191 = vector.shape_cast %get3A_186 : vector<16xf32> to vector<1x16xf32>
        tpu.vector_store %arg6[%swap3A_187, %swap3A_188], %swap3A_191 {add = true, strides = array<i32>} : memref<64x128xf32, #tpu.memory_space<vmem>>, vector<1x16xf32>,
        %get3A_192 = arith.index_cast %add3A_182 : i32 to index
        %get3A_193 = arith.constant 16 : index
        %get3A_194 = tpu.vector_load %arg7[%get3A_192, %get3A_193] {strides = array<i32>} : memref<128x128xf32, #tpu.memory_space<vmem>>, vector<1x16xf32>,
        %get3A_195 = vector.shape_cast %get3A_194 : vector<1x16xf32> to vector<16xf32>
        %swap3A_196 = arith.index_cast %add3A_140 : i32 to index
        %swap3A_197 = arith.constant 80 : index
        %swap3A_198 = tpu.vector_load %arg6[%swap3A_196, %swap3A_197] {strides = array<i32>} : memref<64x128xf32, #tpu.memory_space<vmem>>, vector<1x16xf32>,
        %swap3A_199 = vector.shape_cast %swap3A_198 : vector<1x16xf32> to vector<16xf32>
        %swap3A_200 = vector.shape_cast %get3A_195 : vector<16xf32> to vector<1x16xf32>
        tpu.vector_store %arg6[%swap3A_196, %swap3A_197], %swap3A_200 {add = true, strides = array<i32>} : memref<64x128xf32, #tpu.memory_space<vmem>>, vector<1x16xf32>,
        %get3A_201 = arith.index_cast %add3A_182 : i32 to index
        %get3A_202 = arith.constant 32 : index
        %get3A_203 = tpu.vector_load %arg7[%get3A_201, %get3A_202] {strides = array<i32>} : memref<128x128xf32, #tpu.memory_space<vmem>>, vector<1x16xf32>,
        %get3A_204 = vector.shape_cast %get3A_203 : vector<1x16xf32> to vector<16xf32>
        %swap3A_205 = arith.index_cast %add3A_140 : i32 to index
        %swap3A_206 = arith.constant 96 : index
        %swap3A_207 = tpu.vector_load %arg6[%swap3A_205, %swap3A_206] {strides = array<i32>} : memref<64x128xf32, #tpu.memory_space<vmem>>, vector<1x16xf32>,
        %swap3A_208 = vector.shape_cast %swap3A_207 : vector<1x16xf32> to vector<16xf32>
        %swap3A_209 = vector.shape_cast %get3A_204 : vector<16xf32> to vector<1x16xf32>
        tpu.vector_store %arg6[%swap3A_205, %swap3A_206], %swap3A_209 {add = true, strides = array<i32>} : memref<64x128xf32, #tpu.memory_space<vmem>>, vector<1x16xf32>,
        %get3A_210 = arith.index_cast %add3A_182 : i32 to index
        %get3A_211 = arith.constant 48 : index
        %get3A_212 = tpu.vector_load %arg7[%get3A_210, %get3A_211] {strides = array<i32>} : memref<128x128xf32, #tpu.memory_space<vmem>>, vector<1x16xf32>,
        %get3A_213 = vector.shape_cast %get3A_212 : vector<1x16xf32> to vector<16xf32>
        %swap3A_214 = arith.index_cast %add3A_140 : i32 to index
        %swap3A_215 = arith.constant 112 : index
        %swap3A_216 = tpu.vector_load %arg6[%swap3A_214, %swap3A_215] {strides = array<i32>} : memref<64x128xf32, #tpu.memory_space<vmem>>, vector<1x16xf32>,
        %swap3A_217 = vector.shape_cast %swap3A_216 : vector<1x16xf32> to vector<16xf32>
        %swap3A_218 = vector.shape_cast %get3A_213 : vector<16xf32> to vector<1x16xf32>
        tpu.vector_store %arg6[%swap3A_214, %swap3A_215], %swap3A_218 {add = true, strides = array<i32>} : memref<64x128xf32, #tpu.memory_space<vmem>>, vector<1x16xf32>,
        %mul3A_219 = arith.constant 2 : i32
        %mul3A_220 = arith.muli %scan3A_135, %mul3A_219 : i32
        %add3A_221 = arith.constant 1 : i32
        %add3A_222 = arith.addi %mul3A_220, %add3A_221 : i32
        %mul3A_223 = arith.constant 2 : i32
        %mul3A_224 = arith.muli %add3A_222, %mul3A_223 : i32
        %add3A_225 = arith.constant 0 : i32
        %add3A_226 = arith.addi %mul3A_224, %add3A_225 : i32
        %get3A_227 = arith.index_cast %add3A_226 : i32 to index
        %get3A_228 = arith.constant 0 : index
        %get3A_229 = tpu.vector_load %arg7[%get3A_227, %get3A_228] {strides = array<i32>} : memref<128x128xf32, #tpu.memory_space<vmem>>, vector<1x16xf32>,
        %get3A_230 = vector.shape_cast %get3A_229 : vector<1x16xf32> to vector<16xf32>
        %swap3A_231 = arith.index_cast %add3A_222 : i32 to index
        %swap3A_232 = arith.constant 0 : index
        %swap3A_233 = tpu.vector_load %arg6[%swap3A_231, %swap3A_232] {strides = array<i32>} : memref<64x128xf32, #tpu.memory_space<vmem>>, vector<1x16xf32>,
        %swap3A_234 = vector.shape_cast %swap3A_233 : vector<1x16xf32> to vector<16xf32>
        %swap3A_235 = vector.shape_cast %get3A_230 : vector<16xf32> to vector<1x16xf32>
        tpu.vector_store %arg6[%swap3A_231, %swap3A_232], %swap3A_235 {add = true, strides = array<i32>} : memref<64x128xf32, #tpu.memory_space<vmem>>, vector<1x16xf32>,
        %get3A_236 = arith.index_cast %add3A_226 : i32 to index
        %get3A_237 = arith.constant 16 : index
        %get3A_238 = tpu.vector_load %arg7[%get3A_236, %get3A_237] {strides = array<i32>} : memref<128x128xf32, #tpu.memory_space<vmem>>, vector<1x16xf32>,
        %get3A_239 = vector.shape_cast %get3A_238 : vector<1x16xf32> to vector<16xf32>
        %swap3A_240 = arith.index_cast %add3A_222 : i32 to index
        %swap3A_241 = arith.constant 16 : index
        %swap3A_242 = tpu.vector_load %arg6[%swap3A_240, %swap3A_241] {strides = array<i32>} : memref<64x128xf32, #tpu.memory_space<vmem>>, vector<1x16xf32>,
        %swap3A_243 = vector.shape_cast %swap3A_242 : vector<1x16xf32> to vector<16xf32>
        %swap3A_244 = vector.shape_cast %get3A_239 : vector<16xf32> to vector<1x16xf32>
        tpu.vector_store %arg6[%swap3A_240, %swap3A_241], %swap3A_244 {add = true, strides = array<i32>} : memref<64x128xf32, #tpu.memory_space<vmem>>, vector<1x16xf32>,
        %get3A_245 = arith.index_cast %add3A_226 : i32 to index
        %get3A_246 = arith.constant 32 : index
        %get3A_247 = tpu.vector_load %arg7[%get3A_245, %get3A_246] {strides = array<i32>} : memref<128x128xf32, #tpu.memory_space<vmem>>, vector<1x16xf32>,
        %get3A_248 = vector.shape_cast %get3A_247 : vector<1x16xf32> to vector<16xf32>
        %swap3A_249 = arith.index_cast %add3A_222 : i32 to index
        %swap3A_250 = arith.constant 32 : index
        %swap3A_251 = tpu.vector_load %arg6[%swap3A_249, %swap3A_250] {strides = array<i32>} : memref<64x128xf32, #tpu.memory_space<vmem>>, vector<1x16xf32>,
        %swap3A_252 = vector.shape_cast %swap3A_251 : vector<1x16xf32> to vector<16xf32>
        %swap3A_253 = vector.shape_cast %get3A_248 : vector<16xf32> to vector<1x16xf32>
        tpu.vector_store %arg6[%swap3A_249, %swap3A_250], %swap3A_253 {add = true, strides = array<i32>} : memref<64x128xf32, #tpu.memory_space<vmem>>, vector<1x16xf32>,
        %get3A_254 = arith.index_cast %add3A_226 : i32 to index
        %get3A_255 = arith.constant 48 : index
        %get3A_256 = tpu.vector_load %arg7[%get3A_254, %get3A_255] {strides = array<i32>} : memref<128x128xf32, #tpu.memory_space<vmem>>, vector<1x16xf32>,
        %get3A_257 = vector.shape_cast %get3A_256 : vector<1x16xf32> to vector<16xf32>
        %swap3A_258 = arith.index_cast %add3A_222 : i32 to index
        %swap3A_259 = arith.constant 48 : index
        %swap3A_260 = tpu.vector_load %arg6[%swap3A_258, %swap3A_259] {strides = array<i32>} : memref<64x128xf32, #tpu.memory_space<vmem>>, vector<1x16xf32>,
        %swap3A_261 = vector.shape_cast %swap3A_260 : vector<1x16xf32> to vector<16xf32>
        %swap3A_262 = vector.shape_cast %get3A_257 : vector<16xf32> to vector<1x16xf32>
        tpu.vector_store %arg6[%swap3A_258, %swap3A_259], %swap3A_262 {add = true, strides = array<i32>} : memref<64x128xf32, #tpu.memory_space<vmem>>, vector<1x16xf32>,
        %mul3A_263 = arith.constant 2 : i32
        %mul3A_264 = arith.muli %add3A_222, %mul3A_263 : i32
        %add3A_265 = arith.constant 1 : i32
        %add3A_266 = arith.addi %mul3A_264, %add3A_265 : i32
        %get3A_267 = arith.index_cast %add3A_266 : i32 to index
        %get3A_268 = arith.constant 0 : index
        %get3A_269 = tpu.vector_load %arg7[%get3A_267, %get3A_268] {strides = array<i32>} : memref<128x128xf32, #tpu.memory_space<vmem>>, vector<1x16xf32>,
        %get3A_270 = vector.shape_cast %get3A_269 : vector<1x16xf32> to vector<16xf32>
        %swap3A_271 = arith.index_cast %add3A_222 : i32 to index
        %swap3A_272 = arith.constant 64 : index
        %swap3A_273 = tpu.vector_load %arg6[%swap3A_271, %swap3A_272] {strides = array<i32>} : memref<64x128xf32, #tpu.memory_space<vmem>>, vector<1x16xf32>,
        %swap3A_274 = vector.shape_cast %swap3A_273 : vector<1x16xf32> to vector<16xf32>
        %swap3A_275 = vector.shape_cast %get3A_270 : vector<16xf32> to vector<1x16xf32>
        tpu.vector_store %arg6[%swap3A_271, %swap3A_272], %swap3A_275 {add = true, strides = array<i32>} : memref<64x128xf32, #tpu.memory_space<vmem>>, vector<1x16xf32>,
        %get3A_276 = arith.index_cast %add3A_266 : i32 to index
        %get3A_277 = arith.constant 16 : index
        %get3A_278 = tpu.vector_load %arg7[%get3A_276, %get3A_277] {strides = array<i32>} : memref<128x128xf32, #tpu.memory_space<vmem>>, vector<1x16xf32>,
        %get3A_279 = vector.shape_cast %get3A_278 : vector<1x16xf32> to vector<16xf32>
        %swap3A_280 = arith.index_cast %add3A_222 : i32 to index
        %swap3A_281 = arith.constant 80 : index
        %swap3A_282 = tpu.vector_load %arg6[%swap3A_280, %swap3A_281] {strides = array<i32>} : memref<64x128xf32, #tpu.memory_space<vmem>>, vector<1x16xf32>,
        %swap3A_283 = vector.shape_cast %swap3A_282 : vector<1x16xf32> to vector<16xf32>
        %swap3A_284 = vector.shape_cast %get3A_279 : vector<16xf32> to vector<1x16xf32>
        tpu.vector_store %arg6[%swap3A_280, %swap3A_281], %swap3A_284 {add = true, strides = array<i32>} : memref<64x128xf32, #tpu.memory_space<vmem>>, vector<1x16xf32>,
        %get3A_285 = arith.index_cast %add3A_266 : i32 to index
        %get3A_286 = arith.constant 32 : index
        %get3A_287 = tpu.vector_load %arg7[%get3A_285, %get3A_286] {strides = array<i32>} : memref<128x128xf32, #tpu.memory_space<vmem>>, vector<1x16xf32>,
        %get3A_288 = vector.shape_cast %get3A_287 : vector<1x16xf32> to vector<16xf32>
        %swap3A_289 = arith.index_cast %add3A_222 : i32 to index
        %swap3A_290 = arith.constant 96 : index
        %swap3A_291 = tpu.vector_load %arg6[%swap3A_289, %swap3A_290] {strides = array<i32>} : memref<64x128xf32, #tpu.memory_space<vmem>>, vector<1x16xf32>,
        %swap3A_292 = vector.shape_cast %swap3A_291 : vector<1x16xf32> to vector<16xf32>
        %swap3A_293 = vector.shape_cast %get3A_288 : vector<16xf32> to vector<1x16xf32>
        tpu.vector_store %arg6[%swap3A_289, %swap3A_290], %swap3A_293 {add = true, strides = array<i32>} : memref<64x128xf32, #tpu.memory_space<vmem>>, vector<1x16xf32>,
        %get3A_294 = arith.index_cast %add3A_266 : i32 to index
        %get3A_295 = arith.constant 48 : index
        %get3A_296 = tpu.vector_load %arg7[%get3A_294, %get3A_295] {strides = array<i32>} : memref<128x128xf32, #tpu.memory_space<vmem>>, vector<1x16xf32>,
        %get3A_297 = vector.shape_cast %get3A_296 : vector<1x16xf32> to vector<16xf32>
        %swap3A_298 = arith.index_cast %add3A_222 : i32 to index
        %swap3A_299 = arith.constant 112 : index
        %swap3A_300 = tpu.vector_load %arg6[%swap3A_298, %swap3A_299] {strides = array<i32>} : memref<64x128xf32, #tpu.memory_space<vmem>>, vector<1x16xf32>,
        %swap3A_301 = vector.shape_cast %swap3A_300 : vector<1x16xf32> to vector<16xf32>
        %swap3A_302 = vector.shape_cast %get3A_297 : vector<16xf32> to vector<1x16xf32>
        tpu.vector_store %arg6[%swap3A_298, %swap3A_299], %swap3A_302 {add = true, strides = array<i32>} : memref<64x128xf32, #tpu.memory_space<vmem>>, vector<1x16xf32>,
        %scan3A_303 = arith.constant 0 : i32
        scf.yield %scan3A_303 : i32
      }
      %scan3A_117 = arith.constant 32 : i32
      %dma_wait3A_118 = arith.constant 0 : i32
      %dma_wait3A_119 = arith.constant 0 : i32
      %dma_wait3A_120 = tpu.memref_slice %arg5[%dma_wait3A_118, %dma_wait3A_119] : memref<50x128xi32, #tpu.memory_space<vmem>> -> memref<1x128xi32, #tpu.memory_space<vmem>>
      %dma_wait3A_121 = tpu.memref_squeeze %dma_wait3A_120 : memref<1x128xi32, #tpu.memory_space<vmem>> -> memref<128xi32, #tpu.memory_space<vmem>>
      %dma_wait3A_122 = arith.constant 0 : i32
      %dma_wait3A_123 = arith.constant 0 : i32
      %dma_wait3A_124 = tpu.memref_slice %arg2[%dma_wait3A_122, %dma_wait3A_123] : memref<1000000x128xf32, #tpu.memory_space<hbm>> -> memref<1000000x128xf32, #tpu.memory_space<hbm>>
      tpu.wait_indirect_dma semaphore(%arg11 : memref<!tpu.dma_semaphore, #tpu.memory_space<semaphore_mem>>) src(%dma_wait3A_124 : memref<1000000x128xf32, #tpu.memory_space<hbm>>) dst(%arg8 : memref<128x128xf32, #tpu.memory_space<vmem>>)
      %scan3A_125 = arith.constant 0 : i32
      %scan3A_126 = arith.constant 0 : i32
      %scan3A_127 = arith.constant 32 : i32
      %scan3A_128 = arith.addi %scan3A_126, %scan3A_127 : i32
      %scan3A_129 = arith.constant 1 : i32
      %scan3A_130 = scf.for %scan3A_135 = %scan3A_126 to %scan3A_128 step %scan3A_129 iter_args(%scan3A_136 = %scan3A_125) -> (i32)  : i32 {
        %mul3A_137 = arith.constant 2 : i32
        %mul3A_138 = arith.muli %scan3A_135, %mul3A_137 : i32
        %add3A_139 = arith.constant 0 : i32
        %add3A_140 = arith.addi %mul3A_138, %add3A_139 : i32
        %mul3A_141 = arith.constant 2 : i32
        %mul3A_142 = arith.muli %add3A_140, %mul3A_141 : i32
        %add3A_143 = arith.constant 0 : i32
        %add3A_144 = arith.addi %mul3A_142, %add3A_143 : i32
        %get3A = arith.index_cast %add3A_144 : i32 to index
        %get3A_145 = arith.constant 0 : index
        %get3A_146 = tpu.vector_load %arg8[%get3A, %get3A_145] {strides = array<i32>} : memref<128x128xf32, #tpu.memory_space<vmem>>, vector<1x16xf32>,
        %get3A_147 = vector.shape_cast %get3A_146 : vector<1x16xf32> to vector<16xf32>
        %swap3A = arith.index_cast %add3A_140 : i32 to index
        %swap3A_148 = arith.constant 0 : index
        %swap3A_149 = tpu.vector_load %arg6[%swap3A, %swap3A_148] {strides = array<i32>} : memref<64x128xf32, #tpu.memory_space<vmem>>, vector<1x16xf32>,
        %swap3A_150 = vector.shape_cast %swap3A_149 : vector<1x16xf32> to vector<16xf32>
        %swap3A_151 = vector.shape_cast %get3A_147 : vector<16xf32> to vector<1x16xf32>
        tpu.vector_store %arg6[%swap3A, %swap3A_148], %swap3A_151 {add = true, strides = array<i32>} : memref<64x128xf32, #tpu.memory_space<vmem>>, vector<1x16xf32>,
        %get3A_152 = arith.index_cast %add3A_144 : i32 to index
        %get3A_153 = arith.constant 16 : index
        %get3A_154 = tpu.vector_load %arg8[%get3A_152, %get3A_153] {strides = array<i32>} : memref<128x128xf32, #tpu.memory_space<vmem>>, vector<1x16xf32>,
        %get3A_155 = vector.shape_cast %get3A_154 : vector<1x16xf32> to vector<16xf32>
        %swap3A_156 = arith.index_cast %add3A_140 : i32 to index
        %swap3A_157 = arith.constant 16 : index
        %swap3A_158 = tpu.vector_load %arg6[%swap3A_156, %swap3A_157] {strides = array<i32>} : memref<64x128xf32, #tpu.memory_space<vmem>>, vector<1x16xf32>,
        %swap3A_159 = vector.shape_cast %swap3A_158 : vector<1x16xf32> to vector<16xf32>
        %swap3A_160 = vector.shape_cast %get3A_155 : vector<16xf32> to vector<1x16xf32>
        tpu.vector_store %arg6[%swap3A_156, %swap3A_157], %swap3A_160 {add = true, strides = array<i32>} : memref<64x128xf32, #tpu.memory_space<vmem>>, vector<1x16xf32>,
        %get3A_161 = arith.index_cast %add3A_144 : i32 to index
        %get3A_162 = arith.constant 32 : index
        %get3A_163 = tpu.vector_load %arg8[%get3A_161, %get3A_162] {strides = array<i32>} : memref<128x128xf32, #tpu.memory_space<vmem>>, vector<1x16xf32>,
        %get3A_164 = vector.shape_cast %get3A_163 : vector<1x16xf32> to vector<16xf32>
        %swap3A_165 = arith.index_cast %add3A_140 : i32 to index
        %swap3A_166 = arith.constant 32 : index
        %swap3A_167 = tpu.vector_load %arg6[%swap3A_165, %swap3A_166] {strides = array<i32>} : memref<64x128xf32, #tpu.memory_space<vmem>>, vector<1x16xf32>,
        %swap3A_168 = vector.shape_cast %swap3A_167 : vector<1x16xf32> to vector<16xf32>
        %swap3A_169 = vector.shape_cast %get3A_164 : vector<16xf32> to vector<1x16xf32>
        tpu.vector_store %arg6[%swap3A_165, %swap3A_166], %swap3A_169 {add = true, strides = array<i32>} : memref<64x128xf32, #tpu.memory_space<vmem>>, vector<1x16xf32>,
        %get3A_170 = arith.index_cast %add3A_144 : i32 to index
        %get3A_171 = arith.constant 48 : index
        %get3A_172 = tpu.vector_load %arg8[%get3A_170, %get3A_171] {strides = array<i32>} : memref<128x128xf32, #tpu.memory_space<vmem>>, vector<1x16xf32>,
        %get3A_173 = vector.shape_cast %get3A_172 : vector<1x16xf32> to vector<16xf32>
        %swap3A_174 = arith.index_cast %add3A_140 : i32 to index
        %swap3A_175 = arith.constant 48 : index
        %swap3A_176 = tpu.vector_load %arg6[%swap3A_174, %swap3A_175] {strides = array<i32>} : memref<64x128xf32, #tpu.memory_space<vmem>>, vector<1x16xf32>,
        %swap3A_177 = vector.shape_cast %swap3A_176 : vector<1x16xf32> to vector<16xf32>
        %swap3A_178 = vector.shape_cast %get3A_173 : vector<16xf32> to vector<1x16xf32>
        tpu.vector_store %arg6[%swap3A_174, %swap3A_175], %swap3A_178 {add = true, strides = array<i32>} : memref<64x128xf32, #tpu.memory_space<vmem>>, vector<1x16xf32>,
        %mul3A_179 = arith.constant 2 : i32
        %mul3A_180 = arith.muli %add3A_140, %mul3A_179 : i32
        %add3A_181 = arith.constant 1 : i32
        %add3A_182 = arith.addi %mul3A_180, %add3A_181 : i32
        %get3A_183 = arith.index_cast %add3A_182 : i32 to index
        %get3A_184 = arith.constant 0 : index
        %get3A_185 = tpu.vector_load %arg8[%get3A_183, %get3A_184] {strides = array<i32>} : memref<128x128xf32, #tpu.memory_space<vmem>>, vector<1x16xf32>,
        %get3A_186 = vector.shape_cast %get3A_185 : vector<1x16xf32> to vector<16xf32>
        %swap3A_187 = arith.index_cast %add3A_140 : i32 to index
        %swap3A_188 = arith.constant 64 : index
        %swap3A_189 = tpu.vector_load %arg6[%swap3A_187, %swap3A_188] {strides = array<i32>} : memref<64x128xf32, #tpu.memory_space<vmem>>, vector<1x16xf32>,
        %swap3A_190 = vector.shape_cast %swap3A_189 : vector<1x16xf32> to vector<16xf32>
        %swap3A_191 = vector.shape_cast %get3A_186 : vector<16xf32> to vector<1x16xf32>
        tpu.vector_store %arg6[%swap3A_187, %swap3A_188], %swap3A_191 {add = true, strides = array<i32>} : memref<64x128xf32, #tpu.memory_space<vmem>>, vector<1x16xf32>,
        %get3A_192 = arith.index_cast %add3A_182 : i32 to index
        %get3A_193 = arith.constant 16 : index
        %get3A_194 = tpu.vector_load %arg8[%get3A_192, %get3A_193] {strides = array<i32>} : memref<128x128xf32, #tpu.memory_space<vmem>>, vector<1x16xf32>,
        %get3A_195 = vector.shape_cast %get3A_194 : vector<1x16xf32> to vector<16xf32>
        %swap3A_196 = arith.index_cast %add3A_140 : i32 to index
        %swap3A_197 = arith.constant 80 : index
        %swap3A_198 = tpu.vector_load %arg6[%swap3A_196, %swap3A_197] {strides = array<i32>} : memref<64x128xf32, #tpu.memory_space<vmem>>, vector<1x16xf32>,
        %swap3A_199 = vector.shape_cast %swap3A_198 : vector<1x16xf32> to vector<16xf32>
        %swap3A_200 = vector.shape_cast %get3A_195 : vector<16xf32> to vector<1x16xf32>
        tpu.vector_store %arg6[%swap3A_196, %swap3A_197], %swap3A_200 {add = true, strides = array<i32>} : memref<64x128xf32, #tpu.memory_space<vmem>>, vector<1x16xf32>,
        %get3A_201 = arith.index_cast %add3A_182 : i32 to index
        %get3A_202 = arith.constant 32 : index
        %get3A_203 = tpu.vector_load %arg8[%get3A_201, %get3A_202] {strides = array<i32>} : memref<128x128xf32, #tpu.memory_space<vmem>>, vector<1x16xf32>,
        %get3A_204 = vector.shape_cast %get3A_203 : vector<1x16xf32> to vector<16xf32>
        %swap3A_205 = arith.index_cast %add3A_140 : i32 to index
        %swap3A_206 = arith.constant 96 : index
        %swap3A_207 = tpu.vector_load %arg6[%swap3A_205, %swap3A_206] {strides = array<i32>} : memref<64x128xf32, #tpu.memory_space<vmem>>, vector<1x16xf32>,
        %swap3A_208 = vector.shape_cast %swap3A_207 : vector<1x16xf32> to vector<16xf32>
        %swap3A_209 = vector.shape_cast %get3A_204 : vector<16xf32> to vector<1x16xf32>
        tpu.vector_store %arg6[%swap3A_205, %swap3A_206], %swap3A_209 {add = true, strides = array<i32>} : memref<64x128xf32, #tpu.memory_space<vmem>>, vector<1x16xf32>,
        %get3A_210 = arith.index_cast %add3A_182 : i32 to index
        %get3A_211 = arith.constant 48 : index
        %get3A_212 = tpu.vector_load %arg8[%get3A_210, %get3A_211] {strides = array<i32>} : memref<128x128xf32, #tpu.memory_space<vmem>>, vector<1x16xf32>,
        %get3A_213 = vector.shape_cast %get3A_212 : vector<1x16xf32> to vector<16xf32>
        %swap3A_214 = arith.index_cast %add3A_140 : i32 to index
        %swap3A_215 = arith.constant 112 : index
        %swap3A_216 = tpu.vector_load %arg6[%swap3A_214, %swap3A_215] {strides = array<i32>} : memref<64x128xf32, #tpu.memory_space<vmem>>, vector<1x16xf32>,
        %swap3A_217 = vector.shape_cast %swap3A_216 : vector<1x16xf32> to vector<16xf32>
        %swap3A_218 = vector.shape_cast %get3A_213 : vector<16xf32> to vector<1x16xf32>
        tpu.vector_store %arg6[%swap3A_214, %swap3A_215], %swap3A_218 {add = true, strides = array<i32>} : memref<64x128xf32, #tpu.memory_space<vmem>>, vector<1x16xf32>,
        %mul3A_219 = arith.constant 2 : i32
        %mul3A_220 = arith.muli %scan3A_135, %mul3A_219 : i32
        %add3A_221 = arith.constant 1 : i32
        %add3A_222 = arith.addi %mul3A_220, %add3A_221 : i32
        %mul3A_223 = arith.constant 2 : i32
        %mul3A_224 = arith.muli %add3A_222, %mul3A_223 : i32
        %add3A_225 = arith.constant 0 : i32
        %add3A_226 = arith.addi %mul3A_224, %add3A_225 : i32
        %get3A_227 = arith.index_cast %add3A_226 : i32 to index
        %get3A_228 = arith.constant 0 : index
        %get3A_229 = tpu.vector_load %arg8[%get3A_227, %get3A_228] {strides = array<i32>} : memref<128x128xf32, #tpu.memory_space<vmem>>, vector<1x16xf32>,
        %get3A_230 = vector.shape_cast %get3A_229 : vector<1x16xf32> to vector<16xf32>
        %swap3A_231 = arith.index_cast %add3A_222 : i32 to index
        %swap3A_232 = arith.constant 0 : index
        %swap3A_233 = tpu.vector_load %arg6[%swap3A_231, %swap3A_232] {strides = array<i32>} : memref<64x128xf32, #tpu.memory_space<vmem>>, vector<1x16xf32>,
        %swap3A_234 = vector.shape_cast %swap3A_233 : vector<1x16xf32> to vector<16xf32>
        %swap3A_235 = vector.shape_cast %get3A_230 : vector<16xf32> to vector<1x16xf32>
        tpu.vector_store %arg6[%swap3A_231, %swap3A_232], %swap3A_235 {add = true, strides = array<i32>} : memref<64x128xf32, #tpu.memory_space<vmem>>, vector<1x16xf32>,
        %get3A_236 = arith.index_cast %add3A_226 : i32 to index
        %get3A_237 = arith.constant 16 : index
        %get3A_238 = tpu.vector_load %arg8[%get3A_236, %get3A_237] {strides = array<i32>} : memref<128x128xf32, #tpu.memory_space<vmem>>, vector<1x16xf32>,
        %get3A_239 = vector.shape_cast %get3A_238 : vector<1x16xf32> to vector<16xf32>
        %swap3A_240 = arith.index_cast %add3A_222 : i32 to index
        %swap3A_241 = arith.constant 16 : index
        %swap3A_242 = tpu.vector_load %arg6[%swap3A_240, %swap3A_241] {strides = array<i32>} : memref<64x128xf32, #tpu.memory_space<vmem>>, vector<1x16xf32>,
        %swap3A_243 = vector.shape_cast %swap3A_242 : vector<1x16xf32> to vector<16xf32>
        %swap3A_244 = vector.shape_cast %get3A_239 : vector<16xf32> to vector<1x16xf32>
        tpu.vector_store %arg6[%swap3A_240, %swap3A_241], %swap3A_244 {add = true, strides = array<i32>} : memref<64x128xf32, #tpu.memory_space<vmem>>, vector<1x16xf32>,
        %get3A_245 = arith.index_cast %add3A_226 : i32 to index
        %get3A_246 = arith.constant 32 : index
        %get3A_247 = tpu.vector_load %arg8[%get3A_245, %get3A_246] {strides = array<i32>} : memref<128x128xf32, #tpu.memory_space<vmem>>, vector<1x16xf32>,
        %get3A_248 = vector.shape_cast %get3A_247 : vector<1x16xf32> to vector<16xf32>
        %swap3A_249 = arith.index_cast %add3A_222 : i32 to index
        %swap3A_250 = arith.constant 32 : index
        %swap3A_251 = tpu.vector_load %arg6[%swap3A_249, %swap3A_250] {strides = array<i32>} : memref<64x128xf32, #tpu.memory_space<vmem>>, vector<1x16xf32>,
        %swap3A_252 = vector.shape_cast %swap3A_251 : vector<1x16xf32> to vector<16xf32>
        %swap3A_253 = vector.shape_cast %get3A_248 : vector<16xf32> to vector<1x16xf32>
        tpu.vector_store %arg6[%swap3A_249, %swap3A_250], %swap3A_253 {add = true, strides = array<i32>} : memref<64x128xf32, #tpu.memory_space<vmem>>, vector<1x16xf32>,
        %get3A_254 = arith.index_cast %add3A_226 : i32 to index
        %get3A_255 = arith.constant 48 : index
        %get3A_256 = tpu.vector_load %arg8[%get3A_254, %get3A_255] {strides = array<i32>} : memref<128x128xf32, #tpu.memory_space<vmem>>, vector<1x16xf32>,
        %get3A_257 = vector.shape_cast %get3A_256 : vector<1x16xf32> to vector<16xf32>
        %swap3A_258 = arith.index_cast %add3A_222 : i32 to index
        %swap3A_259 = arith.constant 48 : index
        %swap3A_260 = tpu.vector_load %arg6[%swap3A_258, %swap3A_259] {strides = array<i32>} : memref<64x128xf32, #tpu.memory_space<vmem>>, vector<1x16xf32>,
        %swap3A_261 = vector.shape_cast %swap3A_260 : vector<1x16xf32> to vector<16xf32>
        %swap3A_262 = vector.shape_cast %get3A_257 : vector<16xf32> to vector<1x16xf32>
        tpu.vector_store %arg6[%swap3A_258, %swap3A_259], %swap3A_262 {add = true, strides = array<i32>} : memref<64x128xf32, #tpu.memory_space<vmem>>, vector<1x16xf32>,
        %mul3A_263 = arith.constant 2 : i32
        %mul3A_264 = arith.muli %add3A_222, %mul3A_263 : i32
        %add3A_265 = arith.constant 1 : i32
        %add3A_266 = arith.addi %mul3A_264, %add3A_265 : i32
        %get3A_267 = arith.index_cast %add3A_266 : i32 to index
        %get3A_268 = arith.constant 0 : index
        %get3A_269 = tpu.vector_load %arg8[%get3A_267, %get3A_268] {strides = array<i32>} : memref<128x128xf32, #tpu.memory_space<vmem>>, vector<1x16xf32>,
        %get3A_270 = vector.shape_cast %get3A_269 : vector<1x16xf32> to vector<16xf32>
        %swap3A_271 = arith.index_cast %add3A_222 : i32 to index
        %swap3A_272 = arith.constant 64 : index
        %swap3A_273 = tpu.vector_load %arg6[%swap3A_271, %swap3A_272] {strides = array<i32>} : memref<64x128xf32, #tpu.memory_space<vmem>>, vector<1x16xf32>,
        %swap3A_274 = vector.shape_cast %swap3A_273 : vector<1x16xf32> to vector<16xf32>
        %swap3A_275 = vector.shape_cast %get3A_270 : vector<16xf32> to vector<1x16xf32>
        tpu.vector_store %arg6[%swap3A_271, %swap3A_272], %swap3A_275 {add = true, strides = array<i32>} : memref<64x128xf32, #tpu.memory_space<vmem>>, vector<1x16xf32>,
        %get3A_276 = arith.index_cast %add3A_266 : i32 to index
        %get3A_277 = arith.constant 16 : index
        %get3A_278 = tpu.vector_load %arg8[%get3A_276, %get3A_277] {strides = array<i32>} : memref<128x128xf32, #tpu.memory_space<vmem>>, vector<1x16xf32>,
        %get3A_279 = vector.shape_cast %get3A_278 : vector<1x16xf32> to vector<16xf32>
        %swap3A_280 = arith.index_cast %add3A_222 : i32 to index
        %swap3A_281 = arith.constant 80 : index
        %swap3A_282 = tpu.vector_load %arg6[%swap3A_280, %swap3A_281] {strides = array<i32>} : memref<64x128xf32, #tpu.memory_space<vmem>>, vector<1x16xf32>,
        %swap3A_283 = vector.shape_cast %swap3A_282 : vector<1x16xf32> to vector<16xf32>
        %swap3A_284 = vector.shape_cast %get3A_279 : vector<16xf32> to vector<1x16xf32>
        tpu.vector_store %arg6[%swap3A_280, %swap3A_281], %swap3A_284 {add = true, strides = array<i32>} : memref<64x128xf32, #tpu.memory_space<vmem>>, vector<1x16xf32>,
        %get3A_285 = arith.index_cast %add3A_266 : i32 to index
        %get3A_286 = arith.constant 32 : index
        %get3A_287 = tpu.vector_load %arg8[%get3A_285, %get3A_286] {strides = array<i32>} : memref<128x128xf32, #tpu.memory_space<vmem>>, vector<1x16xf32>,
        %get3A_288 = vector.shape_cast %get3A_287 : vector<1x16xf32> to vector<16xf32>
        %swap3A_289 = arith.index_cast %add3A_222 : i32 to index
        %swap3A_290 = arith.constant 96 : index
        %swap3A_291 = tpu.vector_load %arg6[%swap3A_289, %swap3A_290] {strides = array<i32>} : memref<64x128xf32, #tpu.memory_space<vmem>>, vector<1x16xf32>,
        %swap3A_292 = vector.shape_cast %swap3A_291 : vector<1x16xf32> to vector<16xf32>
        %swap3A_293 = vector.shape_cast %get3A_288 : vector<16xf32> to vector<1x16xf32>
        tpu.vector_store %arg6[%swap3A_289, %swap3A_290], %swap3A_293 {add = true, strides = array<i32>} : memref<64x128xf32, #tpu.memory_space<vmem>>, vector<1x16xf32>,
        %get3A_294 = arith.index_cast %add3A_266 : i32 to index
        %get3A_295 = arith.constant 48 : index
        %get3A_296 = tpu.vector_load %arg8[%get3A_294, %get3A_295] {strides = array<i32>} : memref<128x128xf32, #tpu.memory_space<vmem>>, vector<1x16xf32>,
        %get3A_297 = vector.shape_cast %get3A_296 : vector<1x16xf32> to vector<16xf32>
        %swap3A_298 = arith.index_cast %add3A_222 : i32 to index
        %swap3A_299 = arith.constant 112 : index
        %swap3A_300 = tpu.vector_load %arg6[%swap3A_298, %swap3A_299] {strides = array<i32>} : memref<64x128xf32, #tpu.memory_space<vmem>>, vector<1x16xf32>,
        %swap3A_301 = vector.shape_cast %swap3A_300 : vector<1x16xf32> to vector<16xf32>
        %swap3A_302 = vector.shape_cast %get3A_297 : vector<16xf32> to vector<1x16xf32>
        tpu.vector_store %arg6[%swap3A_298, %swap3A_299], %swap3A_302 {add = true, strides = array<i32>} : memref<64x128xf32, #tpu.memory_space<vmem>>, vector<1x16xf32>,
        %scan3A_303 = arith.constant 0 : i32
        scf.yield %scan3A_303 : i32
      }
      %scan3A_131 = arith.constant 32 : i32
      %mul3A_132 = arith.constant 64 : i32
      %mul3A_133 = arith.muli %add3A_12, %mul3A_132 : i32
      "tpu.region"() ({
        %run_scoped3A = tpu.sem_alloc : memref<!tpu.dma_semaphore, #tpu.memory_space<semaphore_mem>>
        %dma_start3A_135 = arith.constant 0 : i32
        %dma_start3A_136 = tpu.memref_slice %arg4[%mul3A_133, %dma_start3A_135] : memref<8192x128xf32, #tpu.memory_space<hbm>> -> memref<64x128xf32, #tpu.memory_space<hbm>>
        %dma_start3A_137 = arith.constant 0 : i32
        %dma_start3A_138 = tpu.memref_slice %arg4[%mul3A_133, %dma_start3A_137] : memref<8192x128xf32, #tpu.memory_space<hbm>> -> memref<64x128xf32, #tpu.memory_space<hbm>>
        tpu.enqueue_dma source(%arg6 : memref<64x128xf32, #tpu.memory_space<vmem>>) target(%dma_start3A_138 : memref<64x128xf32, #tpu.memory_space<hbm>>) target_semaphore(%run_scoped3A : memref<!tpu.dma_semaphore, #tpu.memory_space<semaphore_mem>>)
        %dma_wait3A_139 = arith.constant 0 : i32
        %dma_wait3A_140 = tpu.memref_slice %arg4[%mul3A_133, %dma_wait3A_139] : memref<8192x128xf32, #tpu.memory_space<hbm>> -> memref<64x128xf32, #tpu.memory_space<hbm>>
        %dma_wait3A_141 = arith.constant 0 : i32
        %dma_wait3A_142 = tpu.memref_slice %arg4[%mul3A_133, %dma_wait3A_141] : memref<8192x128xf32, #tpu.memory_space<hbm>> -> memref<64x128xf32, #tpu.memory_space<hbm>>
        tpu.wait_dma2 semaphore(%run_scoped3A : memref<!tpu.dma_semaphore, #tpu.memory_space<semaphore_mem>>) src(%arg6 : memref<64x128xf32, #tpu.memory_space<vmem>>) dst(%dma_wait3A_142 : memref<64x128xf32, #tpu.memory_space<hbm>>)
        tpu.yield
      }) : () -> ()
      %scan3A_134 = arith.constant 0 : i32
      scf.yield %scan3A_134 : i32
    }
    %scan3A_7 = arith.constant 4 : i32
    return
  }
}

module attributes {stable_mosaic.version = 14 : i64} {
  func.func @body(%arg0: i32, %arg1: memref<64x4096xf32, #tpu.memory_space<vmem>>, %arg2: memref<4096x128xf32, #tpu.memory_space<vmem>>) attributes {dimension_semantics = [#tpu.dimension_semantics<arbitrary>], iteration_bounds = array<i64: 245>, scalar_prefetch = 0 : i64, scratch_operands = 0 : i64, tpu.core_type = #tpu.core_type<tc>, window_params = [{transform_indices = @transform_0, window_bounds = array<i64: 64, 4096>}, {transform_indices = @transform_1, window_bounds = array<i64: 4096, 128>}]} {
    %iota3A = tpu.iota {dimensions = array<i32: 0>} : vector<64x64xi32>
    %iota3A_0 = tpu.iota {dimensions = array<i32: 1>} : vector<64x64xi32>
    %eq3A = arith.cmpi eq, %iota3A, %iota3A_0 : vector<64x64xi32>
    %convert_element_type3A = arith.extui %eq3A : vector<64x64xi1> to vector<64x64xi32>
    %convert_element_type3A_1 = arith.sitofp %convert_element_type3A : vector<64x64xi32> to vector<64x64xf32>
    %get3A = arith.constant 0 : index
    %get3A_2 = arith.constant 0 : index
    %get3A_3 = vector.load %arg1[%get3A, %get3A_2] : memref<64x4096xf32, #tpu.memory_space<vmem>>, vector<64x4096xf32>
    %dot_general3A = arith.constant dense<0.000000e+00> : vector<4096x64xf32>
    %dot_general3A_4 = tpu.matmul %get3A_3, %convert_element_type3A_1, %dot_general3A {dimension_numbers = #tpu.dot_dimension_numbers<[0], [0], [1], [1], [0, 1, 1, 1], [], []>, transpose_lhs_hint = false} : vector<64x4096xf32>, vector<64x64xf32>, vector<4096x64xf32> -> vector<4096x64xf32>
    %swap3A = arith.constant 0 : index
    %swap3A_5 = arith.constant 0 : index
    %swap3A_6 = vector.load %arg2[%swap3A, %swap3A_5] : memref<4096x128xf32, #tpu.memory_space<vmem>>, vector<4096x64xf32>
    tpu.vector_store %arg2[%swap3A, %swap3A_5], %dot_general3A_4 {strides = array<i32>} : memref<4096x128xf32, #tpu.memory_space<vmem>>, vector<4096x64xf32>,
    return
  }
  func.func @transform_0(%arg0: i32) -> (i32, i32) {
    %c0_i32 = arith.constant 0 : i32
    %c0_i32_0 = arith.constant 0 : i32
    return %c0_i32, %arg0 : i32, i32
  }
  func.func @transform_1(%arg0: i32) -> (i32, i32) {
    %c0_i32 = arith.constant 0 : i32
    %c0_i32_0 = arith.constant 0 : i32
    return %arg0, %c0_i32 : i32, i32
  }
}

</mosaic_0001>

<sc_bundles>
// kernel: kernel.4.cloned.1.call-start
scs
__scs_entry_jumppad:
0x0: {  	(pc) =	sbr.rel $0x88, $3  }
0x1: {  	(tag) =	ssettag $0x0;
	lr =	simm.s32 $0x1  }
0x2: {  	[smem:$0x3F9F] =	sst lr;
	_ =	strace $0xD0000000  }
0x3: {  	_ = 	snop  }
0x4: {  	_ = 	snop  }
0x5: {  	_ = 	snop  }
0x6: {  	_ = 	snop  }
0x7: {  	_ = 	snop  }
__scs_overlays_trampoline_lowered:
0x8: {  	[smem:$0x3FAE] =	sst s0  }
0x9: {  	[smem:$0x3FAF] =	sst s1  }
0xa: {  	[smem:$0x3FB0] =	sst s2  }
0xb: {  	[smem:$0x3FB1] =	sst s3  }
0xc: {  	[smem:$0x3FB2] =	sst s4  }
0xd: {  	[smem:$0x3FB3] =	sst s5  }
0xe: {  	[smem:$0x3FB4] =	sst s6  }
0xf: {  	[smem:$0x3FB5] =	sst s7  }
0x10: {  	[smem:$0x3FB6] =	sst s8  }
0x11: {  	[smem:$0x3FB7] =	sst s9;
	s0 =	simm.s32 @!p0 $0x0  }
0x12: {  	s1 =	sld [smem:$0x3F9D];
	s0 =	simm.s32 @p0 $0x1  }
0x13: {  	[smem:$0x3FB8] =	sst s0;
	s0 =	simm.s32 @!p1 $0x0  }
0x14: {  	s2 =	sld [smem:$0x3F9C];
	s0 =	simm.s32 @p1 $0x1  }
0x15: {  	[smem:$0x3FB9] =	sst s0;
	s0 =	simm.s32 @!p2 $0x0  }
0x16: {  	s3 =	sld [smem:$0x3FDB];
	s0 =	simm.s32 @p2 $0x1  }
0x17: {  	s4 =	simm.s32 $0x1BF5;
	[smem:$0x3FBB] =	sst s0  }
0x18: {  	s0 =	sld [smem:$0x3F9E];
	_ =	swait.ge [sflag:s4], $0x0  }
0x19: {  	s7 =	sld [smem:$0x3F9F]  }
0x1a: {  	s8 =	sadd.s32 $0xFFFFE003, lr  }
0x1b: {  	s9 =	sadd.s32 $0xFFFFFEF7, lr;
	s5 =	simm.s32 $0xFFFFFFFF;
	p2 =	slt.u32 s8, $0xFFFFF086  }
0x1c: {  	p1 =	slt.u32 s9, $0xF7A;
	s5 =	simm.s32 @!p2 $0x0  }
0x1d: {  	s5 =	simm.s32 @p1 $0x1;
	p0 =	seq.s32 s7, s2  }
0x1e: {  	s7 =	smul.u32 @!p0 $0xF7A, s2;
	p2 =	seq.s32 @!p0 s5, $0x0  }
0x1f: {  	s9 =	smul.u32 $0xF7A, s1;
	s8 =	simm.s32 @!p0 $0x1BF5;
	p2 =	por !p2, p0  }
0x20: {  	[sflag:s8] =	ssyncset.s32 @!p0 $0xFFFFF086;
	s6 =	sadd.s32 @!p0 s3, s7;
	s7 =	simm.s32 @!p0 $0x108  }
0x21: {  	s3 =	sadd.s32 s3, s9;
	s6 =	sadd.s32 @!p0 $0x88, s6;
	s7 =	simm.s32 @p2 $0x1082  }
0x22: {  	[simem:s7], [sflag:s8] =	dma.local @!p0 [hbm:s6], $0xF7A  }
0x23: {  	s9 =	sor.u32 $0xD0000000, s2;
	s6 =	simm.s32 $0x108;
	_ =	swait.ge @!p0 [sflag:s8], $0x0  }
0x24: {  	s3 =	sadd.s32 $0x88, s3;
	s6 =	simm.s32 @!p1 $0x1082;
	[sflag:s4] =	ssyncset.s32 $0xFFFFF086  }
0x25: {  	[simem:s6], [sflag:s4] =	dma.local [hbm:s3], $0xF7A  }
0x26: {  	[smem:$0x3F9F] =	sst s1;
	(tag) =	ssettag s2;
	_ =	strace s9  }
0x27: {  	s1 =	sld [smem:$0x3FAF]  }
0x28: {  	s2 =	sld [smem:$0x3FB0]  }
0x29: {  	s4 =	sld [smem:$0x3FB2]  }
0x2a: {  	p0 =	seq.s32 s5, $0x0;
	s5 =	sld [smem:$0x3FB3]  }
0x2b: {  	s6 =	sld [smem:$0x3FB4]  }
0x2c: {  	s7 =	sld [smem:$0x3FB5]  }
0x2d: {  	s3 =	simm.s32 $0x108;
	s8 =	sld [smem:$0x3FB6]  }
0x2e: {  	s3 =	simm.s32 @!p0 $0x1082;
	s9 =	sld [smem:$0x3FB7]  }
0x2f: {  	lr =	sadd.s32 s0, s3;
	s0 =	sld [smem:$0x3FAE]  }
0x30: {  	s3 =	sld [smem:$0x3FB1]  }
0x31: {  	[smem:$0x3FBA] =	sst s10  }
0x32: {  	s10 =	sld [smem:$0x3FB8];
	_ =	sdelay $0x3  }
0x33: {  	p0 =	seq.s32 s10, $0x1;
	s10 =	sld [smem:$0x3FBA];
	_ =	sdelay $0x3  }
0x34: {  	[smem:$0x3FBA] =	sst s10  }
0x35: {  	s10 =	sld [smem:$0x3FB9];
	_ =	sdelay $0x3  }
0x36: {  	p1 =	seq.s32 s10, $0x1;
	s10 =	sld [smem:$0x3FBA];
	_ =	sdelay $0x3  }
0x37: {  	[smem:$0x3FBA] =	sst s10  }
0x38: {  	s10 =	sld [smem:$0x3FBB]  }
0x39: {  	_ = 	snop;
	(pc) =	sbr.ind lr, $3  }
0x3a: {  	_ = 	snop  }
0x3b: {  	_ = 	snop  }
0x3c: {  	p2 =	seq.s32 s10, $0x1;
	s10 =	sld [smem:$0x3FBA]  }
0x3d: {  	_ =	shalt  }
0x3e: {  	_ =	shalt  }
0x3f: {  	_ =	shalt  }
0x40: {  	_ =	shalt  }
0x41: {  	_ =	shalt  }
0x42: {  	_ =	shalt  }
0x43: {  	_ =	shalt  }
0x44: {  	_ =	shalt  }
0x45: {  	_ =	shalt  }
0x46: {  	_ =	shalt  }
0x47: {  	_ =	shalt  }
0x48: {  	_ =	shalt  }
0x49: {  	_ =	shalt  }
0x4a: {  	_ =	shalt  }
0x4b: {  	_ =	shalt  }
0x4c: {  	_ =	shalt  }
0x4d: {  	_ =	shalt  }
0x4e: {  	_ =	shalt  }
0x4f: {  	_ =	shalt  }
0x50: {  	_ =	shalt  }
0x51: {  	_ =	shalt  }
0x52: {  	_ =	shalt  }
0x53: {  	_ =	shalt  }
0x54: {  	_ =	shalt  }
0x55: {  	_ =	shalt  }
0x56: {  	_ =	shalt  }
0x57: {  	_ =	shalt  }
0x58: {  	_ =	shalt  }
0x59: {  	_ =	shalt  }
0x5a: {  	_ =	shalt  }
0x5b: {  	_ =	shalt  }
0x5c: {  	_ =	shalt  }
0x5d: {  	_ =	shalt  }
0x5e: {  	_ =	shalt  }
0x5f: {  	_ =	shalt  }
0x60: {  	_ =	shalt  }
0x61: {  	_ =	shalt  }
0x62: {  	_ =	shalt  }
0x63: {  	_ =	shalt  }
0x64: {  	_ =	shalt  }
0x65: {  	_ =	shalt  }
0x66: {  	_ =	shalt  }
0x67: {  	_ =	shalt  }
0x68: {  	_ =	shalt  }
0x69: {  	_ =	shalt  }
0x6a: {  	_ =	shalt  }
0x6b: {  	_ =	shalt  }
0x6c: {  	_ =	shalt  }
0x6d: {  	_ =	shalt  }
0x6e: {  	_ =	shalt  }
0x6f: {  	_ =	shalt  }
0x70: {  	_ =	shalt  }
0x71: {  	_ =	shalt  }
0x72: {  	_ =	shalt  }
0x73: {  	_ =	shalt  }
0x74: {  	_ =	shalt  }
0x75: {  	_ =	shalt  }
0x76: {  	_ =	shalt  }
0x77: {  	_ =	shalt  }
0x78: {  	_ =	shalt  }
0x79: {  	_ =	shalt  }
0x7a: {  	_ =	shalt  }
0x7b: {  	_ =	shalt  }
0x7c: {  	_ =	shalt  }
0x7d: {  	_ =	shalt  }
0x7e: {  	_ =	shalt  }
0x7f: {  	_ =	shalt  }
0x80: {  	_ =	shalt  }
0x81: {  	_ =	shalt  }
0x82: {  	_ =	shalt  }
0x83: {  	_ =	shalt  }
0x84: {  	_ =	shalt  }
0x85: {  	_ =	shalt  }
0x86: {  	_ =	shalt  }
0x87: {  	_ =	shalt  }
.Lfunc_end0:
.L_simem_size_0:
called_computation_lowered:
.L_overlay_start_0:
0x88: {  	s2 =	sld [smem:$0x3FD9]  }
0x89: {  	s3 =	sld [smem:$0x3FFE];
	_ =	sdelay $0x1  }
0x8a: {  	s1 =	srdreg.scid  }
0x8b: {  	s0 =	sand.u32 $0x1, s1  }
0x8c: {  	s17 =	sshll.u32 s0, $0xA;
	s2 =	sadd.s32 s3, s2  }
0x8d: {  	s2 =	sadd.s32 s2, s17  }
0x8e: {  	[smem:$0x3FC6] =	sst s2  }
0x8f: {  	_ = 	snop  }
0x90: {  	s2 =	sld [smem:$0x3FC9]  }
0x91: {  	s18 =	sld [smem:$0x3FD0];
	(tm) =	ssettm $0x1  }
0x92: {  	s4 =	sld [smem:$0x3FFB];
	_ =	sdelay $0x3  }
0x93: {  	_ =	strace s4  }
0x94: {  	s4 =	sld [smem:$0x3FFC];
	_ =	sdelay $0x3  }
0x95: {  	_ =	strace s4  }
0x96: {  	s4 =	sld [smem:$0x3FFD];
	_ =	sdelay $0x3  }
0x97: {  	_ =	strace s4  }
0x98: {  	_ =	strace $0x8FFFFFFF  }
0x99: {  	s19 =	sld [smem:$0x3FDB];
	_ =	sdelay $0x1  }
0x9a: {  	s5 =	simm.s32 $_scs_section_size  }
0x9b: {  	s6 =	simm.s32 $_size__tile_overlayer_lowered;
	s7 =	simm.s32 $_tile_overlayer_lowered  }
0x9c: {  	s22 =	simm.s32 $0x1BFF;
	s21 =	sshll.u32 s7, $0x1;
	s4 =	sadd.s32 s5, s19  }
0x9d: {  	s8 =	simm.s32 $0x0;
	s20 =	sshll.u32 s6, $0x1;
	s6 =	sadd.s32 s21, s4  }
0x9e: {  	[timem:s8], [sflag:s22] =	dma.local [hbm:s6], s20  }
0x9f: {  	_ =	swait.ge [sflag:s22], s20  }
0xa0: {  	s5 =	ssub.s32 $0x0, s20;
	[sflag:s22] =	ssyncset.done $0x0  }
0xa1: {  	[sflag:s22] =	ssyncadd.s32 s5;
	_ =	sdelay $0x1  }
0xa2: {  	s23 =	simm.s32 $0x1B8B  }
0xa3: {  	_ =	swait.ge [sflag:s23], $0x1  }
0xa4: {  	[sflag:s23] =	ssyncset.done $0x0  }
0xa5: {  	s25 =	simm.s32 $0x1B8E;
	s24 =	sld [smem:$0x3FFE];
	[sflag:s23] =	ssyncadd.s32 $0xFFFFFFFF  }
0xa6: {  	s26 =	simm.s32 $execute0_lowered;
	[smem:$0x3FD2] =	sst s25  }
0xa7: {  	s6 =	sshll.u32 s26, $0x1;
	_ =	strace $0x80000046;
	[dreg:$0x1] =	wrdreg $0xFFFFFFFF  }
0xa8: {  	s28 =	simm.s32 $_size_execute0_lowered;
	s4 =	sadd.s32 s4, s6;
	[dreg:$0x0] =	wrdreg $0x0  }
0xa9: {  	s6 =	sshll.u32 s28, $0x1;
	[dreg:$0x2] =	wrdreg s4  }
0xaa: {  	[dreg:$0x3] =	wrdreg s6  }
0xab: {  	[dreg:$0x4] =	wrdreg $0xC0  }
0xac: {  	_ =	task [dreg:s8], $0x5FFFF  }
0xad: {  	[dreg:$0x1] =	wrdreg $0xFFFFFFFF  }
0xae: {  	[dreg:$0x0] =	wrdreg $0x60  }
0xaf: {  	[dreg:$0x2] =	wrdreg s24  }
0xb0: {  	[dreg:$0x3] =	wrdreg s2  }
0xb1: {  	[dreg:$0x4] =	wrdreg s18  }
0xb2: {  	[dreg:$0x5] =	wrdreg $0x9  }
0xb3: {  	_ =	task.clear_ibuf [dreg:s8], $0x6FFFF;
	_ =	strace $0x90000046  }
0xb4: {  	s29 =	simm.s32 $0x9;
	_ =	strace $0x80000048  }
0xb5: {  	_ =	swait.ge [sflag:s29], $0x1  }
0xb6: {  	[sflag:s29] =	ssyncadd.s32 $0xFFFFFFFF  }
0xb7: {  	_ =	strace $0x90000048  }
0xb8: {  	_ =	sfence  }
0xb9: {  	s30 =	sld [smem:$0x0];
	_ =	sdelay $0x2  }
0xba: {  	s31 =	sshll.u32 s1, $0xD;
	s1 =	sshrl.u32 s1, $0x2  }
0xbb: {  	s3 =	sand.u32 $0x4000, s31;
	s1 =	sadd.s32 s1, s30  }
0xbc: {  	s0 =	sor.u32 s3, s0;
	s1 =	sshll.u32 s1, $0x11  }
0xbd: {  	s0 =	sor.u32 s1, s0  }
0xbe: {  	s0 =	sadd.s32 $0x8F2B, s0  }
0xbf: {  	[sflag:s0] =	ssyncadd.remote.s32 $0x1  }
0xc0: {  	_ =	sfence.sel $0xFFFF  }
0xc1: {  	[dreg:$0x0] =	wrdreg $0xFFFFFFFF;
	(pc) =	sbr.abs _section_cstart, $3  }
0xc2: {  	[dreg:$0x1] =	wrdreg $0xFFFFFFFF  }
0xc3: {  	_ =	task.clear_ibuf [dreg:s8], $0x2FFFF;
	_ =	strace $0x9FFFFFFF  }
0xc4: {  	(tm) =	ssettm $0x7FFFFFFF  }
0xc5: {  	_ =	shalt  }
tec
execute0_lowered:
.L_overlay_start_1:
0x0: {  	(tag) =	ssettag $0x1  }
0x1: {  	s5 =	rddreg [dreg:$0x0]  }
0x2: {  	s1 =	rddreg [dreg:$0x1]  }
0x3: {  	s2 =	rddreg [dreg:$0x2]  }
0x4: {  	s4 =	srdreg.scid;
	s0 =	rddreg [dreg:$0x3];
	s3 =	simm.s32 $0x0  }
0x5: {  	s9 =	simm.s32 $0x20000;
	s10 =	simm.s32 $0x1800;
	s11 =	simm.s32 $0x4  }
0x6: {  	s12 =	simm.s32 $0x80;
	s13 =	simm.s32 $0x3C00;
	s14 =	simm.s32 $0x7C00  }
0x7: {  	s15 =	simm.s32 $0x100;
	s16 =	simm.s32 $0xBC00;
	s17 =	simm.s32 $0x1  }
0x8: {  	s18 =	simm.s32 $0x2;
	s19 =	simm.s32 $0x3;
	s20 =	simm.s32 $0x1880  }
0x9: {  	s21 =	simm.s32 $0x1C00;
	s22 =	simm.s32 $0x0;
	s6 =	sand.u32 $0x1, s4  }
0xa: {  	[smem:$0x7FF] =	sst s3;
	s4 =	stileid.u32;
	s7 =	ssub.s32 $0x2, s6  }
0xb: {  	s5 =	sadd.s32 $0x400, s5;
	_ =	strace $0x80000047;
	s8 =	sshrl.u32 s7, $0x1  }
0xc: {  	s31 =	sshll.u32 s4, $0x3;
	s6 =	sshll.u32 s6, $0x2;
	s7 =	ssub.s32 s7, s8  }
0xd: {  	v0 =	vimm.f32 $0.0e+00;
	s6 =	sor.u32 s6, s31;
	s8 =	simm.s32 $0x400;
	s7 =	smax.u32 s7, $0x1  }
.LBB2_1:
0xe: {  	s23 =	simm.s32 $0x0  }
.LBB2_2:
0xf: {  	s24 =	sadd.s32 s6, s23  }
0x10: {  	s25 =	sshll.u32 s24, $0x7  }
0x11: {  	s26 =	simm.s32 $0x0;
	s25 =	sadd.s32 s1, s25  }
0x12: {  	[tilespmem:s26], [sflag:$0x4] =	stream.strided.gather [hbm4b:s25+s8], $0x1800, s9, s8, $0x38;
	[tilespmem:$0xFC00] =	vst v63  }
0x13: {  	s25 =	sadd.s32 $0x18000, s25  }
0x14: {  	[tilespmem:s10], [sflag:$0x4] =	stream.linear.gather [hbm4b:s25+s26], $0x100, $0x38;
	[tilespmem:$0xFC00] =	vst v63  }
0x15: {  	_ =	swait.ge [sflag:s11], $0x1900  }
0x16: {  	[sflag:s11] =	ssyncset.done $0x0  }
0x17: {  	s25 =	simm.s32 $0x0;
	s26 =	simm.s32 $0x800;
	[sflag:s11] =	ssyncadd.s32 $0xFFFFE700  }
.LBB2_3:
0x18: {  	p0 =	sne.s32 s26, $0x7800;
	[tilespmem:s25+$0x1DF0] =	vst v0  }
0x19: {  	[tilespmem:s25+$0x1C00] =	vst v0  }
0x1a: {  	[tilespmem:s25+$0x1C10] =	vst v0  }
0x1b: {  	[tilespmem:s25+$0x1C20] =	vst v0  }
0x1c: {  	[tilespmem:s25+$0x1C30] =	vst v0  }
0x1d: {  	[tilespmem:s25+$0x1C40] =	vst v0  }
0x1e: {  	[tilespmem:s25+$0x1C50] =	vst v0  }
0x1f: {  	[tilespmem:s25+$0x1C60] =	vst v0  }
0x20: {  	[tilespmem:s25+$0x1C70] =	vst v0  }
0x21: {  	[tilespmem:s25+$0x1C80] =	vst v0  }
0x22: {  	[tilespmem:s25+$0x1C90] =	vst v0  }
0x23: {  	[tilespmem:s25+$0x1CA0] =	vst v0  }
0x24: {  	[tilespmem:s25+$0x1CB0] =	vst v0  }
0x25: {  	[tilespmem:s25+$0x1CC0] =	vst v0  }
0x26: {  	[tilespmem:s25+$0x1CD0] =	vst v0  }
0x27: {  	[tilespmem:s25+$0x1CE0] =	vst v0  }
0x28: {  	[tilespmem:s25+$0x1CF0] =	vst v0  }
0x29: {  	[tilespmem:s25+$0x1D00] =	vst v0  }
0x2a: {  	[tilespmem:s25+$0x1D10] =	vst v0  }
0x2b: {  	[tilespmem:s25+$0x1D20] =	vst v0  }
0x2c: {  	[tilespmem:s25+$0x1D30] =	vst v0  }
0x2d: {  	[tilespmem:s25+$0x1D40] =	vst v0  }
0x2e: {  	[tilespmem:s25+$0x1D50] =	vst v0  }
0x2f: {  	[tilespmem:s25+$0x1D60] =	vst v0  }
0x30: {  	[tilespmem:s25+$0x1D70] =	vst v0  }
0x31: {  	[tilespmem:s25+$0x1D80] =	vst v0  }
0x32: {  	[tilespmem:s25+$0x1D90] =	vst v0  }
.Ltmp0:
0x33: {  	[tilespmem:s25+$0x1DA0] =	vst v0;
	(pc) =	sbr.rel @p0 .LBB2_3-.Ltmp0, $4  }
0x34: {  	[tilespmem:s25+$0x1DB0] =	vst v0  }
0x35: {  	[tilespmem:s25+$0x1DC0] =	vst v0  }
0x36: {  	[tilespmem:s25+$0x1DD0] =	vst v0  }
0x37: {  	[tilespmem:s25+$0x1DE0] =	vst v0;
	s25 =	sshra.s32 s26, $0x2;
	s26 =	sadd.s32 $0x800, s26  }
0x38: {  	[tilespmem:s25+$0x1DF0] =	vst v0  }
0x39: {  	[tilespmem:s25+$0x1C00] =	vst v0  }
0x3a: {  	[tilespmem:s25+$0x1C10] =	vst v0  }
0x3b: {  	[tilespmem:s25+$0x1C20] =	vst v0  }
0x3c: {  	[tilespmem:s25+$0x1C30] =	vst v0  }
0x3d: {  	[tilespmem:s25+$0x1C40] =	vst v0  }
0x3e: {  	[tilespmem:s25+$0x1C50] =	vst v0  }
0x3f: {  	[tilespmem:s25+$0x1C60] =	vst v0  }
0x40: {  	[tilespmem:s25+$0x1C70] =	vst v0  }
0x41: {  	[tilespmem:s25+$0x1C80] =	vst v0  }
0x42: {  	[tilespmem:s25+$0x1C90] =	vst v0  }
0x43: {  	[tilespmem:s25+$0x1CA0] =	vst v0  }
0x44: {  	[tilespmem:s25+$0x1CB0] =	vst v0  }
0x45: {  	[tilespmem:s25+$0x1CC0] =	vst v0  }
0x46: {  	[tilespmem:s25+$0x1CD0] =	vst v0  }
0x47: {  	[tilespmem:s25+$0x1CE0] =	vst v0  }
0x48: {  	[tilespmem:s25+$0x1CF0] =	vst v0  }
0x49: {  	[tilespmem:s25+$0x1D00] =	vst v0  }
0x4a: {  	[tilespmem:s25+$0x1D10] =	vst v0  }
0x4b: {  	[tilespmem:s25+$0x1D20] =	vst v0  }
0x4c: {  	[tilespmem:s25+$0x1D30] =	vst v0  }
0x4d: {  	[tilespmem:s25+$0x1D40] =	vst v0  }
0x4e: {  	[tilespmem:s25+$0x1D50] =	vst v0  }
0x4f: {  	[tilespmem:s25+$0x1D60] =	vst v0  }
0x50: {  	[tilespmem:s25+$0x1D70] =	vst v0  }
0x51: {  	[tilespmem:s25+$0x1D80] =	vst v0  }
0x52: {  	[tilespmem:s25+$0x1D90] =	vst v0  }
0x53: {  	[tilespmem:s25+$0x1DA0] =	vst v0  }
0x54: {  	[tilespmem:s25+$0x1DB0] =	vst v0  }
0x55: {  	[tilespmem:s25+$0x1DC0] =	vst v0  }
0x56: {  	[tilespmem:s25+$0x1DD0] =	vst v0  }
0x57: {  	[tilespmem:s25+$0x1DE0] =	vst v0;
	s25 =	simm.s32 $0x0  }
0x58: {  	[tilespmem:s13], [sflag:$0x1] =	stream.indirect.gather [hbm4b:s5+s12], $0x80, s25, s12, $0xb8;
	[tilespmem:$0xFC00] =	vst v63  }
0x59: {  	_ = 	snop  }
0x5a: {  	[tilespmem:s14], [sflag:$0x2] =	stream.indirect.gather [hbm4b:s5+s12], $0x80, s12, s12, $0xb8;
	[tilespmem:$0xFC00] =	vst v63  }
0x5b: {  	_ = 	snop  }
0x5c: {  	[tilespmem:s16], [sflag:$0x3] =	stream.indirect.gather [hbm4b:s5+s12], $0x80, s15, s12, $0xb8;
	[tilespmem:$0xFC00] =	vst v63  }
.LBB2_5:
0x5d: {  	_ =	swait.ge [sflag:s17], $0x4000  }
0x5e: {  	[sflag:s17] =	ssyncset.done $0x0  }
0x5f: {  	s26 =	simm.s32 $0x3D00;
	[sflag:s17] =	ssyncadd.s32 $0xFFFFC000  }
0x60: {  	s28 =	simm.s32 $0x400;
	s29 =	simm.s32 $0x0;
	v1 =	vld [tilespmem:s26+$0xFFFFFF00]  }
.LBB2_6:
0x61: {  	p0 =	sne.s32 s28, $0x7C00;
	_ =	sdelay $0x2  }
0x62: {  	s30 =	sshra.s32 s29, $0x2;
	s29 =	smov.u32 s28  }
0x63: {  	[tilespmem:s30+$0x1C00] =	vst.add.f32.msk $0xffff, v1  }
0x64: {  	v1 =	vld [tilespmem:s26+$0xFFFFFF10];
	_ =	sdelay $0x4  }
0x65: {  	[tilespmem:s30+$0x1C10] =	vst.add.f32.msk $0xffff, v1  }
0x66: {  	v1 =	vld [tilespmem:s26+$0xFFFFFF20];
	_ =	sdelay $0x4  }
0x67: {  	[tilespmem:s30+$0x1C20] =	vst.add.f32.msk $0xffff, v1  }
0x68: {  	v1 =	vld [tilespmem:s26+$0xFFFFFF30];
	_ =	sdelay $0x4  }
0x69: {  	[tilespmem:s30+$0x1C30] =	vst.add.f32.msk $0xffff, v1  }
0x6a: {  	v1 =	vld [tilespmem:s26+$0xFFFFFF80];
	_ =	sdelay $0x4  }
0x6b: {  	[tilespmem:s30+$0x1C40] =	vst.add.f32.msk $0xffff, v1  }
0x6c: {  	v1 =	vld [tilespmem:s26+$0xFFFFFF90];
	_ =	sdelay $0x4  }
0x6d: {  	[tilespmem:s30+$0x1C50] =	vst.add.f32.msk $0xffff, v1  }
0x6e: {  	v1 =	vld [tilespmem:s26+$0xFFFFFFA0];
	_ =	sdelay $0x4  }
0x6f: {  	[tilespmem:s30+$0x1C60] =	vst.add.f32.msk $0xffff, v1  }
0x70: {  	v1 =	vld [tilespmem:s26+$0xFFFFFFB0];
	_ =	sdelay $0x4  }
0x71: {  	[tilespmem:s30+$0x1C70] =	vst.add.f32.msk $0xffff, v1  }
0x72: {  	v1 =	vld [tilespmem:s26+$0x0];
	_ =	sdelay $0x4  }
0x73: {  	[tilespmem:s30+$0x1C80] =	vst.add.f32.msk $0xffff, v1  }
0x74: {  	v1 =	vld [tilespmem:s26+$0x10];
	_ =	sdelay $0x4  }
0x75: {  	[tilespmem:s30+$0x1C90] =	vst.add.f32.msk $0xffff, v1  }
0x76: {  	v1 =	vld [tilespmem:s26+$0x20];
	_ =	sdelay $0x4  }
0x77: {  	[tilespmem:s30+$0x1CA0] =	vst.add.f32.msk $0xffff, v1  }
0x78: {  	v1 =	vld [tilespmem:s26+$0x30];
	_ =	sdelay $0x4  }
0x79: {  	[tilespmem:s30+$0x1CB0] =	vst.add.f32.msk $0xffff, v1  }
0x7a: {  	v1 =	vld [tilespmem:s26+$0x80];
	_ =	sdelay $0x4  }
0x7b: {  	[tilespmem:s30+$0x1CC0] =	vst.add.f32.msk $0xffff, v1  }
0x7c: {  	v1 =	vld [tilespmem:s26+$0x90];
	_ =	sdelay $0x4  }
0x7d: {  	[tilespmem:s30+$0x1CD0] =	vst.add.f32.msk $0xffff, v1  }
0x7e: {  	v1 =	vld [tilespmem:s26+$0xA0];
	_ =	sdelay $0x4  }
0x7f: {  	[tilespmem:s30+$0x1CE0] =	vst.add.f32.msk $0xffff, v1  }
0x80: {  	v1 =	vld [tilespmem:s26+$0xB0];
	_ =	sdelay $0x1  }
.Ltmp1:
0x81: {  	(pc) =	sbr.rel @p0 .LBB2_6-.Ltmp1, $3  }
0x82: {  	_ =	sdelay $0x1  }
0x83: {  	s26 =	sadd.s32 $0x200, s26;
	[tilespmem:s30+$0x1CF0] =	vst.add.f32.msk $0xffff, v1  }
0x84: {  	s28 =	sadd.s32 $0x400, s28;
	v1 =	vld [tilespmem:s26+$0xFFFFFF00]  }
0x85: {  	_ =	sdelay $0x2  }
0x86: {  	s28 =	sshra.s32 s29, $0x2  }
0x87: {  	[tilespmem:s28+$0x1C00] =	vst.add.f32.msk $0xffff, v1  }
0x88: {  	v1 =	vld [tilespmem:s26+$0xFFFFFF10];
	_ =	sdelay $0x4  }
0x89: {  	[tilespmem:s28+$0x1C10] =	vst.add.f32.msk $0xffff, v1  }
0x8a: {  	v1 =	vld [tilespmem:s26+$0xFFFFFF20];
	_ =	sdelay $0x4  }
0x8b: {  	[tilespmem:s28+$0x1C20] =	vst.add.f32.msk $0xffff, v1  }
0x8c: {  	v1 =	vld [tilespmem:s26+$0xFFFFFF30];
	_ =	sdelay $0x4  }
0x8d: {  	[tilespmem:s28+$0x1C30] =	vst.add.f32.msk $0xffff, v1  }
0x8e: {  	v1 =	vld [tilespmem:s26+$0xFFFFFF80];
	_ =	sdelay $0x4  }
0x8f: {  	[tilespmem:s28+$0x1C40] =	vst.add.f32.msk $0xffff, v1  }
0x90: {  	v1 =	vld [tilespmem:s26+$0xFFFFFF90];
	_ =	sdelay $0x4  }
0x91: {  	[tilespmem:s28+$0x1C50] =	vst.add.f32.msk $0xffff, v1  }
0x92: {  	v1 =	vld [tilespmem:s26+$0xFFFFFFA0];
	_ =	sdelay $0x4  }
0x93: {  	[tilespmem:s28+$0x1C60] =	vst.add.f32.msk $0xffff, v1  }
0x94: {  	v1 =	vld [tilespmem:s26+$0xFFFFFFB0];
	_ =	sdelay $0x4  }
0x95: {  	[tilespmem:s28+$0x1C70] =	vst.add.f32.msk $0xffff, v1  }
0x96: {  	v1 =	vld [tilespmem:s26+$0x0];
	_ =	sdelay $0x4  }
0x97: {  	[tilespmem:s28+$0x1C80] =	vst.add.f32.msk $0xffff, v1  }
0x98: {  	v1 =	vld [tilespmem:s26+$0x10];
	_ =	sdelay $0x4  }
0x99: {  	[tilespmem:s28+$0x1C90] =	vst.add.f32.msk $0xffff, v1  }
0x9a: {  	v1 =	vld [tilespmem:s26+$0x20];
	_ =	sdelay $0x4  }
0x9b: {  	[tilespmem:s28+$0x1CA0] =	vst.add.f32.msk $0xffff, v1  }
0x9c: {  	v1 =	vld [tilespmem:s26+$0x30];
	_ =	sdelay $0x4  }
0x9d: {  	[tilespmem:s28+$0x1CB0] =	vst.add.f32.msk $0xffff, v1  }
0x9e: {  	v1 =	vld [tilespmem:s26+$0x80];
	_ =	sdelay $0x4  }
0x9f: {  	[tilespmem:s28+$0x1CC0] =	vst.add.f32.msk $0xffff, v1  }
0xa0: {  	v1 =	vld [tilespmem:s26+$0x90];
	_ =	sdelay $0x4  }
0xa1: {  	[tilespmem:s28+$0x1CD0] =	vst.add.f32.msk $0xffff, v1  }
0xa2: {  	v1 =	vld [tilespmem:s26+$0xA0];
	_ =	sdelay $0x4  }
0xa3: {  	[tilespmem:s28+$0x1CE0] =	vst.add.f32.msk $0xffff, v1  }
0xa4: {  	v1 =	vld [tilespmem:s26+$0xB0];
	_ =	sdelay $0x1  }
0xa5: {  	s31 =	smul.u32 $0x600, s25;
	_ =	sdelay $0x1  }
0xa6: {  	s26 =	sshra.s32 s31, $0x2  }
0xa7: {  	[tilespmem:s28+$0x1CF0] =	vst.add.f32.msk $0xffff, v1;
	s28 =	sadd.s32 $0x180, s26  }
0xa8: {  	[tilespmem:s13], [sflag:$0x1] =	stream.indirect.gather [hbm4b:s5+s12], $0x80, s28, s12, $0xb8;
	[tilespmem:$0xFC00] =	vst v63  }
0xa9: {  	_ =	swait.ge [sflag:s18], $0x4000  }
0xaa: {  	[sflag:s18] =	ssyncset.done $0x0  }
0xab: {  	s28 =	simm.s32 $0x7D00;
	[sflag:s18] =	ssyncadd.s32 $0xFFFFC000  }
0xac: {  	s29 =	simm.s32 $0x0;
	s30 =	simm.s32 $0x400;
	v1 =	vld [tilespmem:s28+$0xFFFFFF00]  }
.LBB2_8:
0xad: {  	p0 =	sne.s32 s30, $0x7C00;
	_ =	sdelay $0x2  }
0xae: {  	s31 =	sshra.s32 s29, $0x2;
	s29 =	smov.u32 s30  }
0xaf: {  	[tilespmem:s31+$0x1C00] =	vst.add.f32.msk $0xffff, v1  }
0xb0: {  	v1 =	vld [tilespmem:s28+$0xFFFFFF10];
	_ =	sdelay $0x4  }
0xb1: {  	[tilespmem:s31+$0x1C10] =	vst.add.f32.msk $0xffff, v1  }
0xb2: {  	v1 =	vld [tilespmem:s28+$0xFFFFFF20];
	_ =	sdelay $0x4  }
0xb3: {  	[tilespmem:s31+$0x1C20] =	vst.add.f32.msk $0xffff, v1  }
0xb4: {  	v1 =	vld [tilespmem:s28+$0xFFFFFF30];
	_ =	sdelay $0x4  }
0xb5: {  	[tilespmem:s31+$0x1C30] =	vst.add.f32.msk $0xffff, v1  }
0xb6: {  	v1 =	vld [tilespmem:s28+$0xFFFFFF80];
	_ =	sdelay $0x4  }
0xb7: {  	[tilespmem:s31+$0x1C40] =	vst.add.f32.msk $0xffff, v1  }
0xb8: {  	v1 =	vld [tilespmem:s28+$0xFFFFFF90];
	_ =	sdelay $0x4  }
0xb9: {  	[tilespmem:s31+$0x1C50] =	vst.add.f32.msk $0xffff, v1  }
0xba: {  	v1 =	vld [tilespmem:s28+$0xFFFFFFA0];
	_ =	sdelay $0x4  }
0xbb: {  	[tilespmem:s31+$0x1C60] =	vst.add.f32.msk $0xffff, v1  }
0xbc: {  	v1 =	vld [tilespmem:s28+$0xFFFFFFB0];
	_ =	sdelay $0x4  }
0xbd: {  	[tilespmem:s31+$0x1C70] =	vst.add.f32.msk $0xffff, v1  }
0xbe: {  	v1 =	vld [tilespmem:s28+$0x0];
	_ =	sdelay $0x4  }
0xbf: {  	[tilespmem:s31+$0x1C80] =	vst.add.f32.msk $0xffff, v1  }
0xc0: {  	v1 =	vld [tilespmem:s28+$0x10];
	_ =	sdelay $0x4  }
0xc1: {  	[tilespmem:s31+$0x1C90] =	vst.add.f32.msk $0xffff, v1  }
0xc2: {  	v1 =	vld [tilespmem:s28+$0x20];
	_ =	sdelay $0x4  }
0xc3: {  	[tilespmem:s31+$0x1CA0] =	vst.add.f32.msk $0xffff, v1  }
0xc4: {  	v1 =	vld [tilespmem:s28+$0x30];
	_ =	sdelay $0x4  }
0xc5: {  	[tilespmem:s31+$0x1CB0] =	vst.add.f32.msk $0xffff, v1  }
0xc6: {  	v1 =	vld [tilespmem:s28+$0x80];
	_ =	sdelay $0x4  }
0xc7: {  	[tilespmem:s31+$0x1CC0] =	vst.add.f32.msk $0xffff, v1  }
0xc8: {  	v1 =	vld [tilespmem:s28+$0x90];
	_ =	sdelay $0x4  }
0xc9: {  	[tilespmem:s31+$0x1CD0] =	vst.add.f32.msk $0xffff, v1  }
0xca: {  	v1 =	vld [tilespmem:s28+$0xA0];
	_ =	sdelay $0x4  }
0xcb: {  	[tilespmem:s31+$0x1CE0] =	vst.add.f32.msk $0xffff, v1  }
0xcc: {  	v1 =	vld [tilespmem:s28+$0xB0];
	_ =	sdelay $0x1  }
.Ltmp2:
0xcd: {  	(pc) =	sbr.rel @p0 .LBB2_8-.Ltmp2, $3  }
0xce: {  	_ =	sdelay $0x1  }
0xcf: {  	s28 =	sadd.s32 $0x200, s28;
	[tilespmem:s31+$0x1CF0] =	vst.add.f32.msk $0xffff, v1  }
0xd0: {  	s30 =	sadd.s32 $0x400, s30;
	v1 =	vld [tilespmem:s28+$0xFFFFFF00]  }
0xd1: {  	_ =	sdelay $0x2  }
0xd2: {  	s29 =	sshra.s32 s29, $0x2  }
0xd3: {  	[tilespmem:s29+$0x1C00] =	vst.add.f32.msk $0xffff, v1  }
0xd4: {  	v1 =	vld [tilespmem:s28+$0xFFFFFF10];
	_ =	sdelay $0x4  }
0xd5: {  	[tilespmem:s29+$0x1C10] =	vst.add.f32.msk $0xffff, v1  }
0xd6: {  	v1 =	vld [tilespmem:s28+$0xFFFFFF20];
	_ =	sdelay $0x4  }
0xd7: {  	[tilespmem:s29+$0x1C20] =	vst.add.f32.msk $0xffff, v1  }
0xd8: {  	v1 =	vld [tilespmem:s28+$0xFFFFFF30];
	_ =	sdelay $0x4  }
0xd9: {  	[tilespmem:s29+$0x1C30] =	vst.add.f32.msk $0xffff, v1  }
0xda: {  	v1 =	vld [tilespmem:s28+$0xFFFFFF80];
	_ =	sdelay $0x4  }
0xdb: {  	[tilespmem:s29+$0x1C40] =	vst.add.f32.msk $0xffff, v1  }
0xdc: {  	v1 =	vld [tilespmem:s28+$0xFFFFFF90];
	_ =	sdelay $0x4  }
0xdd: {  	[tilespmem:s29+$0x1C50] =	vst.add.f32.msk $0xffff, v1  }
0xde: {  	v1 =	vld [tilespmem:s28+$0xFFFFFFA0];
	_ =	sdelay $0x4  }
0xdf: {  	[tilespmem:s29+$0x1C60] =	vst.add.f32.msk $0xffff, v1  }
0xe0: {  	v1 =	vld [tilespmem:s28+$0xFFFFFFB0];
	_ =	sdelay $0x4  }
0xe1: {  	[tilespmem:s29+$0x1C70] =	vst.add.f32.msk $0xffff, v1  }
0xe2: {  	v1 =	vld [tilespmem:s28+$0x0];
	_ =	sdelay $0x4  }
0xe3: {  	[tilespmem:s29+$0x1C80] =	vst.add.f32.msk $0xffff, v1  }
0xe4: {  	v1 =	vld [tilespmem:s28+$0x10];
	_ =	sdelay $0x4  }
0xe5: {  	[tilespmem:s29+$0x1C90] =	vst.add.f32.msk $0xffff, v1  }
0xe6: {  	v1 =	vld [tilespmem:s28+$0x20];
	_ =	sdelay $0x4  }
0xe7: {  	[tilespmem:s29+$0x1CA0] =	vst.add.f32.msk $0xffff, v1  }
0xe8: {  	v1 =	vld [tilespmem:s28+$0x30];
	_ =	sdelay $0x4  }
0xe9: {  	[tilespmem:s29+$0x1CB0] =	vst.add.f32.msk $0xffff, v1  }
0xea: {  	v1 =	vld [tilespmem:s28+$0x80];
	_ =	sdelay $0x4  }
0xeb: {  	[tilespmem:s29+$0x1CC0] =	vst.add.f32.msk $0xffff, v1  }
0xec: {  	v1 =	vld [tilespmem:s28+$0x90];
	_ =	sdelay $0x4  }
0xed: {  	[tilespmem:s29+$0x1CD0] =	vst.add.f32.msk $0xffff, v1  }
0xee: {  	v1 =	vld [tilespmem:s28+$0xA0];
	_ =	sdelay $0x4  }
0xef: {  	[tilespmem:s29+$0x1CE0] =	vst.add.f32.msk $0xffff, v1  }
0xf0: {  	v1 =	vld [tilespmem:s28+$0xB0];
	_ =	sdelay $0x4  }
0xf1: {  	s28 =	sadd.s32 $0x200, s26;
	[tilespmem:s29+$0x1CF0] =	vst.add.f32.msk $0xffff, v1  }
0xf2: {  	[tilespmem:s14], [sflag:$0x2] =	stream.indirect.gather [hbm4b:s5+s12], $0x80, s28, s12, $0xb8;
	[tilespmem:$0xFC00] =	vst v63  }
0xf3: {  	_ =	swait.ge [sflag:s19], $0x4000  }
0xf4: {  	[sflag:s19] =	ssyncset.done $0x0  }
0xf5: {  	s28 =	simm.s32 $0xBD00;
	[sflag:s19] =	ssyncadd.s32 $0xFFFFC000  }
0xf6: {  	s30 =	simm.s32 $0x400;
	s29 =	simm.s32 $0x0;
	v1 =	vld [tilespmem:s28+$0xFFFFFF00]  }
.LBB2_10:
0xf7: {  	p0 =	sne.s32 s30, $0x7C00;
	_ =	sdelay $0x2  }
0xf8: {  	s31 =	sshra.s32 s29, $0x2;
	s29 =	smov.u32 s30  }
0xf9: {  	[tilespmem:s31+$0x1C00] =	vst.add.f32.msk $0xffff, v1  }
0xfa: {  	v1 =	vld [tilespmem:s28+$0xFFFFFF10];
	_ =	sdelay $0x4  }
0xfb: {  	[tilespmem:s31+$0x1C10] =	vst.add.f32.msk $0xffff, v1  }
0xfc: {  	v1 =	vld [tilespmem:s28+$0xFFFFFF20];
	_ =	sdelay $0x4  }
0xfd: {  	[tilespmem:s31+$0x1C20] =	vst.add.f32.msk $0xffff, v1  }
0xfe: {  	v1 =	vld [tilespmem:s28+$0xFFFFFF30];
	_ =	sdelay $0x4  }
0xff: {  	[tilespmem:s31+$0x1C30] =	vst.add.f32.msk $0xffff, v1  }
0x100: {  	v1 =	vld [tilespmem:s28+$0xFFFFFF80];
	_ =	sdelay $0x4  }
0x101: {  	[tilespmem:s31+$0x1C40] =	vst.add.f32.msk $0xffff, v1  }
0x102: {  	v1 =	vld [tilespmem:s28+$0xFFFFFF90];
	_ =	sdelay $0x4  }
0x103: {  	[tilespmem:s31+$0x1C50] =	vst.add.f32.msk $0xffff, v1  }
0x104: {  	v1 =	vld [tilespmem:s28+$0xFFFFFFA0];
	_ =	sdelay $0x4  }
0x105: {  	[tilespmem:s31+$0x1C60] =	vst.add.f32.msk $0xffff, v1  }
0x106: {  	v1 =	vld [tilespmem:s28+$0xFFFFFFB0];
	_ =	sdelay $0x4  }
0x107: {  	[tilespmem:s31+$0x1C70] =	vst.add.f32.msk $0xffff, v1  }
0x108: {  	v1 =	vld [tilespmem:s28+$0x0];
	_ =	sdelay $0x4  }
0x109: {  	[tilespmem:s31+$0x1C80] =	vst.add.f32.msk $0xffff, v1  }
0x10a: {  	v1 =	vld [tilespmem:s28+$0x10];
	_ =	sdelay $0x4  }
0x10b: {  	[tilespmem:s31+$0x1C90] =	vst.add.f32.msk $0xffff, v1  }
0x10c: {  	v1 =	vld [tilespmem:s28+$0x20];
	_ =	sdelay $0x4  }
0x10d: {  	[tilespmem:s31+$0x1CA0] =	vst.add.f32.msk $0xffff, v1  }
0x10e: {  	v1 =	vld [tilespmem:s28+$0x30];
	_ =	sdelay $0x4  }
0x10f: {  	[tilespmem:s31+$0x1CB0] =	vst.add.f32.msk $0xffff, v1  }
0x110: {  	v1 =	vld [tilespmem:s28+$0x80];
	_ =	sdelay $0x4  }
0x111: {  	[tilespmem:s31+$0x1CC0] =	vst.add.f32.msk $0xffff, v1  }
0x112: {  	v1 =	vld [tilespmem:s28+$0x90];
	_ =	sdelay $0x4  }
0x113: {  	[tilespmem:s31+$0x1CD0] =	vst.add.f32.msk $0xffff, v1  }
0x114: {  	v1 =	vld [tilespmem:s28+$0xA0];
	_ =	sdelay $0x4  }
0x115: {  	[tilespmem:s31+$0x1CE0] =	vst.add.f32.msk $0xffff, v1  }
0x116: {  	v1 =	vld [tilespmem:s28+$0xB0];
	_ =	sdelay $0x1  }
.Ltmp3:
0x117: {  	(pc) =	sbr.rel @p0 .LBB2_10-.Ltmp3, $3  }
0x118: {  	_ =	sdelay $0x1  }
0x119: {  	s28 =	sadd.s32 $0x200, s28;
	[tilespmem:s31+$0x1CF0] =	vst.add.f32.msk $0xffff, v1  }
0x11a: {  	s30 =	sadd.s32 $0x400, s30;
	v1 =	vld [tilespmem:s28+$0xFFFFFF00]  }
0x11b: {  	_ =	sdelay $0x2  }
0x11c: {  	s29 =	sshra.s32 s29, $0x2  }
0x11d: {  	[tilespmem:s29+$0x1C00] =	vst.add.f32.msk $0xffff, v1  }
0x11e: {  	v1 =	vld [tilespmem:s28+$0xFFFFFF10];
	_ =	sdelay $0x4  }
0x11f: {  	[tilespmem:s29+$0x1C10] =	vst.add.f32.msk $0xffff, v1  }
0x120: {  	v1 =	vld [tilespmem:s28+$0xFFFFFF20];
	_ =	sdelay $0x4  }
0x121: {  	[tilespmem:s29+$0x1C20] =	vst.add.f32.msk $0xffff, v1  }
0x122: {  	v1 =	vld [tilespmem:s28+$0xFFFFFF30];
	_ =	sdelay $0x4  }
0x123: {  	[tilespmem:s29+$0x1C30] =	vst.add.f32.msk $0xffff, v1  }
0x124: {  	v1 =	vld [tilespmem:s28+$0xFFFFFF80];
	_ =	sdelay $0x4  }
0x125: {  	[tilespmem:s29+$0x1C40] =	vst.add.f32.msk $0xffff, v1  }
0x126: {  	v1 =	vld [tilespmem:s28+$0xFFFFFF90];
	_ =	sdelay $0x4  }
0x127: {  	[tilespmem:s29+$0x1C50] =	vst.add.f32.msk $0xffff, v1  }
0x128: {  	v1 =	vld [tilespmem:s28+$0xFFFFFFA0];
	_ =	sdelay $0x4  }
0x129: {  	[tilespmem:s29+$0x1C60] =	vst.add.f32.msk $0xffff, v1  }
0x12a: {  	v1 =	vld [tilespmem:s28+$0xFFFFFFB0];
	_ =	sdelay $0x4  }
0x12b: {  	[tilespmem:s29+$0x1C70] =	vst.add.f32.msk $0xffff, v1  }
0x12c: {  	v1 =	vld [tilespmem:s28+$0x0];
	_ =	sdelay $0x4  }
0x12d: {  	[tilespmem:s29+$0x1C80] =	vst.add.f32.msk $0xffff, v1  }
0x12e: {  	v1 =	vld [tilespmem:s28+$0x10];
	_ =	sdelay $0x4  }
0x12f: {  	[tilespmem:s29+$0x1C90] =	vst.add.f32.msk $0xffff, v1  }
0x130: {  	v1 =	vld [tilespmem:s28+$0x20];
	_ =	sdelay $0x4  }
0x131: {  	[tilespmem:s29+$0x1CA0] =	vst.add.f32.msk $0xffff, v1  }
0x132: {  	v1 =	vld [tilespmem:s28+$0x30];
	_ =	sdelay $0x4  }
0x133: {  	[tilespmem:s29+$0x1CB0] =	vst.add.f32.msk $0xffff, v1  }
0x134: {  	v1 =	vld [tilespmem:s28+$0x80];
	_ =	sdelay $0x4  }
0x135: {  	[tilespmem:s29+$0x1CC0] =	vst.add.f32.msk $0xffff, v1  }
0x136: {  	v1 =	vld [tilespmem:s28+$0x90];
	_ =	sdelay $0x4  }
0x137: {  	[tilespmem:s29+$0x1CD0] =	vst.add.f32.msk $0xffff, v1  }
0x138: {  	v1 =	vld [tilespmem:s28+$0xA0];
	_ =	sdelay $0x4  }
0x139: {  	[tilespmem:s29+$0x1CE0] =	vst.add.f32.msk $0xffff, v1  }
0x13a: {  	s25 =	sadd.s32 $0x1, s25;
	v1 =	vld [tilespmem:s28+$0xB0]  }
0x13b: {  	p0 =	sne.s32 s25, $0xF  }
.Ltmp4:
0x13c: {  	_ = 	snop;
	(pc) =	sbr.rel @p0 .LBB2_5-.Ltmp4, $3  }
0x13d: {  	_ =	sdelay $0x1  }
0x13e: {  	s26 =	sadd.s32 $0x280, s26;
	[tilespmem:s29+$0x1CF0] =	vst.add.f32.msk $0xffff, v1  }
0x13f: {  	[tilespmem:s16], [sflag:$0x3] =	stream.indirect.gather [hbm4b:s5+s12], $0x80, s26, s12, $0xb8;
	[tilespmem:$0xFC00] =	vst v63  }
0x140: {  	_ =	swait.ge [sflag:s17], $0x4000  }
0x141: {  	[sflag:s17] =	ssyncset.done $0x0  }
0x142: {  	s25 =	simm.s32 $0x3D00;
	[sflag:s17] =	ssyncadd.s32 $0xFFFFC000  }
0x143: {  	s26 =	simm.s32 $0x0;
	s28 =	simm.s32 $0x400;
	v1 =	vld [tilespmem:s25+$0xFFFFFF00]  }
.LBB2_13:
0x144: {  	p0 =	sne.s32 s28, $0x7C00;
	_ =	sdelay $0x2  }
0x145: {  	s29 =	sshra.s32 s26, $0x2;
	s26 =	smov.u32 s28  }
0x146: {  	[tilespmem:s29+$0x1C00] =	vst.add.f32.msk $0xffff, v1  }
0x147: {  	v1 =	vld [tilespmem:s25+$0xFFFFFF10];
	_ =	sdelay $0x4  }
0x148: {  	[tilespmem:s29+$0x1C10] =	vst.add.f32.msk $0xffff, v1  }
0x149: {  	v1 =	vld [tilespmem:s25+$0xFFFFFF20];
	_ =	sdelay $0x4  }
0x14a: {  	[tilespmem:s29+$0x1C20] =	vst.add.f32.msk $0xffff, v1  }
0x14b: {  	v1 =	vld [tilespmem:s25+$0xFFFFFF30];
	_ =	sdelay $0x4  }
0x14c: {  	[tilespmem:s29+$0x1C30] =	vst.add.f32.msk $0xffff, v1  }
0x14d: {  	v1 =	vld [tilespmem:s25+$0xFFFFFF80];
	_ =	sdelay $0x4  }
0x14e: {  	[tilespmem:s29+$0x1C40] =	vst.add.f32.msk $0xffff, v1  }
0x14f: {  	v1 =	vld [tilespmem:s25+$0xFFFFFF90];
	_ =	sdelay $0x4  }
0x150: {  	[tilespmem:s29+$0x1C50] =	vst.add.f32.msk $0xffff, v1  }
0x151: {  	v1 =	vld [tilespmem:s25+$0xFFFFFFA0];
	_ =	sdelay $0x4  }
0x152: {  	[tilespmem:s29+$0x1C60] =	vst.add.f32.msk $0xffff, v1  }
0x153: {  	v1 =	vld [tilespmem:s25+$0xFFFFFFB0];
	_ =	sdelay $0x4  }
0x154: {  	[tilespmem:s29+$0x1C70] =	vst.add.f32.msk $0xffff, v1  }
0x155: {  	v1 =	vld [tilespmem:s25+$0x0];
	_ =	sdelay $0x4  }
0x156: {  	[tilespmem:s29+$0x1C80] =	vst.add.f32.msk $0xffff, v1  }
0x157: {  	v1 =	vld [tilespmem:s25+$0x10];
	_ =	sdelay $0x4  }
0x158: {  	[tilespmem:s29+$0x1C90] =	vst.add.f32.msk $0xffff, v1  }
0x159: {  	v1 =	vld [tilespmem:s25+$0x20];
	_ =	sdelay $0x4  }
0x15a: {  	[tilespmem:s29+$0x1CA0] =	vst.add.f32.msk $0xffff, v1  }
0x15b: {  	v1 =	vld [tilespmem:s25+$0x30];
	_ =	sdelay $0x4  }
0x15c: {  	[tilespmem:s29+$0x1CB0] =	vst.add.f32.msk $0xffff, v1  }
0x15d: {  	v1 =	vld [tilespmem:s25+$0x80];
	_ =	sdelay $0x4  }
0x15e: {  	[tilespmem:s29+$0x1CC0] =	vst.add.f32.msk $0xffff, v1  }
0x15f: {  	v1 =	vld [tilespmem:s25+$0x90];
	_ =	sdelay $0x4  }
0x160: {  	[tilespmem:s29+$0x1CD0] =	vst.add.f32.msk $0xffff, v1  }
0x161: {  	v1 =	vld [tilespmem:s25+$0xA0];
	_ =	sdelay $0x4  }
0x162: {  	[tilespmem:s29+$0x1CE0] =	vst.add.f32.msk $0xffff, v1  }
0x163: {  	v1 =	vld [tilespmem:s25+$0xB0];
	_ =	sdelay $0x1  }
.Ltmp5:
0x164: {  	(pc) =	sbr.rel @p0 .LBB2_13-.Ltmp5, $3  }
0x165: {  	_ =	sdelay $0x1  }
0x166: {  	s25 =	sadd.s32 $0x200, s25;
	[tilespmem:s29+$0x1CF0] =	vst.add.f32.msk $0xffff, v1  }
0x167: {  	s28 =	sadd.s32 $0x400, s28;
	v1 =	vld [tilespmem:s25+$0xFFFFFF00]  }
0x168: {  	_ =	sdelay $0x2  }
0x169: {  	s26 =	sshra.s32 s26, $0x2  }
0x16a: {  	[tilespmem:s26+$0x1C00] =	vst.add.f32.msk $0xffff, v1  }
0x16b: {  	v1 =	vld [tilespmem:s25+$0xFFFFFF10];
	_ =	sdelay $0x4  }
0x16c: {  	[tilespmem:s26+$0x1C10] =	vst.add.f32.msk $0xffff, v1  }
0x16d: {  	v1 =	vld [tilespmem:s25+$0xFFFFFF20];
	_ =	sdelay $0x4  }
0x16e: {  	[tilespmem:s26+$0x1C20] =	vst.add.f32.msk $0xffff, v1  }
0x16f: {  	v1 =	vld [tilespmem:s25+$0xFFFFFF30];
	_ =	sdelay $0x4  }
0x170: {  	[tilespmem:s26+$0x1C30] =	vst.add.f32.msk $0xffff, v1  }
0x171: {  	v1 =	vld [tilespmem:s25+$0xFFFFFF80];
	_ =	sdelay $0x4  }
0x172: {  	[tilespmem:s26+$0x1C40] =	vst.add.f32.msk $0xffff, v1  }
0x173: {  	v1 =	vld [tilespmem:s25+$0xFFFFFF90];
	_ =	sdelay $0x4  }
0x174: {  	[tilespmem:s26+$0x1C50] =	vst.add.f32.msk $0xffff, v1  }
0x175: {  	v1 =	vld [tilespmem:s25+$0xFFFFFFA0];
	_ =	sdelay $0x4  }
0x176: {  	[tilespmem:s26+$0x1C60] =	vst.add.f32.msk $0xffff, v1  }
0x177: {  	v1 =	vld [tilespmem:s25+$0xFFFFFFB0];
	_ =	sdelay $0x4  }
0x178: {  	[tilespmem:s26+$0x1C70] =	vst.add.f32.msk $0xffff, v1  }
0x179: {  	v1 =	vld [tilespmem:s25+$0x0];
	_ =	sdelay $0x4  }
0x17a: {  	[tilespmem:s26+$0x1C80] =	vst.add.f32.msk $0xffff, v1  }
0x17b: {  	v1 =	vld [tilespmem:s25+$0x10];
	_ =	sdelay $0x4  }
0x17c: {  	[tilespmem:s26+$0x1C90] =	vst.add.f32.msk $0xffff, v1  }
0x17d: {  	v1 =	vld [tilespmem:s25+$0x20];
	_ =	sdelay $0x4  }
0x17e: {  	[tilespmem:s26+$0x1CA0] =	vst.add.f32.msk $0xffff, v1  }
0x17f: {  	v1 =	vld [tilespmem:s25+$0x30];
	_ =	sdelay $0x4  }
0x180: {  	[tilespmem:s26+$0x1CB0] =	vst.add.f32.msk $0xffff, v1  }
0x181: {  	v1 =	vld [tilespmem:s25+$0x80];
	_ =	sdelay $0x4  }
0x182: {  	[tilespmem:s26+$0x1CC0] =	vst.add.f32.msk $0xffff, v1  }
0x183: {  	v1 =	vld [tilespmem:s25+$0x90];
	_ =	sdelay $0x4  }
0x184: {  	[tilespmem:s26+$0x1CD0] =	vst.add.f32.msk $0xffff, v1  }
0x185: {  	v1 =	vld [tilespmem:s25+$0xA0];
	_ =	sdelay $0x4  }
0x186: {  	[tilespmem:s26+$0x1CE0] =	vst.add.f32.msk $0xffff, v1  }
0x187: {  	v1 =	vld [tilespmem:s25+$0xB0];
	_ =	sdelay $0x4  }
0x188: {  	[tilespmem:s26+$0x1CF0] =	vst.add.f32.msk $0xffff, v1  }
0x189: {  	[tilespmem:s13], [sflag:$0x1] =	stream.indirect.gather [hbm4b:s5+s12], $0x80, s10, s12, $0xb8;
	[tilespmem:$0xFC00] =	vst v63  }
0x18a: {  	_ =	swait.ge [sflag:s18], $0x4000  }
0x18b: {  	[sflag:s18] =	ssyncset.done $0x0  }
0x18c: {  	s25 =	simm.s32 $0x7D00;
	[sflag:s18] =	ssyncadd.s32 $0xFFFFC000  }
0x18d: {  	s28 =	simm.s32 $0x400;
	s26 =	simm.s32 $0x0;
	v1 =	vld [tilespmem:s25+$0xFFFFFF00]  }
.LBB2_15:
0x18e: {  	p0 =	sne.s32 s28, $0x7C00;
	_ =	sdelay $0x2  }
0x18f: {  	s29 =	sshra.s32 s26, $0x2;
	s26 =	smov.u32 s28  }
0x190: {  	[tilespmem:s29+$0x1C00] =	vst.add.f32.msk $0xffff, v1  }
0x191: {  	v1 =	vld [tilespmem:s25+$0xFFFFFF10];
	_ =	sdelay $0x4  }
0x192: {  	[tilespmem:s29+$0x1C10] =	vst.add.f32.msk $0xffff, v1  }
0x193: {  	v1 =	vld [tilespmem:s25+$0xFFFFFF20];
	_ =	sdelay $0x4  }
0x194: {  	[tilespmem:s29+$0x1C20] =	vst.add.f32.msk $0xffff, v1  }
0x195: {  	v1 =	vld [tilespmem:s25+$0xFFFFFF30];
	_ =	sdelay $0x4  }
0x196: {  	[tilespmem:s29+$0x1C30] =	vst.add.f32.msk $0xffff, v1  }
0x197: {  	v1 =	vld [tilespmem:s25+$0xFFFFFF80];
	_ =	sdelay $0x4  }
0x198: {  	[tilespmem:s29+$0x1C40] =	vst.add.f32.msk $0xffff, v1  }
0x199: {  	v1 =	vld [tilespmem:s25+$0xFFFFFF90];
	_ =	sdelay $0x4  }
0x19a: {  	[tilespmem:s29+$0x1C50] =	vst.add.f32.msk $0xffff, v1  }
0x19b: {  	v1 =	vld [tilespmem:s25+$0xFFFFFFA0];
	_ =	sdelay $0x4  }
0x19c: {  	[tilespmem:s29+$0x1C60] =	vst.add.f32.msk $0xffff, v1  }
0x19d: {  	v1 =	vld [tilespmem:s25+$0xFFFFFFB0];
	_ =	sdelay $0x4  }
0x19e: {  	[tilespmem:s29+$0x1C70] =	vst.add.f32.msk $0xffff, v1  }
0x19f: {  	v1 =	vld [tilespmem:s25+$0x0];
	_ =	sdelay $0x4  }
0x1a0: {  	[tilespmem:s29+$0x1C80] =	vst.add.f32.msk $0xffff, v1  }
0x1a1: {  	v1 =	vld [tilespmem:s25+$0x10];
	_ =	sdelay $0x4  }
0x1a2: {  	[tilespmem:s29+$0x1C90] =	vst.add.f32.msk $0xffff, v1  }
0x1a3: {  	v1 =	vld [tilespmem:s25+$0x20];
	_ =	sdelay $0x4  }
0x1a4: {  	[tilespmem:s29+$0x1CA0] =	vst.add.f32.msk $0xffff, v1  }
0x1a5: {  	v1 =	vld [tilespmem:s25+$0x30];
	_ =	sdelay $0x4  }
0x1a6: {  	[tilespmem:s29+$0x1CB0] =	vst.add.f32.msk $0xffff, v1  }
0x1a7: {  	v1 =	vld [tilespmem:s25+$0x80];
	_ =	sdelay $0x4  }
0x1a8: {  	[tilespmem:s29+$0x1CC0] =	vst.add.f32.msk $0xffff, v1  }
0x1a9: {  	v1 =	vld [tilespmem:s25+$0x90];
	_ =	sdelay $0x4  }
0x1aa: {  	[tilespmem:s29+$0x1CD0] =	vst.add.f32.msk $0xffff, v1  }
0x1ab: {  	v1 =	vld [tilespmem:s25+$0xA0];
	_ =	sdelay $0x4  }
0x1ac: {  	[tilespmem:s29+$0x1CE0] =	vst.add.f32.msk $0xffff, v1  }
0x1ad: {  	v1 =	vld [tilespmem:s25+$0xB0];
	_ =	sdelay $0x1  }
.Ltmp6:
0x1ae: {  	(pc) =	sbr.rel @p0 .LBB2_15-.Ltmp6, $3  }
0x1af: {  	_ =	sdelay $0x1  }
0x1b0: {  	s25 =	sadd.s32 $0x200, s25;
	[tilespmem:s29+$0x1CF0] =	vst.add.f32.msk $0xffff, v1  }
0x1b1: {  	s28 =	sadd.s32 $0x400, s28;
	v1 =	vld [tilespmem:s25+$0xFFFFFF00]  }
0x1b2: {  	_ =	sdelay $0x2  }
0x1b3: {  	s26 =	sshra.s32 s26, $0x2  }
0x1b4: {  	[tilespmem:s26+$0x1C00] =	vst.add.f32.msk $0xffff, v1  }
0x1b5: {  	v1 =	vld [tilespmem:s25+$0xFFFFFF10];
	_ =	sdelay $0x4  }
0x1b6: {  	[tilespmem:s26+$0x1C10] =	vst.add.f32.msk $0xffff, v1  }
0x1b7: {  	v1 =	vld [tilespmem:s25+$0xFFFFFF20];
	_ =	sdelay $0x4  }
0x1b8: {  	[tilespmem:s26+$0x1C20] =	vst.add.f32.msk $0xffff, v1  }
0x1b9: {  	v1 =	vld [tilespmem:s25+$0xFFFFFF30];
	_ =	sdelay $0x4  }
0x1ba: {  	[tilespmem:s26+$0x1C30] =	vst.add.f32.msk $0xffff, v1  }
0x1bb: {  	v1 =	vld [tilespmem:s25+$0xFFFFFF80];
	_ =	sdelay $0x4  }
0x1bc: {  	[tilespmem:s26+$0x1C40] =	vst.add.f32.msk $0xffff, v1  }
0x1bd: {  	v1 =	vld [tilespmem:s25+$0xFFFFFF90];
	_ =	sdelay $0x4  }
0x1be: {  	[tilespmem:s26+$0x1C50] =	vst.add.f32.msk $0xffff, v1  }
0x1bf: {  	v1 =	vld [tilespmem:s25+$0xFFFFFFA0];
	_ =	sdelay $0x4  }
0x1c0: {  	[tilespmem:s26+$0x1C60] =	vst.add.f32.msk $0xffff, v1  }
0x1c1: {  	v1 =	vld [tilespmem:s25+$0xFFFFFFB0];
	_ =	sdelay $0x4  }
0x1c2: {  	[tilespmem:s26+$0x1C70] =	vst.add.f32.msk $0xffff, v1  }
0x1c3: {  	v1 =	vld [tilespmem:s25+$0x0];
	_ =	sdelay $0x4  }
0x1c4: {  	[tilespmem:s26+$0x1C80] =	vst.add.f32.msk $0xffff, v1  }
0x1c5: {  	v1 =	vld [tilespmem:s25+$0x10];
	_ =	sdelay $0x4  }
0x1c6: {  	[tilespmem:s26+$0x1C90] =	vst.add.f32.msk $0xffff, v1  }
0x1c7: {  	v1 =	vld [tilespmem:s25+$0x20];
	_ =	sdelay $0x4  }
0x1c8: {  	[tilespmem:s26+$0x1CA0] =	vst.add.f32.msk $0xffff, v1  }
0x1c9: {  	v1 =	vld [tilespmem:s25+$0x30];
	_ =	sdelay $0x4  }
0x1ca: {  	[tilespmem:s26+$0x1CB0] =	vst.add.f32.msk $0xffff, v1  }
0x1cb: {  	v1 =	vld [tilespmem:s25+$0x80];
	_ =	sdelay $0x4  }
0x1cc: {  	[tilespmem:s26+$0x1CC0] =	vst.add.f32.msk $0xffff, v1  }
0x1cd: {  	v1 =	vld [tilespmem:s25+$0x90];
	_ =	sdelay $0x4  }
0x1ce: {  	[tilespmem:s26+$0x1CD0] =	vst.add.f32.msk $0xffff, v1  }
0x1cf: {  	v1 =	vld [tilespmem:s25+$0xA0];
	_ =	sdelay $0x4  }
0x1d0: {  	[tilespmem:s26+$0x1CE0] =	vst.add.f32.msk $0xffff, v1  }
0x1d1: {  	v1 =	vld [tilespmem:s25+$0xB0];
	_ =	sdelay $0x4  }
0x1d2: {  	[tilespmem:s26+$0x1CF0] =	vst.add.f32.msk $0xffff, v1  }
0x1d3: {  	[tilespmem:s14], [sflag:$0x2] =	stream.indirect.gather [hbm4b:s5+s12], $0x80, s20, s12, $0xb8;
	[tilespmem:$0xFC00] =	vst v63  }
0x1d4: {  	_ =	swait.ge [sflag:s19], $0x4000  }
0x1d5: {  	[sflag:s19] =	ssyncset.done $0x0  }
0x1d6: {  	s25 =	simm.s32 $0xBD00;
	[sflag:s19] =	ssyncadd.s32 $0xFFFFC000  }
0x1d7: {  	s28 =	simm.s32 $0x400;
	s26 =	simm.s32 $0x0;
	v1 =	vld [tilespmem:s25+$0xFFFFFF00]  }
.LBB2_17:
0x1d8: {  	p0 =	sne.s32 s28, $0x7C00;
	_ =	sdelay $0x2  }
0x1d9: {  	s29 =	sshra.s32 s26, $0x2;
	s26 =	smov.u32 s28  }
0x1da: {  	[tilespmem:s29+$0x1C00] =	vst.add.f32.msk $0xffff, v1  }
0x1db: {  	v1 =	vld [tilespmem:s25+$0xFFFFFF10];
	_ =	sdelay $0x4  }
0x1dc: {  	[tilespmem:s29+$0x1C10] =	vst.add.f32.msk $0xffff, v1  }
0x1dd: {  	v1 =	vld [tilespmem:s25+$0xFFFFFF20];
	_ =	sdelay $0x4  }
0x1de: {  	[tilespmem:s29+$0x1C20] =	vst.add.f32.msk $0xffff, v1  }
0x1df: {  	v1 =	vld [tilespmem:s25+$0xFFFFFF30];
	_ =	sdelay $0x4  }
0x1e0: {  	[tilespmem:s29+$0x1C30] =	vst.add.f32.msk $0xffff, v1  }
0x1e1: {  	v1 =	vld [tilespmem:s25+$0xFFFFFF80];
	_ =	sdelay $0x4  }
0x1e2: {  	[tilespmem:s29+$0x1C40] =	vst.add.f32.msk $0xffff, v1  }
0x1e3: {  	v1 =	vld [tilespmem:s25+$0xFFFFFF90];
	_ =	sdelay $0x4  }
0x1e4: {  	[tilespmem:s29+$0x1C50] =	vst.add.f32.msk $0xffff, v1  }
0x1e5: {  	v1 =	vld [tilespmem:s25+$0xFFFFFFA0];
	_ =	sdelay $0x4  }
0x1e6: {  	[tilespmem:s29+$0x1C60] =	vst.add.f32.msk $0xffff, v1  }
0x1e7: {  	v1 =	vld [tilespmem:s25+$0xFFFFFFB0];
	_ =	sdelay $0x4  }
0x1e8: {  	[tilespmem:s29+$0x1C70] =	vst.add.f32.msk $0xffff, v1  }
0x1e9: {  	v1 =	vld [tilespmem:s25+$0x0];
	_ =	sdelay $0x4  }
0x1ea: {  	[tilespmem:s29+$0x1C80] =	vst.add.f32.msk $0xffff, v1  }
0x1eb: {  	v1 =	vld [tilespmem:s25+$0x10];
	_ =	sdelay $0x4  }
0x1ec: {  	[tilespmem:s29+$0x1C90] =	vst.add.f32.msk $0xffff, v1  }
0x1ed: {  	v1 =	vld [tilespmem:s25+$0x20];
	_ =	sdelay $0x4  }
0x1ee: {  	[tilespmem:s29+$0x1CA0] =	vst.add.f32.msk $0xffff, v1  }
0x1ef: {  	v1 =	vld [tilespmem:s25+$0x30];
	_ =	sdelay $0x4  }
0x1f0: {  	[tilespmem:s29+$0x1CB0] =	vst.add.f32.msk $0xffff, v1  }
0x1f1: {  	v1 =	vld [tilespmem:s25+$0x80];
	_ =	sdelay $0x4  }
0x1f2: {  	[tilespmem:s29+$0x1CC0] =	vst.add.f32.msk $0xffff, v1  }
0x1f3: {  	v1 =	vld [tilespmem:s25+$0x90];
	_ =	sdelay $0x4  }
0x1f4: {  	[tilespmem:s29+$0x1CD0] =	vst.add.f32.msk $0xffff, v1  }
0x1f5: {  	v1 =	vld [tilespmem:s25+$0xA0];
	_ =	sdelay $0x4  }
0x1f6: {  	[tilespmem:s29+$0x1CE0] =	vst.add.f32.msk $0xffff, v1  }
0x1f7: {  	v1 =	vld [tilespmem:s25+$0xB0];
	_ =	sdelay $0x1  }
.Ltmp7:
0x1f8: {  	(pc) =	sbr.rel @p0 .LBB2_17-.Ltmp7, $3  }
0x1f9: {  	_ =	sdelay $0x1  }
0x1fa: {  	s25 =	sadd.s32 $0x200, s25;
	[tilespmem:s29+$0x1CF0] =	vst.add.f32.msk $0xffff, v1  }
0x1fb: {  	s28 =	sadd.s32 $0x400, s28;
	v1 =	vld [tilespmem:s25+$0xFFFFFF00]  }
0x1fc: {  	_ =	sdelay $0x2  }
0x1fd: {  	s26 =	sshra.s32 s26, $0x2  }
0x1fe: {  	[tilespmem:s26+$0x1C00] =	vst.add.f32.msk $0xffff, v1  }
0x1ff: {  	v1 =	vld [tilespmem:s25+$0xFFFFFF10];
	_ =	sdelay $0x4  }
0x200: {  	[tilespmem:s26+$0x1C10] =	vst.add.f32.msk $0xffff, v1  }
0x201: {  	v1 =	vld [tilespmem:s25+$0xFFFFFF20];
	_ =	sdelay $0x4  }
0x202: {  	[tilespmem:s26+$0x1C20] =	vst.add.f32.msk $0xffff, v1  }
0x203: {  	v1 =	vld [tilespmem:s25+$0xFFFFFF30];
	_ =	sdelay $0x4  }
0x204: {  	[tilespmem:s26+$0x1C30] =	vst.add.f32.msk $0xffff, v1  }
0x205: {  	v1 =	vld [tilespmem:s25+$0xFFFFFF80];
	_ =	sdelay $0x4  }
0x206: {  	[tilespmem:s26+$0x1C40] =	vst.add.f32.msk $0xffff, v1  }
0x207: {  	v1 =	vld [tilespmem:s25+$0xFFFFFF90];
	_ =	sdelay $0x4  }
0x208: {  	[tilespmem:s26+$0x1C50] =	vst.add.f32.msk $0xffff, v1  }
0x209: {  	v1 =	vld [tilespmem:s25+$0xFFFFFFA0];
	_ =	sdelay $0x4  }
0x20a: {  	[tilespmem:s26+$0x1C60] =	vst.add.f32.msk $0xffff, v1  }
0x20b: {  	v1 =	vld [tilespmem:s25+$0xFFFFFFB0];
	_ =	sdelay $0x4  }
0x20c: {  	[tilespmem:s26+$0x1C70] =	vst.add.f32.msk $0xffff, v1  }
0x20d: {  	v1 =	vld [tilespmem:s25+$0x0];
	_ =	sdelay $0x4  }
0x20e: {  	[tilespmem:s26+$0x1C80] =	vst.add.f32.msk $0xffff, v1  }
0x20f: {  	v1 =	vld [tilespmem:s25+$0x10];
	_ =	sdelay $0x4  }
0x210: {  	[tilespmem:s26+$0x1C90] =	vst.add.f32.msk $0xffff, v1  }
0x211: {  	v1 =	vld [tilespmem:s25+$0x20];
	_ =	sdelay $0x4  }
0x212: {  	[tilespmem:s26+$0x1CA0] =	vst.add.f32.msk $0xffff, v1  }
0x213: {  	v1 =	vld [tilespmem:s25+$0x30];
	_ =	sdelay $0x4  }
0x214: {  	[tilespmem:s26+$0x1CB0] =	vst.add.f32.msk $0xffff, v1  }
0x215: {  	v1 =	vld [tilespmem:s25+$0x80];
	_ =	sdelay $0x4  }
0x216: {  	[tilespmem:s26+$0x1CC0] =	vst.add.f32.msk $0xffff, v1  }
0x217: {  	v1 =	vld [tilespmem:s25+$0x90];
	_ =	sdelay $0x4  }
0x218: {  	[tilespmem:s26+$0x1CD0] =	vst.add.f32.msk $0xffff, v1  }
0x219: {  	v1 =	vld [tilespmem:s25+$0xA0];
	_ =	sdelay $0x4  }
0x21a: {  	[tilespmem:s26+$0x1CE0] =	vst.add.f32.msk $0xffff, v1  }
0x21b: {  	v1 =	vld [tilespmem:s25+$0xB0];
	_ =	sdelay $0x4  }
0x21c: {  	[tilespmem:s26+$0x1CF0] =	vst.add.f32.msk $0xffff, v1  }
0x21d: {  	_ =	swait.ge [sflag:s17], $0x4000  }
0x21e: {  	[sflag:s17] =	ssyncset.done $0x0  }
0x21f: {  	s25 =	simm.s32 $0x3D00;
	[sflag:s17] =	ssyncadd.s32 $0xFFFFC000  }
0x220: {  	s28 =	simm.s32 $0x400;
	s26 =	simm.s32 $0x0;
	v1 =	vld [tilespmem:s25+$0xFFFFFF00]  }
.LBB2_19:
0x221: {  	p0 =	sne.s32 s28, $0x7C00;
	_ =	sdelay $0x2  }
0x222: {  	s29 =	sshra.s32 s26, $0x2;
	s26 =	smov.u32 s28  }
0x223: {  	[tilespmem:s29+$0x1C00] =	vst.add.f32.msk $0xffff, v1  }
0x224: {  	v1 =	vld [tilespmem:s25+$0xFFFFFF10];
	_ =	sdelay $0x4  }
0x225: {  	[tilespmem:s29+$0x1C10] =	vst.add.f32.msk $0xffff, v1  }
0x226: {  	v1 =	vld [tilespmem:s25+$0xFFFFFF20];
	_ =	sdelay $0x4  }
0x227: {  	[tilespmem:s29+$0x1C20] =	vst.add.f32.msk $0xffff, v1  }
0x228: {  	v1 =	vld [tilespmem:s25+$0xFFFFFF30];
	_ =	sdelay $0x4  }
0x229: {  	[tilespmem:s29+$0x1C30] =	vst.add.f32.msk $0xffff, v1  }
0x22a: {  	v1 =	vld [tilespmem:s25+$0xFFFFFF80];
	_ =	sdelay $0x4  }
0x22b: {  	[tilespmem:s29+$0x1C40] =	vst.add.f32.msk $0xffff, v1  }
0x22c: {  	v1 =	vld [tilespmem:s25+$0xFFFFFF90];
	_ =	sdelay $0x4  }
0x22d: {  	[tilespmem:s29+$0x1C50] =	vst.add.f32.msk $0xffff, v1  }
0x22e: {  	v1 =	vld [tilespmem:s25+$0xFFFFFFA0];
	_ =	sdelay $0x4  }
0x22f: {  	[tilespmem:s29+$0x1C60] =	vst.add.f32.msk $0xffff, v1  }
0x230: {  	v1 =	vld [tilespmem:s25+$0xFFFFFFB0];
	_ =	sdelay $0x4  }
0x231: {  	[tilespmem:s29+$0x1C70] =	vst.add.f32.msk $0xffff, v1  }
0x232: {  	v1 =	vld [tilespmem:s25+$0x0];
	_ =	sdelay $0x4  }
0x233: {  	[tilespmem:s29+$0x1C80] =	vst.add.f32.msk $0xffff, v1  }
0x234: {  	v1 =	vld [tilespmem:s25+$0x10];
	_ =	sdelay $0x4  }
0x235: {  	[tilespmem:s29+$0x1C90] =	vst.add.f32.msk $0xffff, v1  }
0x236: {  	v1 =	vld [tilespmem:s25+$0x20];
	_ =	sdelay $0x4  }
0x237: {  	[tilespmem:s29+$0x1CA0] =	vst.add.f32.msk $0xffff, v1  }
0x238: {  	v1 =	vld [tilespmem:s25+$0x30];
	_ =	sdelay $0x4  }
0x239: {  	[tilespmem:s29+$0x1CB0] =	vst.add.f32.msk $0xffff, v1  }
0x23a: {  	v1 =	vld [tilespmem:s25+$0x80];
	_ =	sdelay $0x4  }
0x23b: {  	[tilespmem:s29+$0x1CC0] =	vst.add.f32.msk $0xffff, v1  }
0x23c: {  	v1 =	vld [tilespmem:s25+$0x90];
	_ =	sdelay $0x4  }
0x23d: {  	[tilespmem:s29+$0x1CD0] =	vst.add.f32.msk $0xffff, v1  }
0x23e: {  	v1 =	vld [tilespmem:s25+$0xA0];
	_ =	sdelay $0x4  }
0x23f: {  	[tilespmem:s29+$0x1CE0] =	vst.add.f32.msk $0xffff, v1  }
0x240: {  	v1 =	vld [tilespmem:s25+$0xB0];
	_ =	sdelay $0x1  }
.Ltmp8:
0x241: {  	(pc) =	sbr.rel @p0 .LBB2_19-.Ltmp8, $3  }
0x242: {  	_ =	sdelay $0x1  }
0x243: {  	s25 =	sadd.s32 $0x200, s25;
	[tilespmem:s29+$0x1CF0] =	vst.add.f32.msk $0xffff, v1  }
0x244: {  	s28 =	sadd.s32 $0x400, s28;
	v1 =	vld [tilespmem:s25+$0xFFFFFF00]  }
0x245: {  	_ =	sdelay $0x2  }
0x246: {  	s26 =	sshra.s32 s26, $0x2  }
0x247: {  	[tilespmem:s26+$0x1C00] =	vst.add.f32.msk $0xffff, v1  }
0x248: {  	v1 =	vld [tilespmem:s25+$0xFFFFFF10];
	_ =	sdelay $0x4  }
0x249: {  	[tilespmem:s26+$0x1C10] =	vst.add.f32.msk $0xffff, v1  }
0x24a: {  	v1 =	vld [tilespmem:s25+$0xFFFFFF20];
	_ =	sdelay $0x4  }
0x24b: {  	[tilespmem:s26+$0x1C20] =	vst.add.f32.msk $0xffff, v1  }
0x24c: {  	v1 =	vld [tilespmem:s25+$0xFFFFFF30];
	_ =	sdelay $0x4  }
0x24d: {  	[tilespmem:s26+$0x1C30] =	vst.add.f32.msk $0xffff, v1  }
0x24e: {  	v1 =	vld [tilespmem:s25+$0xFFFFFF80];
	_ =	sdelay $0x4  }
0x24f: {  	[tilespmem:s26+$0x1C40] =	vst.add.f32.msk $0xffff, v1  }
0x250: {  	v1 =	vld [tilespmem:s25+$0xFFFFFF90];
	_ =	sdelay $0x4  }
0x251: {  	[tilespmem:s26+$0x1C50] =	vst.add.f32.msk $0xffff, v1  }
0x252: {  	v1 =	vld [tilespmem:s25+$0xFFFFFFA0];
	_ =	sdelay $0x4  }
0x253: {  	[tilespmem:s26+$0x1C60] =	vst.add.f32.msk $0xffff, v1  }
0x254: {  	v1 =	vld [tilespmem:s25+$0xFFFFFFB0];
	_ =	sdelay $0x4  }
0x255: {  	[tilespmem:s26+$0x1C70] =	vst.add.f32.msk $0xffff, v1  }
0x256: {  	v1 =	vld [tilespmem:s25+$0x0];
	_ =	sdelay $0x4  }
0x257: {  	[tilespmem:s26+$0x1C80] =	vst.add.f32.msk $0xffff, v1  }
0x258: {  	v1 =	vld [tilespmem:s25+$0x10];
	_ =	sdelay $0x4  }
0x259: {  	[tilespmem:s26+$0x1C90] =	vst.add.f32.msk $0xffff, v1  }
0x25a: {  	v1 =	vld [tilespmem:s25+$0x20];
	_ =	sdelay $0x4  }
0x25b: {  	[tilespmem:s26+$0x1CA0] =	vst.add.f32.msk $0xffff, v1  }
0x25c: {  	v1 =	vld [tilespmem:s25+$0x30];
	_ =	sdelay $0x4  }
0x25d: {  	[tilespmem:s26+$0x1CB0] =	vst.add.f32.msk $0xffff, v1  }
0x25e: {  	v1 =	vld [tilespmem:s25+$0x80];
	_ =	sdelay $0x4  }
0x25f: {  	[tilespmem:s26+$0x1CC0] =	vst.add.f32.msk $0xffff, v1  }
0x260: {  	v1 =	vld [tilespmem:s25+$0x90];
	_ =	sdelay $0x4  }
0x261: {  	[tilespmem:s26+$0x1CD0] =	vst.add.f32.msk $0xffff, v1  }
0x262: {  	v1 =	vld [tilespmem:s25+$0xA0];
	_ =	sdelay $0x4  }
0x263: {  	[tilespmem:s26+$0x1CE0] =	vst.add.f32.msk $0xffff, v1  }
0x264: {  	v1 =	vld [tilespmem:s25+$0xB0];
	_ =	sdelay $0x4  }
0x265: {  	[tilespmem:s26+$0x1CF0] =	vst.add.f32.msk $0xffff, v1  }
0x266: {  	_ =	swait.ge [sflag:s18], $0x4000  }
0x267: {  	[sflag:s18] =	ssyncset.done $0x0  }
0x268: {  	s25 =	simm.s32 $0x7D00;
	[sflag:s18] =	ssyncadd.s32 $0xFFFFC000  }
0x269: {  	s28 =	simm.s32 $0x400;
	s26 =	simm.s32 $0x0;
	v1 =	vld [tilespmem:s25+$0xFFFFFF00]  }
.LBB2_21:
0x26a: {  	p0 =	sne.s32 s28, $0x7C00;
	_ =	sdelay $0x2  }
0x26b: {  	s29 =	sshra.s32 s26, $0x2;
	s26 =	smov.u32 s28  }
0x26c: {  	[tilespmem:s29+$0x1C00] =	vst.add.f32.msk $0xffff, v1  }
0x26d: {  	v1 =	vld [tilespmem:s25+$0xFFFFFF10];
	_ =	sdelay $0x4  }
0x26e: {  	[tilespmem:s29+$0x1C10] =	vst.add.f32.msk $0xffff, v1  }
0x26f: {  	v1 =	vld [tilespmem:s25+$0xFFFFFF20];
	_ =	sdelay $0x4  }
0x270: {  	[tilespmem:s29+$0x1C20] =	vst.add.f32.msk $0xffff, v1  }
0x271: {  	v1 =	vld [tilespmem:s25+$0xFFFFFF30];
	_ =	sdelay $0x4  }
0x272: {  	[tilespmem:s29+$0x1C30] =	vst.add.f32.msk $0xffff, v1  }
0x273: {  	v1 =	vld [tilespmem:s25+$0xFFFFFF80];
	_ =	sdelay $0x4  }
0x274: {  	[tilespmem:s29+$0x1C40] =	vst.add.f32.msk $0xffff, v1  }
0x275: {  	v1 =	vld [tilespmem:s25+$0xFFFFFF90];
	_ =	sdelay $0x4  }
0x276: {  	[tilespmem:s29+$0x1C50] =	vst.add.f32.msk $0xffff, v1  }
0x277: {  	v1 =	vld [tilespmem:s25+$0xFFFFFFA0];
	_ =	sdelay $0x4  }
0x278: {  	[tilespmem:s29+$0x1C60] =	vst.add.f32.msk $0xffff, v1  }
0x279: {  	v1 =	vld [tilespmem:s25+$0xFFFFFFB0];
	_ =	sdelay $0x4  }
0x27a: {  	[tilespmem:s29+$0x1C70] =	vst.add.f32.msk $0xffff, v1  }
0x27b: {  	v1 =	vld [tilespmem:s25+$0x0];
	_ =	sdelay $0x4  }
0x27c: {  	[tilespmem:s29+$0x1C80] =	vst.add.f32.msk $0xffff, v1  }
0x27d: {  	v1 =	vld [tilespmem:s25+$0x10];
	_ =	sdelay $0x4  }
0x27e: {  	[tilespmem:s29+$0x1C90] =	vst.add.f32.msk $0xffff, v1  }
0x27f: {  	v1 =	vld [tilespmem:s25+$0x20];
	_ =	sdelay $0x4  }
0x280: {  	[tilespmem:s29+$0x1CA0] =	vst.add.f32.msk $0xffff, v1  }
0x281: {  	v1 =	vld [tilespmem:s25+$0x30];
	_ =	sdelay $0x4  }
0x282: {  	[tilespmem:s29+$0x1CB0] =	vst.add.f32.msk $0xffff, v1  }
0x283: {  	v1 =	vld [tilespmem:s25+$0x80];
	_ =	sdelay $0x4  }
0x284: {  	[tilespmem:s29+$0x1CC0] =	vst.add.f32.msk $0xffff, v1  }
0x285: {  	v1 =	vld [tilespmem:s25+$0x90];
	_ =	sdelay $0x4  }
0x286: {  	[tilespmem:s29+$0x1CD0] =	vst.add.f32.msk $0xffff, v1  }
0x287: {  	v1 =	vld [tilespmem:s25+$0xA0];
	_ =	sdelay $0x4  }
0x288: {  	[tilespmem:s29+$0x1CE0] =	vst.add.f32.msk $0xffff, v1  }
0x289: {  	v1 =	vld [tilespmem:s25+$0xB0];
	_ =	sdelay $0x1  }
.Ltmp9:
0x28a: {  	(pc) =	sbr.rel @p0 .LBB2_21-.Ltmp9, $3  }
0x28b: {  	_ =	sdelay $0x1  }
0x28c: {  	s25 =	sadd.s32 $0x200, s25;
	[tilespmem:s29+$0x1CF0] =	vst.add.f32.msk $0xffff, v1  }
0x28d: {  	s28 =	sadd.s32 $0x400, s28;
	v1 =	vld [tilespmem:s25+$0xFFFFFF00]  }
0x28e: {  	_ =	sdelay $0x2  }
0x28f: {  	s26 =	sshra.s32 s26, $0x2  }
0x290: {  	[tilespmem:s26+$0x1C00] =	vst.add.f32.msk $0xffff, v1  }
0x291: {  	v1 =	vld [tilespmem:s25+$0xFFFFFF10];
	_ =	sdelay $0x4  }
0x292: {  	[tilespmem:s26+$0x1C10] =	vst.add.f32.msk $0xffff, v1  }
0x293: {  	v1 =	vld [tilespmem:s25+$0xFFFFFF20];
	_ =	sdelay $0x4  }
0x294: {  	[tilespmem:s26+$0x1C20] =	vst.add.f32.msk $0xffff, v1  }
0x295: {  	v1 =	vld [tilespmem:s25+$0xFFFFFF30];
	_ =	sdelay $0x4  }
0x296: {  	[tilespmem:s26+$0x1C30] =	vst.add.f32.msk $0xffff, v1  }
0x297: {  	v1 =	vld [tilespmem:s25+$0xFFFFFF80];
	_ =	sdelay $0x4  }
0x298: {  	[tilespmem:s26+$0x1C40] =	vst.add.f32.msk $0xffff, v1  }
0x299: {  	v1 =	vld [tilespmem:s25+$0xFFFFFF90];
	_ =	sdelay $0x4  }
0x29a: {  	[tilespmem:s26+$0x1C50] =	vst.add.f32.msk $0xffff, v1  }
0x29b: {  	v1 =	vld [tilespmem:s25+$0xFFFFFFA0];
	_ =	sdelay $0x4  }
0x29c: {  	[tilespmem:s26+$0x1C60] =	vst.add.f32.msk $0xffff, v1  }
0x29d: {  	v1 =	vld [tilespmem:s25+$0xFFFFFFB0];
	_ =	sdelay $0x4  }
0x29e: {  	[tilespmem:s26+$0x1C70] =	vst.add.f32.msk $0xffff, v1  }
0x29f: {  	v1 =	vld [tilespmem:s25+$0x0];
	_ =	sdelay $0x4  }
0x2a0: {  	[tilespmem:s26+$0x1C80] =	vst.add.f32.msk $0xffff, v1  }
0x2a1: {  	v1 =	vld [tilespmem:s25+$0x10];
	_ =	sdelay $0x4  }
0x2a2: {  	[tilespmem:s26+$0x1C90] =	vst.add.f32.msk $0xffff, v1  }
0x2a3: {  	v1 =	vld [tilespmem:s25+$0x20];
	_ =	sdelay $0x4  }
0x2a4: {  	[tilespmem:s26+$0x1CA0] =	vst.add.f32.msk $0xffff, v1  }
0x2a5: {  	v1 =	vld [tilespmem:s25+$0x30];
	_ =	sdelay $0x4  }
0x2a6: {  	[tilespmem:s26+$0x1CB0] =	vst.add.f32.msk $0xffff, v1  }
0x2a7: {  	v1 =	vld [tilespmem:s25+$0x80];
	_ =	sdelay $0x4  }
0x2a8: {  	[tilespmem:s26+$0x1CC0] =	vst.add.f32.msk $0xffff, v1  }
0x2a9: {  	v1 =	vld [tilespmem:s25+$0x90];
	_ =	sdelay $0x4  }
0x2aa: {  	[tilespmem:s26+$0x1CD0] =	vst.add.f32.msk $0xffff, v1  }
0x2ab: {  	v1 =	vld [tilespmem:s25+$0xA0];
	_ =	sdelay $0x4  }
0x2ac: {  	[tilespmem:s26+$0x1CE0] =	vst.add.f32.msk $0xffff, v1  }
0x2ad: {  	v1 =	vld [tilespmem:s25+$0xB0];
	_ =	sdelay $0x2  }
0x2ae: {  	s23 =	sadd.s32 $0x1, s23  }
0x2af: {  	s24 =	sshll.u32 s24, $0xA;
	p0 =	sne.s32 s23, $0x4  }
.Ltmp10:
0x2b0: {  	s24 =	sadd.s32 s2, s24;
	[tilespmem:s26+$0x1CF0] =	vst.add.f32.msk $0xffff, v1;
	(pc) =	sbr.rel @p0 .LBB2_2-.Ltmp10, $4  }
0x2b1: {  	[hbm4b:s24+s3] =	stream.linear.scatter [tilespmem:s21], [sflag:$0x4], $0x2000, $0x38;
	[tilespmem:$0xFC00] =	vst v63  }
0x2b2: {  	_ =	swait.ge [sflag:s11], $0x2000  }
0x2b3: {  	[sflag:s11] =	ssyncset.done $0x0  }
0x2b4: {  	[sflag:s11] =	ssyncadd.s32 $0xFFFFE000  }
0x2b5: {  	s22 =	sadd.s32 $0x1, s22  }
0x2b6: {  	p0 =	sne.s32 s22, s7  }
.Ltmp11:
0x2b7: {  	_ = 	snop;
	(pc) =	sbr.rel @p0 .LBB2_1-.Ltmp11, $1  }
0x2b8: {  	_ =	sdelay $0x3  }
0x2b9: {  	_ =	sfence.sel $0x180000  }
0x2ba: {  	[bflag:$0x0] =	sbarrier.arrive $0xFFFF  }
0x2bb: {  	p0 =	sne.s32 s4, $0x0;
	_ =	strace $0x90000047  }
0x2bc: {  	s0 =	sadd.s32 @!p0 $0x100000, s0;
	[bflag:$0x2] =	sbarrier.arrive $0xFFFF  }
0x2bd: {  	[sflag:s0] =	ssyncadd.tile.s32 @!p0 $0x1;
	_ =	shalt  }
.Lfunc_end2:
_tile_overlayer_lowered:
.L_overlay_start_2:
0x2be: {  	(tag) =	ssettag $0x2  }
0x2bf: {  	s0 =	rddreg [dreg:$0x0];
	s2 =	stileid.u32  }
0x2c0: {  	s1 =	rddreg [dreg:$0x1];
	p0 =	sne.s32 s2, $0x0  }
0x2c1: {  	s3 =	rddreg [dreg:$0x2];
	[bflag:$0x3] =	sbarrier.arrive $0xFFFF;
	s2 =	simm.s32 @!p0 $0x1C04  }
0x2c2: {  	[timem:s3], [sflag:s2] =	dma.local @!p0 [hbm:s0], s1  }
0x2c3: {  	s0 =	simm.s32 @!p0 $0x4  }
0x2c4: {  	_ =	swait.ge @!p0 [sflag:s0], s1  }
0x2c5: {  	s1 =	ssub.s32 @!p0 $0x0, s1;
	[sflag:s0] =	ssyncset.done @!p0 $0x0  }
0x2c6: {  	[sflag:s0] =	ssyncadd.s32 @!p0 s1  }
0x2c7: {  	[bflag:$0x3] =	sbarrier.arrive $0xFFFF  }
0x2c8: {  	_ =	shalt  }

</sc_bundles>
